<compile_context>
chip_gen: v7x
topology: tpu7x:2x2x1
jax: 0.10.2.dev20260603
libtpu: 0.0.44.dev20260713+nightly
codegen_flags: <defaults>
</compile_context>

<pallas_src>
import functools

import jax
import jax.numpy as jnp
from jax import lax
from jax.experimental import pallas as pl
from jax.experimental.pallas import tpu as pltpu
from jax.experimental.pallas import tpu_sc as plsc

B, S, H = 4, 4096, 2048
TOP_K = 1024
ROW_BLK = 1024

NC, NS, L = 2, 16, 16
VPB = S // L
NBIN = 2048
CHUNK = 16
RPT = TOP_K // NS
NCH = 2 * RPT // CHUNK
HL = H // L


def _logits_body(x_ref, w_ref, out_ref):
    out_ref[...] = jax.lax.dot_general(
        x_ref[...], w_ref[...],
        dimension_numbers=(((1,), (0,)), ((), ())),
    )


def _logits(x2d, w_pad):
    n_rows = x2d.shape[0]
    return pl.pallas_call(
        _logits_body,
        grid=(n_rows // ROW_BLK,),
        in_specs=[
            pl.BlockSpec((ROW_BLK, H), lambda i: (i, 0)),
            pl.BlockSpec((H, 128), lambda i: (0, 0)),
        ],
        out_specs=pl.BlockSpec((ROW_BLK, 128), lambda i: (i, 0)),
        out_shape=jax.ShapeDtypeStruct((n_rows, 128), jnp.float32),
    )(x2d, w_pad)


def _sc_body(logits_hbm, x_hbm, out_hbm,
             lg, keyA, keyB, valA, valB, cnt, sums, binoff, wsel,
             my_idx, my_w, wexp, rowbuf, spidx, spw,
             sem_i0, sem_i1, sem_o0, sem_o1):
    c = lax.axis_index("c")
    s = lax.axis_index("s")
    lane = lax.iota(jnp.int32, L)
    l_vpb = lane * VPB

    @pl.when(s < 2)
    def _sort():
        b = 2 * c + s
        pltpu.sync_copy(logits_hbm.at[b], lg)

        @plsc.parallel_loop(0, VPB, unroll=4)
        def _mkkey(t):
            v = lg[pl.ds(t * L, L)]
            i = lax.bitcast_convert_type(v, jnp.int32)
            sgn = lax.shift_right_arithmetic(i, 31) & 0x7FFFFFFF
            keyA[pl.ds(t * L, L)] = (i ^ sgn) ^ 0x7FFFFFFF

        key_refs = (keyA, keyB)
        val_refs = (valA, valB)
        for p in range(3):
            kin, kout = key_refs[p % 2], key_refs[(p + 1) % 2]
            vin, vout = val_refs[p % 2], val_refs[(p + 1) % 2]
            shift = 11 * p
            dmask = 0x3FF if p == 2 else 0x7FF

            @plsc.parallel_loop(0, NBIN // L, unroll=4)
            def _zero(i):
                cnt[pl.ds(i * L, L)] = jnp.zeros((L,), jnp.int32)

            def _hist(t, _):
                for u in range(2):
                    k = kin[pl.ds((t * 2 + u) * L, L)]
                    d = lax.shift_right_logical(k, shift) & dmask
                    rank, last = plsc.scan_count(d)
                    plsc.addupdate_scatter(cnt, [d], rank, mask=last)
                return 0
            lax.fori_loop(0, VPB // 2, _hist, 0)

            @plsc.parallel_loop(0, NBIN // L, unroll=2)
            def _sum(g):
                sums[g] = jnp.sum(cnt[pl.ds(g * L, L)])

            def _scan(g, carry):
                v = sums[g]
                binoff[g] = carry
                return carry + v
            lax.fori_loop(0, NBIN // L, _scan, jnp.int32(0))

            def _excl(g, _):
                cv = cnt[pl.ds(g * L, L)]
                cnt[pl.ds(g * L, L)] = plsc.cumsum(cv) - cv + binoff[g]
                return 0
            lax.fori_loop(0, NBIN // L, _excl, 0)

            def _perm(t, _):
                for u in range(2):
                    tt = t * 2 + u
                    k = kin[pl.ds(tt * L, L)]
                    if p == 0:
                        v = tt * L + lane
                    else:
                        v = vin[pl.ds(tt * L, L)]
                    d = lax.shift_right_logical(k, shift) & dmask
                    rank, last = plsc.scan_count(d)
                    base = plsc.load_gather(cnt, [d])
                    pos = base + rank - 1
                    plsc.store_scatter(cnt, [d], pos + 1, mask=last)
                    plsc.store_scatter(kout, [pos], k)
                    plsc.store_scatter(vout, [pos], v)
                return 0
            lax.fori_loop(0, VPB // 2, _perm, 0)

        @plsc.parallel_loop(0, TOP_K // L, unroll=4)
        def _wsel(j):
            vidx = valB[pl.ds(j * L, L)]
            wsel[pl.ds(j * L, L)] = plsc.load_gather(lg, [vidx])

        pltpu.sync_copy(valB.at[pl.ds(0, TOP_K)], spidx.at[s])
        pltpu.sync_copy(wsel, spw.at[s])

    plsc.subcore_barrier()

    for lb in range(2):
        pltpu.sync_copy(spidx.at[lb, pl.ds(RPT * s, RPT)],
                        my_idx.at[pl.ds(lb * RPT, RPT)])
        pltpu.sync_copy(spw.at[lb, pl.ds(RPT * s, RPT)],
                        my_w.at[pl.ds(lb * RPT, RPT)])

    @plsc.parallel_loop(0, 2 * RPT, unroll=4)
    def _wexp(r):
        wv = plsc.load_gather(my_w, [jnp.broadcast_to(r, (L,))])
        wexp[pl.ds(r * L, L)] = wv

    sems_i = (sem_i0, sem_i1)
    sems_o = (sem_o0, sem_o1)

    def _start_in(ch):
        bi = ch % 2
        b = 2 * c + (ch // (NCH // 2))
        return pltpu.async_copy(
            x_hbm.at[b].at[my_idx.at[pl.ds(ch * CHUNK, CHUNK)]],
            rowbuf.at[bi], sems_i[bi])

    def _start_out(ch):
        bi = ch % 2
        b = 2 * c + (ch // (NCH // 2))
        r0 = RPT * s + (ch % (NCH // 2)) * CHUNK
        return pltpu.async_copy(rowbuf.at[bi], out_hbm.at[b, pl.ds(r0, CHUNK)],
                                sems_o[bi])

    cp_in = [None, None]
    cp_out = [None, None]
    cp_in[0] = _start_in(0)
    for ch in range(NCH):
        bi = ch % 2
        if ch + 1 < NCH:
            if cp_out[1 - bi] is not None:
                cp_out[1 - bi].wait()
                cp_out[1 - bi] = None
            cp_in[1 - bi] = _start_in(ch + 1)
        cp_in[bi].wait()

        @plsc.parallel_loop(0, CHUNK * HL, unroll=8)
        def _scale(i):
            r = lax.shift_right_logical(i, 7)
            hh = i & (HL - 1)
            wv = wexp[pl.ds((ch * CHUNK + r) * L, L)]
            rowbuf[bi, r, pl.ds(hh * L, L)] = rowbuf[bi, r, pl.ds(hh * L, L)] * wv

        cp_out[bi] = _start_out(ch)
    cp_out[0].wait()
    cp_out[1].wait()


def _sc_topk_gather(logits, x):
    mesh = plsc.VectorSubcoreMesh(core_axis_name="c", subcore_axis_name="s",
                                  num_cores=NC, num_subcores=NS)
    f = functools.partial(
        pl.kernel,
        out_type=jax.ShapeDtypeStruct((B, TOP_K, H), jnp.float32),
        mesh=mesh,
        scratch_types=[
            pltpu.VMEM((S,), jnp.float32),
            pltpu.VMEM((S,), jnp.int32),
            pltpu.VMEM((S,), jnp.int32),
            pltpu.VMEM((S,), jnp.int32),
            pltpu.VMEM((S,), jnp.int32),
            pltpu.VMEM((NBIN,), jnp.int32),
            pltpu.SMEM((NBIN // L,), jnp.int32),
            pltpu.SMEM((NBIN // L,), jnp.int32),
            pltpu.VMEM((TOP_K,), jnp.float32),
            pltpu.VMEM((2 * RPT,), jnp.int32),
            pltpu.VMEM((2 * RPT,), jnp.float32),
            pltpu.VMEM((2 * RPT * L,), jnp.float32),
            pltpu.VMEM((2, CHUNK, H), jnp.float32),
            pltpu.VMEM_SHARED((2, TOP_K), jnp.int32),
            pltpu.VMEM_SHARED((2, TOP_K), jnp.float32),
            pltpu.SemaphoreType.DMA,
            pltpu.SemaphoreType.DMA,
            pltpu.SemaphoreType.DMA,
            pltpu.SemaphoreType.DMA,
        ],
        compiler_params=pltpu.CompilerParams(needs_layout_passes=False),
    )(_sc_body)
    return f(logits, x)


def kernel(image_features, router_w, router_b):
    x2d = image_features.reshape(B * S, H)
    w_pad = jnp.zeros((H, 128), jnp.float32).at[:, 0].set(router_w[0])
    logits = _logits(x2d, w_pad)[:, 0].reshape(B, S) + router_b[0]
    return _sc_topk_gather(logits, image_features)

# --- scband reference (transcript-rebuilt; emitter-appended) ---
"""Pipeline reference for scband-linear-router-31963146617524 (READ-ONLY COPY).

The authoritative reference and input builder live on the scoring server;
editing this copy changes nothing except your own understanding.
"""

import jax, jax.numpy as jnp
import numpy as np

B, S, H = 4, 4096, 2048
TOP_K = 1024

def setup_inputs(seed: int = 0) -> dict:
    key = jax.random.key(seed)
    k1, k2, k3 = jax.random.split(key, 3)
    image_features = jax.random.normal(k1, (B, S, H), dtype=jnp.float32)
    # router: nn.Linear(hidden_size, 1) -> weight [1, H], bias [1]
    bound = 1.0 / np.sqrt(H)
    router_w = jax.random.uniform(k2, (1, H), dtype=jnp.float32, minval=-bound, maxval=bound)
    router_b = jax.random.uniform(k3, (1,), dtype=jnp.float32, minval=-bound, maxval=bound)
    return {"image_features": image_features, "router_w": router_w, "router_b": router_b}

def reference(image_features, router_w, router_b):
    # router_logits = Linear(hidden)(x).squeeze(-1) -> [B, S]
    router_logits = jnp.einsum('bsh,oh->bso', image_features, router_w) + router_b
    router_logits = jnp.squeeze(router_logits, -1)
    # top-k over sequence dim (torch uses sorted=False; value/index set identical)
    routing_weights, selected_tokens = jax.lax.top_k(router_logits, TOP_K)
    # gather selected tokens: [B, TOP_K, H]
    routed_output = jnp.take_along_axis(image_features, selected_tokens[:, :, None], axis=1)
    routed_output = routed_output * routing_weights[:, :, None]
    return routed_output

if __name__ == "__main__":
    import jax
    _d = setup_inputs()
    print(jax.jit(kernel)(*tuple(_d.values())))

</pallas_src>

<mosaic_0001>
#map = affine_map<(d0, d1) -> (0, 0)>
#map1 = affine_map<(d0, d1) -> (0, 0, 0)>
module attributes {stable_mosaic.version = 14 : i64} {
  func.func @_sc_body(%arg0: i32, %arg1: i32, %arg2: memref<4x4096xf32, #tpu.memory_space<hbm>>, %arg3: memref<4x4096x2048xf32, #tpu.memory_space<hbm>>, %arg4: memref<4x1024x2048xf32, #tpu.memory_space<hbm>>, %arg5: memref<4096xf32, #tpu.memory_space<vmem>>, %arg6: memref<4096xi32, #tpu.memory_space<vmem>>, %arg7: memref<4096xi32, #tpu.memory_space<vmem>>, %arg8: memref<4096xi32, #tpu.memory_space<vmem>>, %arg9: memref<4096xi32, #tpu.memory_space<vmem>>, %arg10: memref<2048xi32, #tpu.memory_space<vmem>>, %arg11: memref<128xi32, #tpu.memory_space<smem>>, %arg12: memref<128xi32, #tpu.memory_space<smem>>, %arg13: memref<1024xf32, #tpu.memory_space<vmem>>, %arg14: memref<128xi32, #tpu.memory_space<vmem>>, %arg15: memref<128xf32, #tpu.memory_space<vmem>>, %arg16: memref<2048xf32, #tpu.memory_space<vmem>>, %arg17: memref<2x16x2048xf32, #tpu.memory_space<vmem>>, %arg18: memref<2x1024xi32, #tpu.memory_space<vmem_shared>>, %arg19: memref<2x1024xf32, #tpu.memory_space<vmem_shared>>, %arg20: memref<!tpu.dma_semaphore, #tpu.memory_space<semaphore_mem>>, %arg21: memref<!tpu.dma_semaphore, #tpu.memory_space<semaphore_mem>>, %arg22: memref<!tpu.dma_semaphore, #tpu.memory_space<semaphore_mem>>, %arg23: memref<!tpu.dma_semaphore, #tpu.memory_space<semaphore_mem>>) attributes {dimension_semantics = [#tpu.dimension_semantics<core_parallel>, #tpu.dimension_semantics<subcore_parallel>], iteration_bounds = array<i64: 2, 16>, scalar_prefetch = 0 : i64, scratch_operands = 19 : i64, tpu.core_type = #tpu.core_type<sc_vector_subcore>, window_params = [{transform_indices = #map}, {transform_indices = #map1}, {transform_indices = #map1}]} {
    %iota3A = tpu.iota {dimensions = array<i32: 0>} : vector<16xi32>
    %mul3A = arith.constant 256 : i32
    %mul3A_0 = vector.broadcast %mul3A : i32 to vector<16xi32>
    %mul3A_1 = arith.muli %iota3A, %mul3A_0 : vector<16xi32>
    %lt3A = arith.constant 2 : i32
    %lt3A_2 = arith.cmpi slt, %arg1, %lt3A : i32
    %convert_element_type3A = arith.extui %lt3A_2 : i1 to i32
    %cond3A = arith.constant 0 : i32
    %cond3A_3 = arith.cmpi ne, %convert_element_type3A, %cond3A : i32
    scf.if %cond3A_3 {
      %mul3A_598 = arith.constant 2 : i32
      %mul3A_599 = arith.muli %mul3A_598, %arg0 : i32
      %add3A_600 = arith.addi %mul3A_599, %arg1 : i32
      "tpu.region"() ({
        %run_scoped3A_708 = tpu.sem_alloc : memref<!tpu.dma_semaphore, #tpu.memory_space<semaphore_mem>>
        %dma_start3A_709 = arith.constant 0 : i32
        %dma_start3A_710 = tpu.memref_slice %arg2[%add3A_600, %dma_start3A_709] : memref<4x4096xf32, #tpu.memory_space<hbm>> -> memref<1x4096xf32, #tpu.memory_space<hbm>>
        %dma_start3A_711 = tpu.memref_squeeze %dma_start3A_710 : memref<1x4096xf32, #tpu.memory_space<hbm>> -> memref<4096xf32, #tpu.memory_space<hbm>>
        %dma_start3A_712 = arith.constant 0 : i32
        %dma_start3A_713 = tpu.memref_slice %arg2[%add3A_600, %dma_start3A_712] : memref<4x4096xf32, #tpu.memory_space<hbm>> -> memref<1x4096xf32, #tpu.memory_space<hbm>>
        %dma_start3A_714 = tpu.memref_squeeze %dma_start3A_713 : memref<1x4096xf32, #tpu.memory_space<hbm>> -> memref<4096xf32, #tpu.memory_space<hbm>>
        tpu.enqueue_dma source(%dma_start3A_714 : memref<4096xf32, #tpu.memory_space<hbm>>) target(%arg5 : memref<4096xf32, #tpu.memory_space<vmem>>) target_semaphore(%run_scoped3A_708 : memref<!tpu.dma_semaphore, #tpu.memory_space<semaphore_mem>>)
        %dma_wait3A_715 = arith.constant 0 : i32
        %dma_wait3A_716 = tpu.memref_slice %arg2[%add3A_600, %dma_wait3A_715] : memref<4x4096xf32, #tpu.memory_space<hbm>> -> memref<1x4096xf32, #tpu.memory_space<hbm>>
        %dma_wait3A_717 = tpu.memref_squeeze %dma_wait3A_716 : memref<1x4096xf32, #tpu.memory_space<hbm>> -> memref<4096xf32, #tpu.memory_space<hbm>>
        %dma_wait3A_718 = arith.constant 0 : i32
        %dma_wait3A_719 = tpu.memref_slice %arg2[%add3A_600, %dma_wait3A_718] : memref<4x4096xf32, #tpu.memory_space<hbm>> -> memref<1x4096xf32, #tpu.memory_space<hbm>>
        %dma_wait3A_720 = tpu.memref_squeeze %dma_wait3A_719 : memref<1x4096xf32, #tpu.memory_space<hbm>> -> memref<4096xf32, #tpu.memory_space<hbm>>
        tpu.wait_dma2 semaphore(%run_scoped3A_708 : memref<!tpu.dma_semaphore, #tpu.memory_space<semaphore_mem>>) src(%dma_wait3A_720 : memref<4096xf32, #tpu.memory_space<hbm>>) dst(%arg5 : memref<4096xf32, #tpu.memory_space<vmem>>)
        tpu.yield
      }) : () -> ()
      %parallel_loop3A_601 = arith.constant 0 : i32
      %parallel_loop3A_602 = arith.constant 256 : i32
      %parallel_loop3A_603 = arith.constant 1 : i32
      scf.for %parallel_loop3A_708 = %parallel_loop3A_601 to %parallel_loop3A_602 step %parallel_loop3A_603  : i32 {
        %parallel_loop3A_709 = arith.constant 16 : i32
        %parallel_loop3A_710 = arith.muli %parallel_loop3A_708, %parallel_loop3A_709 : i32
        %parallel_loop3A_711 = arith.index_cast %parallel_loop3A_710 : i32 to index
        %parallel_loop3A_712 = tpu.vector_load %arg5[%parallel_loop3A_711] {strides = array<i32>} : memref<4096xf32, #tpu.memory_space<vmem>>, vector<16xf32>,
        %parallel_loop3A_713 = tpu.bitcast %parallel_loop3A_712 : vector<16xf32> -> vector<16xi32>
        %parallel_loop3A_714 = arith.constant 31 : i32
        %parallel_loop3A_715 = vector.broadcast %parallel_loop3A_714 : i32 to vector<16xi32>
        %parallel_loop3A_716 = arith.shrsi %parallel_loop3A_713, %parallel_loop3A_715 : vector<16xi32>
        %parallel_loop3A_717 = arith.constant 2147483647 : i32
        %parallel_loop3A_718 = vector.broadcast %parallel_loop3A_717 : i32 to vector<16xi32>
        %parallel_loop3A_719 = arith.andi %parallel_loop3A_716, %parallel_loop3A_718 : vector<16xi32>
        %parallel_loop3A_720 = arith.xori %parallel_loop3A_713, %parallel_loop3A_719 : vector<16xi32>
        %parallel_loop3A_721 = arith.constant 2147483647 : i32
        %parallel_loop3A_722 = vector.broadcast %parallel_loop3A_721 : i32 to vector<16xi32>
        %parallel_loop3A_723 = arith.xori %parallel_loop3A_720, %parallel_loop3A_722 : vector<16xi32>
        %parallel_loop3A_724 = arith.constant 16 : i32
        %parallel_loop3A_725 = arith.muli %parallel_loop3A_708, %parallel_loop3A_724 : i32
        %parallel_loop3A_726 = arith.index_cast %parallel_loop3A_725 : i32 to index
        %parallel_loop3A_727 = tpu.vector_load %arg6[%parallel_loop3A_726] {strides = array<i32>} : memref<4096xi32, #tpu.memory_space<vmem>>, vector<16xi32>,
        tpu.vector_store %arg6[%parallel_loop3A_726], %parallel_loop3A_723 {strides = array<i32>} : memref<4096xi32, #tpu.memory_space<vmem>>, vector<16xi32>,
      } {sc.loop_unroll_factor = 4 : i64, sc.parallel_access}
      %parallel_loop3A_604 = arith.constant 0 : i32
      %parallel_loop3A_605 = arith.constant 128 : i32
      %parallel_loop3A_606 = arith.constant 1 : i32
      scf.for %parallel_loop3A_708 = %parallel_loop3A_604 to %parallel_loop3A_605 step %parallel_loop3A_606  : i32 {
        %parallel_loop3A_709 = arith.constant 0 : i32
        %parallel_loop3A_710 = vector.broadcast %parallel_loop3A_709 : i32 to vector<16xi32>
        %parallel_loop3A_711 = arith.constant 16 : i32
        %parallel_loop3A_712 = arith.muli %parallel_loop3A_708, %parallel_loop3A_711 : i32
        %parallel_loop3A_713 = arith.index_cast %parallel_loop3A_712 : i32 to index
        %parallel_loop3A_714 = tpu.vector_load %arg10[%parallel_loop3A_713] {strides = array<i32>} : memref<2048xi32, #tpu.memory_space<vmem>>, vector<16xi32>,
        tpu.vector_store %arg10[%parallel_loop3A_713], %parallel_loop3A_710 {strides = array<i32>} : memref<2048xi32, #tpu.memory_space<vmem>>, vector<16xi32>,
      } {sc.loop_unroll_factor = 4 : i64, sc.parallel_access}
      %scan3A = arith.constant 0 : i32
      %scan3A_607 = arith.constant 0 : i32
      %scan3A_608 = arith.constant 128 : i32
      %scan3A_609 = arith.addi %scan3A_607, %scan3A_608 : i32
      %scan3A_610 = arith.constant 1 : i32
      %scan3A_611 = scf.for %scan3A_708 = %scan3A_607 to %scan3A_609 step %scan3A_610 iter_args(%scan3A_709 = %scan3A) -> (i32)  : i32 {
        %mul3A_710 = arith.constant 2 : i32
        %mul3A_711 = arith.muli %scan3A_708, %mul3A_710 : i32
        %add3A_712 = arith.constant 0 : i32
        %add3A_713 = arith.addi %mul3A_711, %add3A_712 : i32
        %mul3A_714 = arith.constant 16 : i32
        %mul3A_715 = arith.muli %add3A_713, %mul3A_714 : i32
        %get3A = arith.index_cast %mul3A_715 : i32 to index
        %get3A_716 = tpu.vector_load %arg6[%get3A] {strides = array<i32>} : memref<4096xi32, #tpu.memory_space<vmem>>, vector<16xi32>,
        %shift_right_logical3A = arith.constant 0 : i32
        %shift_right_logical3A_717 = vector.broadcast %shift_right_logical3A : i32 to vector<16xi32>
        %shift_right_logical3A_718 = arith.shrui %get3A_716, %shift_right_logical3A_717 : vector<16xi32>
        %and3A = arith.constant 2047 : i32
        %and3A_719 = vector.broadcast %and3A : i32 to vector<16xi32>
        %and3A_720 = arith.andi %shift_right_logical3A_718, %and3A_719 : vector<16xi32>
        %broadcast_in_dim3A = arith.constant true
        %broadcast_in_dim3A_721 = vector.broadcast %broadcast_in_dim3A : i1 to vector<16xi1>
        %unique3A, %unique3A_722 = tpu.scan_count mask(%broadcast_in_dim3A_721 : vector<16xi1>) value(%and3A_720 : vector<16xi32>) : vector<16xi1>, vector<16xi32>
        tpu.vector_store_idx %arg10[%and3A_720], %unique3A_722 masked %unique3A {add = true} : memref<2048xi32, #tpu.memory_space<vmem>>[vector<16xi32>], vector<16xi32>, vector<16xi1>
        %mul3A_723 = arith.constant 2 : i32
        %mul3A_724 = arith.muli %scan3A_708, %mul3A_723 : i32
        %add3A_725 = arith.constant 1 : i32
        %add3A_726 = arith.addi %mul3A_724, %add3A_725 : i32
        %mul3A_727 = arith.constant 16 : i32
        %mul3A_728 = arith.muli %add3A_726, %mul3A_727 : i32
        %get3A_729 = arith.index_cast %mul3A_728 : i32 to index
        %get3A_730 = tpu.vector_load %arg6[%get3A_729] {strides = array<i32>} : memref<4096xi32, #tpu.memory_space<vmem>>, vector<16xi32>,
        %shift_right_logical3A_731 = arith.constant 0 : i32
        %shift_right_logical3A_732 = vector.broadcast %shift_right_logical3A_731 : i32 to vector<16xi32>
        %shift_right_logical3A_733 = arith.shrui %get3A_730, %shift_right_logical3A_732 : vector<16xi32>
        %and3A_734 = arith.constant 2047 : i32
        %and3A_735 = vector.broadcast %and3A_734 : i32 to vector<16xi32>
        %and3A_736 = arith.andi %shift_right_logical3A_733, %and3A_735 : vector<16xi32>
        %broadcast_in_dim3A_737 = arith.constant true
        %broadcast_in_dim3A_738 = vector.broadcast %broadcast_in_dim3A_737 : i1 to vector<16xi1>
        %unique3A_739, %unique3A_740 = tpu.scan_count mask(%broadcast_in_dim3A_738 : vector<16xi1>) value(%and3A_736 : vector<16xi32>) : vector<16xi1>, vector<16xi32>
        tpu.vector_store_idx %arg10[%and3A_736], %unique3A_740 masked %unique3A_739 {add = true} : memref<2048xi32, #tpu.memory_space<vmem>>[vector<16xi32>], vector<16xi32>, vector<16xi1>
        %scan3A_741 = arith.constant 0 : i32
        scf.yield %scan3A_741 : i32
      }
      %scan3A_612 = arith.constant 128 : i32
      %parallel_loop3A_613 = arith.constant 0 : i32
      %parallel_loop3A_614 = arith.constant 128 : i32
      %parallel_loop3A_615 = arith.constant 1 : i32
      scf.for %parallel_loop3A_708 = %parallel_loop3A_613 to %parallel_loop3A_614 step %parallel_loop3A_615  : i32 {
        %parallel_loop3A_709 = arith.constant 16 : i32
        %parallel_loop3A_710 = arith.muli %parallel_loop3A_708, %parallel_loop3A_709 : i32
        %parallel_loop3A_711 = arith.index_cast %parallel_loop3A_710 : i32 to index
        %parallel_loop3A_712 = tpu.vector_load %arg10[%parallel_loop3A_711] {strides = array<i32>} : memref<2048xi32, #tpu.memory_space<vmem>>, vector<16xi32>,
        %parallel_loop3A_713 = arith.constant true
        %parallel_loop3A_714 = vector.broadcast %parallel_loop3A_713 : i1 to vector<16xi1>
        %parallel_loop3A_715 = tpu.scan <sum>, %parallel_loop3A_712 masked %parallel_loop3A_714 : vector<16xi32>, vector<16xi1> -> vector<16xi32>
        %parallel_loop3A_716 = vector.extract %parallel_loop3A_715[15] : i32 from vector<16xi32>
        %parallel_loop3A_717 = arith.index_cast %parallel_loop3A_708 : i32 to index
        %parallel_loop3A_718 = memref.load %arg11[%parallel_loop3A_717] : memref<128xi32, #tpu.memory_space<smem>>
        memref.store %parallel_loop3A_716, %arg11[%parallel_loop3A_717] : memref<128xi32, #tpu.memory_space<smem>>
      } {sc.loop_unroll_factor = 2 : i64, sc.parallel_access}
      %scan3A_616 = arith.constant 0 : i32
      %scan3A_617 = arith.constant 0 : i32
      %scan3A_618 = arith.constant 128 : i32
      %scan3A_619 = arith.addi %scan3A_617, %scan3A_618 : i32
      %scan3A_620 = arith.constant 1 : i32
      %scan3A_621 = scf.for %scan3A_708 = %scan3A_617 to %scan3A_619 step %scan3A_620 iter_args(%scan3A_709 = %scan3A_616) -> (i32)  : i32 {
        %get3A = arith.index_cast %scan3A_708 : i32 to index
        %get3A_710 = memref.load %arg11[%get3A] : memref<128xi32, #tpu.memory_space<smem>>
        %swap3A = arith.index_cast %scan3A_708 : i32 to index
        %swap3A_711 = memref.load %arg12[%swap3A] : memref<128xi32, #tpu.memory_space<smem>>
        memref.store %scan3A_709, %arg12[%swap3A] : memref<128xi32, #tpu.memory_space<smem>>
        %add3A_712 = arith.addi %scan3A_709, %get3A_710 : i32
        scf.yield %add3A_712 : i32
      }
      %scan3A_622 = arith.constant 128 : i32
      %scan3A_623 = arith.constant 0 : i32
      %scan3A_624 = arith.constant 0 : i32
      %scan3A_625 = arith.constant 128 : i32
      %scan3A_626 = arith.addi %scan3A_624, %scan3A_625 : i32
      %scan3A_627 = arith.constant 1 : i32
      %scan3A_628 = scf.for %scan3A_708 = %scan3A_624 to %scan3A_626 step %scan3A_627 iter_args(%scan3A_709 = %scan3A_623) -> (i32)  : i32 {
        %mul3A_710 = arith.constant 16 : i32
        %mul3A_711 = arith.muli %scan3A_708, %mul3A_710 : i32
        %get3A = arith.index_cast %mul3A_711 : i32 to index
        %get3A_712 = tpu.vector_load %arg10[%get3A] {strides = array<i32>} : memref<2048xi32, #tpu.memory_space<vmem>>, vector<16xi32>,
        %broadcast_in_dim3A = arith.constant true
        %broadcast_in_dim3A_713 = vector.broadcast %broadcast_in_dim3A : i1 to vector<16xi1>
        %masked_cumsum3A = tpu.scan <sum>, %get3A_712 masked %broadcast_in_dim3A_713 : vector<16xi32>, vector<16xi1> -> vector<16xi32>
        %sub3A = arith.subi %masked_cumsum3A, %get3A_712 : vector<16xi32>
        %get3A_714 = arith.index_cast %scan3A_708 : i32 to index
        %get3A_715 = memref.load %arg12[%get3A_714] : memref<128xi32, #tpu.memory_space<smem>>
        %add3A_716 = vector.broadcast %get3A_715 : i32 to vector<16xi32>
        %add3A_717 = arith.addi %sub3A, %add3A_716 : vector<16xi32>
        %mul3A_718 = arith.constant 16 : i32
        %mul3A_719 = arith.muli %scan3A_708, %mul3A_718 : i32
        %swap3A = arith.index_cast %mul3A_719 : i32 to index
        %swap3A_720 = tpu.vector_load %arg10[%swap3A] {strides = array<i32>} : memref<2048xi32, #tpu.memory_space<vmem>>, vector<16xi32>,
        tpu.vector_store %arg10[%swap3A], %add3A_717 {strides = array<i32>} : memref<2048xi32, #tpu.memory_space<vmem>>, vector<16xi32>,
        %scan3A_721 = arith.constant 0 : i32
        scf.yield %scan3A_721 : i32
      }
      %scan3A_629 = arith.constant 128 : i32
      %scan3A_630 = arith.constant 0 : i32
      %scan3A_631 = arith.constant 0 : i32
      %scan3A_632 = arith.constant 128 : i32
      %scan3A_633 = arith.addi %scan3A_631, %scan3A_632 : i32
      %scan3A_634 = arith.constant 1 : i32
      %scan3A_635 = scf.for %scan3A_708 = %scan3A_631 to %scan3A_633 step %scan3A_634 iter_args(%scan3A_709 = %scan3A_630) -> (i32)  : i32 {
        %mul3A_710 = arith.constant 2 : i32
        %mul3A_711 = arith.muli %scan3A_708, %mul3A_710 : i32
        %add3A_712 = arith.constant 0 : i32
        %add3A_713 = arith.addi %mul3A_711, %add3A_712 : i32
        %mul3A_714 = arith.constant 16 : i32
        %mul3A_715 = arith.muli %add3A_713, %mul3A_714 : i32
        %get3A = arith.index_cast %mul3A_715 : i32 to index
        %get3A_716 = tpu.vector_load %arg6[%get3A] {strides = array<i32>} : memref<4096xi32, #tpu.memory_space<vmem>>, vector<16xi32>,
        %mul3A_717 = arith.constant 16 : i32
        %mul3A_718 = arith.muli %add3A_713, %mul3A_717 : i32
        %add3A_719 = vector.broadcast %mul3A_718 : i32 to vector<16xi32>
        %add3A_720 = arith.addi %add3A_719, %iota3A : vector<16xi32>
        %shift_right_logical3A = arith.constant 0 : i32
        %shift_right_logical3A_721 = vector.broadcast %shift_right_logical3A : i32 to vector<16xi32>
        %shift_right_logical3A_722 = arith.shrui %get3A_716, %shift_right_logical3A_721 : vector<16xi32>
        %and3A = arith.constant 2047 : i32
        %and3A_723 = vector.broadcast %and3A : i32 to vector<16xi32>
        %and3A_724 = arith.andi %shift_right_logical3A_722, %and3A_723 : vector<16xi32>
        %broadcast_in_dim3A = arith.constant true
        %broadcast_in_dim3A_725 = vector.broadcast %broadcast_in_dim3A : i1 to vector<16xi1>
        %unique3A, %unique3A_726 = tpu.scan_count mask(%broadcast_in_dim3A_725 : vector<16xi1>) value(%and3A_724 : vector<16xi32>) : vector<16xi1>, vector<16xi32>
        %gather3A = tpu.vector_load_idx %arg10[%and3A_724] : memref<2048xi32, #tpu.memory_space<vmem>>[vector<16xi32>], vector<16xi32>,
        %add3A_727 = arith.addi %gather3A, %unique3A_726 : vector<16xi32>
        %sub3A = arith.constant 1 : i32
        %sub3A_728 = vector.broadcast %sub3A : i32 to vector<16xi32>
        %sub3A_729 = arith.subi %add3A_727, %sub3A_728 : vector<16xi32>
        %add3A_730 = arith.constant 1 : i32
        %add3A_731 = vector.broadcast %add3A_730 : i32 to vector<16xi32>
        %add3A_732 = arith.addi %sub3A_729, %add3A_731 : vector<16xi32>
        tpu.vector_store_idx %arg10[%and3A_724], %add3A_732 masked %unique3A : memref<2048xi32, #tpu.memory_space<vmem>>[vector<16xi32>], vector<16xi32>, vector<16xi1>
        tpu.vector_store_idx %arg7[%sub3A_729], %get3A_716 : memref<4096xi32, #tpu.memory_space<vmem>>[vector<16xi32>], vector<16xi32>,
        tpu.vector_store_idx %arg9[%sub3A_729], %add3A_720 : memref<4096xi32, #tpu.memory_space<vmem>>[vector<16xi32>], vector<16xi32>,
        %mul3A_733 = arith.constant 2 : i32
        %mul3A_734 = arith.muli %scan3A_708, %mul3A_733 : i32
        %add3A_735 = arith.constant 1 : i32
        %add3A_736 = arith.addi %mul3A_734, %add3A_735 : i32
        %mul3A_737 = arith.constant 16 : i32
        %mul3A_738 = arith.muli %add3A_736, %mul3A_737 : i32
        %get3A_739 = arith.index_cast %mul3A_738 : i32 to index
        %get3A_740 = tpu.vector_load %arg6[%get3A_739] {strides = array<i32>} : memref<4096xi32, #tpu.memory_space<vmem>>, vector<16xi32>,
        %mul3A_741 = arith.constant 16 : i32
        %mul3A_742 = arith.muli %add3A_736, %mul3A_741 : i32
        %add3A_743 = vector.broadcast %mul3A_742 : i32 to vector<16xi32>
        %add3A_744 = arith.addi %add3A_743, %iota3A : vector<16xi32>
        %shift_right_logical3A_745 = arith.constant 0 : i32
        %shift_right_logical3A_746 = vector.broadcast %shift_right_logical3A_745 : i32 to vector<16xi32>
        %shift_right_logical3A_747 = arith.shrui %get3A_740, %shift_right_logical3A_746 : vector<16xi32>
        %and3A_748 = arith.constant 2047 : i32
        %and3A_749 = vector.broadcast %and3A_748 : i32 to vector<16xi32>
        %and3A_750 = arith.andi %shift_right_logical3A_747, %and3A_749 : vector<16xi32>
        %broadcast_in_dim3A_751 = arith.constant true
        %broadcast_in_dim3A_752 = vector.broadcast %broadcast_in_dim3A_751 : i1 to vector<16xi1>
        %unique3A_753, %unique3A_754 = tpu.scan_count mask(%broadcast_in_dim3A_752 : vector<16xi1>) value(%and3A_750 : vector<16xi32>) : vector<16xi1>, vector<16xi32>
        %gather3A_755 = tpu.vector_load_idx %arg10[%and3A_750] : memref<2048xi32, #tpu.memory_space<vmem>>[vector<16xi32>], vector<16xi32>,
        %add3A_756 = arith.addi %gather3A_755, %unique3A_754 : vector<16xi32>
        %sub3A_757 = arith.constant 1 : i32
        %sub3A_758 = vector.broadcast %sub3A_757 : i32 to vector<16xi32>
        %sub3A_759 = arith.subi %add3A_756, %sub3A_758 : vector<16xi32>
        %add3A_760 = arith.constant 1 : i32
        %add3A_761 = vector.broadcast %add3A_760 : i32 to vector<16xi32>
        %add3A_762 = arith.addi %sub3A_759, %add3A_761 : vector<16xi32>
        tpu.vector_store_idx %arg10[%and3A_750], %add3A_762 masked %unique3A_753 : memref<2048xi32, #tpu.memory_space<vmem>>[vector<16xi32>], vector<16xi32>, vector<16xi1>
        tpu.vector_store_idx %arg7[%sub3A_759], %get3A_740 : memref<4096xi32, #tpu.memory_space<vmem>>[vector<16xi32>], vector<16xi32>,
        tpu.vector_store_idx %arg9[%sub3A_759], %add3A_744 : memref<4096xi32, #tpu.memory_space<vmem>>[vector<16xi32>], vector<16xi32>,
        %scan3A_763 = arith.constant 0 : i32
        scf.yield %scan3A_763 : i32
      }
      %scan3A_636 = arith.constant 128 : i32
      %parallel_loop3A_637 = arith.constant 0 : i32
      %parallel_loop3A_638 = arith.constant 128 : i32
      %parallel_loop3A_639 = arith.constant 1 : i32
      scf.for %parallel_loop3A_708 = %parallel_loop3A_637 to %parallel_loop3A_638 step %parallel_loop3A_639  : i32 {
        %parallel_loop3A_709 = arith.constant 0 : i32
        %parallel_loop3A_710 = vector.broadcast %parallel_loop3A_709 : i32 to vector<16xi32>
        %parallel_loop3A_711 = arith.constant 16 : i32
        %parallel_loop3A_712 = arith.muli %parallel_loop3A_708, %parallel_loop3A_711 : i32
        %parallel_loop3A_713 = arith.index_cast %parallel_loop3A_712 : i32 to index
        %parallel_loop3A_714 = tpu.vector_load %arg10[%parallel_loop3A_713] {strides = array<i32>} : memref<2048xi32, #tpu.memory_space<vmem>>, vector<16xi32>,
        tpu.vector_store %arg10[%parallel_loop3A_713], %parallel_loop3A_710 {strides = array<i32>} : memref<2048xi32, #tpu.memory_space<vmem>>, vector<16xi32>,
      } {sc.loop_unroll_factor = 4 : i64, sc.parallel_access}
      %scan3A_640 = arith.constant 0 : i32
      %scan3A_641 = arith.constant 0 : i32
      %scan3A_642 = arith.constant 128 : i32
      %scan3A_643 = arith.addi %scan3A_641, %scan3A_642 : i32
      %scan3A_644 = arith.constant 1 : i32
      %scan3A_645 = scf.for %scan3A_708 = %scan3A_641 to %scan3A_643 step %scan3A_644 iter_args(%scan3A_709 = %scan3A_640) -> (i32)  : i32 {
        %mul3A_710 = arith.constant 2 : i32
        %mul3A_711 = arith.muli %scan3A_708, %mul3A_710 : i32
        %add3A_712 = arith.constant 0 : i32
        %add3A_713 = arith.addi %mul3A_711, %add3A_712 : i32
        %mul3A_714 = arith.constant 16 : i32
        %mul3A_715 = arith.muli %add3A_713, %mul3A_714 : i32
        %get3A = arith.index_cast %mul3A_715 : i32 to index
        %get3A_716 = tpu.vector_load %arg7[%get3A] {strides = array<i32>} : memref<4096xi32, #tpu.memory_space<vmem>>, vector<16xi32>,
        %shift_right_logical3A = arith.constant 11 : i32
        %shift_right_logical3A_717 = vector.broadcast %shift_right_logical3A : i32 to vector<16xi32>
        %shift_right_logical3A_718 = arith.shrui %get3A_716, %shift_right_logical3A_717 : vector<16xi32>
        %and3A = arith.constant 2047 : i32
        %and3A_719 = vector.broadcast %and3A : i32 to vector<16xi32>
        %and3A_720 = arith.andi %shift_right_logical3A_718, %and3A_719 : vector<16xi32>
        %broadcast_in_dim3A = arith.constant true
        %broadcast_in_dim3A_721 = vector.broadcast %broadcast_in_dim3A : i1 to vector<16xi1>
        %unique3A, %unique3A_722 = tpu.scan_count mask(%broadcast_in_dim3A_721 : vector<16xi1>) value(%and3A_720 : vector<16xi32>) : vector<16xi1>, vector<16xi32>
        tpu.vector_store_idx %arg10[%and3A_720], %unique3A_722 masked %unique3A {add = true} : memref<2048xi32, #tpu.memory_space<vmem>>[vector<16xi32>], vector<16xi32>, vector<16xi1>
        %mul3A_723 = arith.constant 2 : i32
        %mul3A_724 = arith.muli %scan3A_708, %mul3A_723 : i32
        %add3A_725 = arith.constant 1 : i32
        %add3A_726 = arith.addi %mul3A_724, %add3A_725 : i32
        %mul3A_727 = arith.constant 16 : i32
        %mul3A_728 = arith.muli %add3A_726, %mul3A_727 : i32
        %get3A_729 = arith.index_cast %mul3A_728 : i32 to index
        %get3A_730 = tpu.vector_load %arg7[%get3A_729] {strides = array<i32>} : memref<4096xi32, #tpu.memory_space<vmem>>, vector<16xi32>,
        %shift_right_logical3A_731 = arith.constant 11 : i32
        %shift_right_logical3A_732 = vector.broadcast %shift_right_logical3A_731 : i32 to vector<16xi32>
        %shift_right_logical3A_733 = arith.shrui %get3A_730, %shift_right_logical3A_732 : vector<16xi32>
        %and3A_734 = arith.constant 2047 : i32
        %and3A_735 = vector.broadcast %and3A_734 : i32 to vector<16xi32>
        %and3A_736 = arith.andi %shift_right_logical3A_733, %and3A_735 : vector<16xi32>
        %broadcast_in_dim3A_737 = arith.constant true
        %broadcast_in_dim3A_738 = vector.broadcast %broadcast_in_dim3A_737 : i1 to vector<16xi1>
        %unique3A_739, %unique3A_740 = tpu.scan_count mask(%broadcast_in_dim3A_738 : vector<16xi1>) value(%and3A_736 : vector<16xi32>) : vector<16xi1>, vector<16xi32>
        tpu.vector_store_idx %arg10[%and3A_736], %unique3A_740 masked %unique3A_739 {add = true} : memref<2048xi32, #tpu.memory_space<vmem>>[vector<16xi32>], vector<16xi32>, vector<16xi1>
        %scan3A_741 = arith.constant 0 : i32
        scf.yield %scan3A_741 : i32
      }
      %scan3A_646 = arith.constant 128 : i32
      %parallel_loop3A_647 = arith.constant 0 : i32
      %parallel_loop3A_648 = arith.constant 128 : i32
      %parallel_loop3A_649 = arith.constant 1 : i32
      scf.for %parallel_loop3A_708 = %parallel_loop3A_647 to %parallel_loop3A_648 step %parallel_loop3A_649  : i32 {
        %parallel_loop3A_709 = arith.constant 16 : i32
        %parallel_loop3A_710 = arith.muli %parallel_loop3A_708, %parallel_loop3A_709 : i32
        %parallel_loop3A_711 = arith.index_cast %parallel_loop3A_710 : i32 to index
        %parallel_loop3A_712 = tpu.vector_load %arg10[%parallel_loop3A_711] {strides = array<i32>} : memref<2048xi32, #tpu.memory_space<vmem>>, vector<16xi32>,
        %parallel_loop3A_713 = arith.constant true
        %parallel_loop3A_714 = vector.broadcast %parallel_loop3A_713 : i1 to vector<16xi1>
        %parallel_loop3A_715 = tpu.scan <sum>, %parallel_loop3A_712 masked %parallel_loop3A_714 : vector<16xi32>, vector<16xi1> -> vector<16xi32>
        %parallel_loop3A_716 = vector.extract %parallel_loop3A_715[15] : i32 from vector<16xi32>
        %parallel_loop3A_717 = arith.index_cast %parallel_loop3A_708 : i32 to index
        %parallel_loop3A_718 = memref.load %arg11[%parallel_loop3A_717] : memref<128xi32, #tpu.memory_space<smem>>
        memref.store %parallel_loop3A_716, %arg11[%parallel_loop3A_717] : memref<128xi32, #tpu.memory_space<smem>>
      } {sc.loop_unroll_factor = 2 : i64, sc.parallel_access}
      %scan3A_650 = arith.constant 0 : i32
      %scan3A_651 = arith.constant 0 : i32
      %scan3A_652 = arith.constant 128 : i32
      %scan3A_653 = arith.addi %scan3A_651, %scan3A_652 : i32
      %scan3A_654 = arith.constant 1 : i32
      %scan3A_655 = scf.for %scan3A_708 = %scan3A_651 to %scan3A_653 step %scan3A_654 iter_args(%scan3A_709 = %scan3A_650) -> (i32)  : i32 {
        %get3A = arith.index_cast %scan3A_708 : i32 to index
        %get3A_710 = memref.load %arg11[%get3A] : memref<128xi32, #tpu.memory_space<smem>>
        %swap3A = arith.index_cast %scan3A_708 : i32 to index
        %swap3A_711 = memref.load %arg12[%swap3A] : memref<128xi32, #tpu.memory_space<smem>>
        memref.store %scan3A_709, %arg12[%swap3A] : memref<128xi32, #tpu.memory_space<smem>>
        %add3A_712 = arith.addi %scan3A_709, %get3A_710 : i32
        scf.yield %add3A_712 : i32
      }
      %scan3A_656 = arith.constant 128 : i32
      %scan3A_657 = arith.constant 0 : i32
      %scan3A_658 = arith.constant 0 : i32
      %scan3A_659 = arith.constant 128 : i32
      %scan3A_660 = arith.addi %scan3A_658, %scan3A_659 : i32
      %scan3A_661 = arith.constant 1 : i32
      %scan3A_662 = scf.for %scan3A_708 = %scan3A_658 to %scan3A_660 step %scan3A_661 iter_args(%scan3A_709 = %scan3A_657) -> (i32)  : i32 {
        %mul3A_710 = arith.constant 16 : i32
        %mul3A_711 = arith.muli %scan3A_708, %mul3A_710 : i32
        %get3A = arith.index_cast %mul3A_711 : i32 to index
        %get3A_712 = tpu.vector_load %arg10[%get3A] {strides = array<i32>} : memref<2048xi32, #tpu.memory_space<vmem>>, vector<16xi32>,
        %broadcast_in_dim3A = arith.constant true
        %broadcast_in_dim3A_713 = vector.broadcast %broadcast_in_dim3A : i1 to vector<16xi1>
        %masked_cumsum3A = tpu.scan <sum>, %get3A_712 masked %broadcast_in_dim3A_713 : vector<16xi32>, vector<16xi1> -> vector<16xi32>
        %sub3A = arith.subi %masked_cumsum3A, %get3A_712 : vector<16xi32>
        %get3A_714 = arith.index_cast %scan3A_708 : i32 to index
        %get3A_715 = memref.load %arg12[%get3A_714] : memref<128xi32, #tpu.memory_space<smem>>
        %add3A_716 = vector.broadcast %get3A_715 : i32 to vector<16xi32>
        %add3A_717 = arith.addi %sub3A, %add3A_716 : vector<16xi32>
        %mul3A_718 = arith.constant 16 : i32
        %mul3A_719 = arith.muli %scan3A_708, %mul3A_718 : i32
        %swap3A = arith.index_cast %mul3A_719 : i32 to index
        %swap3A_720 = tpu.vector_load %arg10[%swap3A] {strides = array<i32>} : memref<2048xi32, #tpu.memory_space<vmem>>, vector<16xi32>,
        tpu.vector_store %arg10[%swap3A], %add3A_717 {strides = array<i32>} : memref<2048xi32, #tpu.memory_space<vmem>>, vector<16xi32>,
        %scan3A_721 = arith.constant 0 : i32
        scf.yield %scan3A_721 : i32
      }
      %scan3A_663 = arith.constant 128 : i32
      %scan3A_664 = arith.constant 0 : i32
      %scan3A_665 = arith.constant 0 : i32
      %scan3A_666 = arith.constant 128 : i32
      %scan3A_667 = arith.addi %scan3A_665, %scan3A_666 : i32
      %scan3A_668 = arith.constant 1 : i32
      %scan3A_669 = scf.for %scan3A_708 = %scan3A_665 to %scan3A_667 step %scan3A_668 iter_args(%scan3A_709 = %scan3A_664) -> (i32)  : i32 {
        %mul3A_710 = arith.constant 2 : i32
        %mul3A_711 = arith.muli %scan3A_708, %mul3A_710 : i32
        %add3A_712 = arith.constant 0 : i32
        %add3A_713 = arith.addi %mul3A_711, %add3A_712 : i32
        %mul3A_714 = arith.constant 16 : i32
        %mul3A_715 = arith.muli %add3A_713, %mul3A_714 : i32
        %get3A = arith.index_cast %mul3A_715 : i32 to index
        %get3A_716 = tpu.vector_load %arg7[%get3A] {strides = array<i32>} : memref<4096xi32, #tpu.memory_space<vmem>>, vector<16xi32>,
        %mul3A_717 = arith.constant 16 : i32
        %mul3A_718 = arith.muli %add3A_713, %mul3A_717 : i32
        %get3A_719 = arith.index_cast %mul3A_718 : i32 to index
        %get3A_720 = tpu.vector_load %arg9[%get3A_719] {strides = array<i32>} : memref<4096xi32, #tpu.memory_space<vmem>>, vector<16xi32>,
        %shift_right_logical3A = arith.constant 11 : i32
        %shift_right_logical3A_721 = vector.broadcast %shift_right_logical3A : i32 to vector<16xi32>
        %shift_right_logical3A_722 = arith.shrui %get3A_716, %shift_right_logical3A_721 : vector<16xi32>
        %and3A = arith.constant 2047 : i32
        %and3A_723 = vector.broadcast %and3A : i32 to vector<16xi32>
        %and3A_724 = arith.andi %shift_right_logical3A_722, %and3A_723 : vector<16xi32>
        %broadcast_in_dim3A = arith.constant true
        %broadcast_in_dim3A_725 = vector.broadcast %broadcast_in_dim3A : i1 to vector<16xi1>
        %unique3A, %unique3A_726 = tpu.scan_count mask(%broadcast_in_dim3A_725 : vector<16xi1>) value(%and3A_724 : vector<16xi32>) : vector<16xi1>, vector<16xi32>
        %gather3A = tpu.vector_load_idx %arg10[%and3A_724] : memref<2048xi32, #tpu.memory_space<vmem>>[vector<16xi32>], vector<16xi32>,
        %add3A_727 = arith.addi %gather3A, %unique3A_726 : vector<16xi32>
        %sub3A = arith.constant 1 : i32
        %sub3A_728 = vector.broadcast %sub3A : i32 to vector<16xi32>
        %sub3A_729 = arith.subi %add3A_727, %sub3A_728 : vector<16xi32>
        %add3A_730 = arith.constant 1 : i32
        %add3A_731 = vector.broadcast %add3A_730 : i32 to vector<16xi32>
        %add3A_732 = arith.addi %sub3A_729, %add3A_731 : vector<16xi32>
        tpu.vector_store_idx %arg10[%and3A_724], %add3A_732 masked %unique3A : memref<2048xi32, #tpu.memory_space<vmem>>[vector<16xi32>], vector<16xi32>, vector<16xi1>
        tpu.vector_store_idx %arg6[%sub3A_729], %get3A_716 : memref<4096xi32, #tpu.memory_space<vmem>>[vector<16xi32>], vector<16xi32>,
        tpu.vector_store_idx %arg8[%sub3A_729], %get3A_720 : memref<4096xi32, #tpu.memory_space<vmem>>[vector<16xi32>], vector<16xi32>,
        %mul3A_733 = arith.constant 2 : i32
        %mul3A_734 = arith.muli %scan3A_708, %mul3A_733 : i32
        %add3A_735 = arith.constant 1 : i32
        %add3A_736 = arith.addi %mul3A_734, %add3A_735 : i32
        %mul3A_737 = arith.constant 16 : i32
        %mul3A_738 = arith.muli %add3A_736, %mul3A_737 : i32
        %get3A_739 = arith.index_cast %mul3A_738 : i32 to index
        %get3A_740 = tpu.vector_load %arg7[%get3A_739] {strides = array<i32>} : memref<4096xi32, #tpu.memory_space<vmem>>, vector<16xi32>,
        %mul3A_741 = arith.constant 16 : i32
        %mul3A_742 = arith.muli %add3A_736, %mul3A_741 : i32
        %get3A_743 = arith.index_cast %mul3A_742 : i32 to index
        %get3A_744 = tpu.vector_load %arg9[%get3A_743] {strides = array<i32>} : memref<4096xi32, #tpu.memory_space<vmem>>, vector<16xi32>,
        %shift_right_logical3A_745 = arith.constant 11 : i32
        %shift_right_logical3A_746 = vector.broadcast %shift_right_logical3A_745 : i32 to vector<16xi32>
        %shift_right_logical3A_747 = arith.shrui %get3A_740, %shift_right_logical3A_746 : vector<16xi32>
        %and3A_748 = arith.constant 2047 : i32
        %and3A_749 = vector.broadcast %and3A_748 : i32 to vector<16xi32>
        %and3A_750 = arith.andi %shift_right_logical3A_747, %and3A_749 : vector<16xi32>
        %broadcast_in_dim3A_751 = arith.constant true
        %broadcast_in_dim3A_752 = vector.broadcast %broadcast_in_dim3A_751 : i1 to vector<16xi1>
        %unique3A_753, %unique3A_754 = tpu.scan_count mask(%broadcast_in_dim3A_752 : vector<16xi1>) value(%and3A_750 : vector<16xi32>) : vector<16xi1>, vector<16xi32>
        %gather3A_755 = tpu.vector_load_idx %arg10[%and3A_750] : memref<2048xi32, #tpu.memory_space<vmem>>[vector<16xi32>], vector<16xi32>,
        %add3A_756 = arith.addi %gather3A_755, %unique3A_754 : vector<16xi32>
        %sub3A_757 = arith.constant 1 : i32
        %sub3A_758 = vector.broadcast %sub3A_757 : i32 to vector<16xi32>
        %sub3A_759 = arith.subi %add3A_756, %sub3A_758 : vector<16xi32>
        %add3A_760 = arith.constant 1 : i32
        %add3A_761 = vector.broadcast %add3A_760 : i32 to vector<16xi32>
        %add3A_762 = arith.addi %sub3A_759, %add3A_761 : vector<16xi32>
        tpu.vector_store_idx %arg10[%and3A_750], %add3A_762 masked %unique3A_753 : memref<2048xi32, #tpu.memory_space<vmem>>[vector<16xi32>], vector<16xi32>, vector<16xi1>
        tpu.vector_store_idx %arg6[%sub3A_759], %get3A_740 : memref<4096xi32, #tpu.memory_space<vmem>>[vector<16xi32>], vector<16xi32>,
        tpu.vector_store_idx %arg8[%sub3A_759], %get3A_744 : memref<4096xi32, #tpu.memory_space<vmem>>[vector<16xi32>], vector<16xi32>,
        %scan3A_763 = arith.constant 0 : i32
        scf.yield %scan3A_763 : i32
      }
      %scan3A_670 = arith.constant 128 : i32
      %parallel_loop3A_671 = arith.constant 0 : i32
      %parallel_loop3A_672 = arith.constant 128 : i32
      %parallel_loop3A_673 = arith.constant 1 : i32
      scf.for %parallel_loop3A_708 = %parallel_loop3A_671 to %parallel_loop3A_672 step %parallel_loop3A_673  : i32 {
        %parallel_loop3A_709 = arith.constant 0 : i32
        %parallel_loop3A_710 = vector.broadcast %parallel_loop3A_709 : i32 to vector<16xi32>
        %parallel_loop3A_711 = arith.constant 16 : i32
        %parallel_loop3A_712 = arith.muli %parallel_loop3A_708, %parallel_loop3A_711 : i32
        %parallel_loop3A_713 = arith.index_cast %parallel_loop3A_712 : i32 to index
        %parallel_loop3A_714 = tpu.vector_load %arg10[%parallel_loop3A_713] {strides = array<i32>} : memref<2048xi32, #tpu.memory_space<vmem>>, vector<16xi32>,
        tpu.vector_store %arg10[%parallel_loop3A_713], %parallel_loop3A_710 {strides = array<i32>} : memref<2048xi32, #tpu.memory_space<vmem>>, vector<16xi32>,
      } {sc.loop_unroll_factor = 4 : i64, sc.parallel_access}
      %scan3A_674 = arith.constant 0 : i32
      %scan3A_675 = arith.constant 0 : i32
      %scan3A_676 = arith.constant 128 : i32
      %scan3A_677 = arith.addi %scan3A_675, %scan3A_676 : i32
      %scan3A_678 = arith.constant 1 : i32
      %scan3A_679 = scf.for %scan3A_708 = %scan3A_675 to %scan3A_677 step %scan3A_678 iter_args(%scan3A_709 = %scan3A_674) -> (i32)  : i32 {
        %mul3A_710 = arith.constant 2 : i32
        %mul3A_711 = arith.muli %scan3A_708, %mul3A_710 : i32
        %add3A_712 = arith.constant 0 : i32
        %add3A_713 = arith.addi %mul3A_711, %add3A_712 : i32
        %mul3A_714 = arith.constant 16 : i32
        %mul3A_715 = arith.muli %add3A_713, %mul3A_714 : i32
        %get3A = arith.index_cast %mul3A_715 : i32 to index
        %get3A_716 = tpu.vector_load %arg6[%get3A] {strides = array<i32>} : memref<4096xi32, #tpu.memory_space<vmem>>, vector<16xi32>,
        %shift_right_logical3A = arith.constant 22 : i32
        %shift_right_logical3A_717 = vector.broadcast %shift_right_logical3A : i32 to vector<16xi32>
        %shift_right_logical3A_718 = arith.shrui %get3A_716, %shift_right_logical3A_717 : vector<16xi32>
        %and3A = arith.constant 1023 : i32
        %and3A_719 = vector.broadcast %and3A : i32 to vector<16xi32>
        %and3A_720 = arith.andi %shift_right_logical3A_718, %and3A_719 : vector<16xi32>
        %broadcast_in_dim3A = arith.constant true
        %broadcast_in_dim3A_721 = vector.broadcast %broadcast_in_dim3A : i1 to vector<16xi1>
        %unique3A, %unique3A_722 = tpu.scan_count mask(%broadcast_in_dim3A_721 : vector<16xi1>) value(%and3A_720 : vector<16xi32>) : vector<16xi1>, vector<16xi32>
        tpu.vector_store_idx %arg10[%and3A_720], %unique3A_722 masked %unique3A {add = true} : memref<2048xi32, #tpu.memory_space<vmem>>[vector<16xi32>], vector<16xi32>, vector<16xi1>
        %mul3A_723 = arith.constant 2 : i32
        %mul3A_724 = arith.muli %scan3A_708, %mul3A_723 : i32
        %add3A_725 = arith.constant 1 : i32
        %add3A_726 = arith.addi %mul3A_724, %add3A_725 : i32
        %mul3A_727 = arith.constant 16 : i32
        %mul3A_728 = arith.muli %add3A_726, %mul3A_727 : i32
        %get3A_729 = arith.index_cast %mul3A_728 : i32 to index
        %get3A_730 = tpu.vector_load %arg6[%get3A_729] {strides = array<i32>} : memref<4096xi32, #tpu.memory_space<vmem>>, vector<16xi32>,
        %shift_right_logical3A_731 = arith.constant 22 : i32
        %shift_right_logical3A_732 = vector.broadcast %shift_right_logical3A_731 : i32 to vector<16xi32>
        %shift_right_logical3A_733 = arith.shrui %get3A_730, %shift_right_logical3A_732 : vector<16xi32>
        %and3A_734 = arith.constant 1023 : i32
        %and3A_735 = vector.broadcast %and3A_734 : i32 to vector<16xi32>
        %and3A_736 = arith.andi %shift_right_logical3A_733, %and3A_735 : vector<16xi32>
        %broadcast_in_dim3A_737 = arith.constant true
        %broadcast_in_dim3A_738 = vector.broadcast %broadcast_in_dim3A_737 : i1 to vector<16xi1>
        %unique3A_739, %unique3A_740 = tpu.scan_count mask(%broadcast_in_dim3A_738 : vector<16xi1>) value(%and3A_736 : vector<16xi32>) : vector<16xi1>, vector<16xi32>
        tpu.vector_store_idx %arg10[%and3A_736], %unique3A_740 masked %unique3A_739 {add = true} : memref<2048xi32, #tpu.memory_space<vmem>>[vector<16xi32>], vector<16xi32>, vector<16xi1>
        %scan3A_741 = arith.constant 0 : i32
        scf.yield %scan3A_741 : i32
      }
      %scan3A_680 = arith.constant 128 : i32
      %parallel_loop3A_681 = arith.constant 0 : i32
      %parallel_loop3A_682 = arith.constant 128 : i32
      %parallel_loop3A_683 = arith.constant 1 : i32
      scf.for %parallel_loop3A_708 = %parallel_loop3A_681 to %parallel_loop3A_682 step %parallel_loop3A_683  : i32 {
        %parallel_loop3A_709 = arith.constant 16 : i32
        %parallel_loop3A_710 = arith.muli %parallel_loop3A_708, %parallel_loop3A_709 : i32
        %parallel_loop3A_711 = arith.index_cast %parallel_loop3A_710 : i32 to index
        %parallel_loop3A_712 = tpu.vector_load %arg10[%parallel_loop3A_711] {strides = array<i32>} : memref<2048xi32, #tpu.memory_space<vmem>>, vector<16xi32>,
        %parallel_loop3A_713 = arith.constant true
        %parallel_loop3A_714 = vector.broadcast %parallel_loop3A_713 : i1 to vector<16xi1>
        %parallel_loop3A_715 = tpu.scan <sum>, %parallel_loop3A_712 masked %parallel_loop3A_714 : vector<16xi32>, vector<16xi1> -> vector<16xi32>
        %parallel_loop3A_716 = vector.extract %parallel_loop3A_715[15] : i32 from vector<16xi32>
        %parallel_loop3A_717 = arith.index_cast %parallel_loop3A_708 : i32 to index
        %parallel_loop3A_718 = memref.load %arg11[%parallel_loop3A_717] : memref<128xi32, #tpu.memory_space<smem>>
        memref.store %parallel_loop3A_716, %arg11[%parallel_loop3A_717] : memref<128xi32, #tpu.memory_space<smem>>
      } {sc.loop_unroll_factor = 2 : i64, sc.parallel_access}
      %scan3A_684 = arith.constant 0 : i32
      %scan3A_685 = arith.constant 0 : i32
      %scan3A_686 = arith.constant 128 : i32
      %scan3A_687 = arith.addi %scan3A_685, %scan3A_686 : i32
      %scan3A_688 = arith.constant 1 : i32
      %scan3A_689 = scf.for %scan3A_708 = %scan3A_685 to %scan3A_687 step %scan3A_688 iter_args(%scan3A_709 = %scan3A_684) -> (i32)  : i32 {
        %get3A = arith.index_cast %scan3A_708 : i32 to index
        %get3A_710 = memref.load %arg11[%get3A] : memref<128xi32, #tpu.memory_space<smem>>
        %swap3A = arith.index_cast %scan3A_708 : i32 to index
        %swap3A_711 = memref.load %arg12[%swap3A] : memref<128xi32, #tpu.memory_space<smem>>
        memref.store %scan3A_709, %arg12[%swap3A] : memref<128xi32, #tpu.memory_space<smem>>
        %add3A_712 = arith.addi %scan3A_709, %get3A_710 : i32
        scf.yield %add3A_712 : i32
      }
      %scan3A_690 = arith.constant 128 : i32
      %scan3A_691 = arith.constant 0 : i32
      %scan3A_692 = arith.constant 0 : i32
      %scan3A_693 = arith.constant 128 : i32
      %scan3A_694 = arith.addi %scan3A_692, %scan3A_693 : i32
      %scan3A_695 = arith.constant 1 : i32
      %scan3A_696 = scf.for %scan3A_708 = %scan3A_692 to %scan3A_694 step %scan3A_695 iter_args(%scan3A_709 = %scan3A_691) -> (i32)  : i32 {
        %mul3A_710 = arith.constant 16 : i32
        %mul3A_711 = arith.muli %scan3A_708, %mul3A_710 : i32
        %get3A = arith.index_cast %mul3A_711 : i32 to index
        %get3A_712 = tpu.vector_load %arg10[%get3A] {strides = array<i32>} : memref<2048xi32, #tpu.memory_space<vmem>>, vector<16xi32>,
        %broadcast_in_dim3A = arith.constant true
        %broadcast_in_dim3A_713 = vector.broadcast %broadcast_in_dim3A : i1 to vector<16xi1>
        %masked_cumsum3A = tpu.scan <sum>, %get3A_712 masked %broadcast_in_dim3A_713 : vector<16xi32>, vector<16xi1> -> vector<16xi32>
        %sub3A = arith.subi %masked_cumsum3A, %get3A_712 : vector<16xi32>
        %get3A_714 = arith.index_cast %scan3A_708 : i32 to index
        %get3A_715 = memref.load %arg12[%get3A_714] : memref<128xi32, #tpu.memory_space<smem>>
        %add3A_716 = vector.broadcast %get3A_715 : i32 to vector<16xi32>
        %add3A_717 = arith.addi %sub3A, %add3A_716 : vector<16xi32>
        %mul3A_718 = arith.constant 16 : i32
        %mul3A_719 = arith.muli %scan3A_708, %mul3A_718 : i32
        %swap3A = arith.index_cast %mul3A_719 : i32 to index
        %swap3A_720 = tpu.vector_load %arg10[%swap3A] {strides = array<i32>} : memref<2048xi32, #tpu.memory_space<vmem>>, vector<16xi32>,
        tpu.vector_store %arg10[%swap3A], %add3A_717 {strides = array<i32>} : memref<2048xi32, #tpu.memory_space<vmem>>, vector<16xi32>,
        %scan3A_721 = arith.constant 0 : i32
        scf.yield %scan3A_721 : i32
      }
      %scan3A_697 = arith.constant 128 : i32
      %scan3A_698 = arith.constant 0 : i32
      %scan3A_699 = arith.constant 0 : i32
      %scan3A_700 = arith.constant 128 : i32
      %scan3A_701 = arith.addi %scan3A_699, %scan3A_700 : i32
      %scan3A_702 = arith.constant 1 : i32
      %scan3A_703 = scf.for %scan3A_708 = %scan3A_699 to %scan3A_701 step %scan3A_702 iter_args(%scan3A_709 = %scan3A_698) -> (i32)  : i32 {
        %mul3A_710 = arith.constant 2 : i32
        %mul3A_711 = arith.muli %scan3A_708, %mul3A_710 : i32
        %add3A_712 = arith.constant 0 : i32
        %add3A_713 = arith.addi %mul3A_711, %add3A_712 : i32
        %mul3A_714 = arith.constant 16 : i32
        %mul3A_715 = arith.muli %add3A_713, %mul3A_714 : i32
        %get3A = arith.index_cast %mul3A_715 : i32 to index
        %get3A_716 = tpu.vector_load %arg6[%get3A] {strides = array<i32>} : memref<4096xi32, #tpu.memory_space<vmem>>, vector<16xi32>,
        %mul3A_717 = arith.constant 16 : i32
        %mul3A_718 = arith.muli %add3A_713, %mul3A_717 : i32
        %get3A_719 = arith.index_cast %mul3A_718 : i32 to index
        %get3A_720 = tpu.vector_load %arg8[%get3A_719] {strides = array<i32>} : memref<4096xi32, #tpu.memory_space<vmem>>, vector<16xi32>,
        %shift_right_logical3A = arith.constant 22 : i32
        %shift_right_logical3A_721 = vector.broadcast %shift_right_logical3A : i32 to vector<16xi32>
        %shift_right_logical3A_722 = arith.shrui %get3A_716, %shift_right_logical3A_721 : vector<16xi32>
        %and3A = arith.constant 1023 : i32
        %and3A_723 = vector.broadcast %and3A : i32 to vector<16xi32>
        %and3A_724 = arith.andi %shift_right_logical3A_722, %and3A_723 : vector<16xi32>
        %broadcast_in_dim3A = arith.constant true
        %broadcast_in_dim3A_725 = vector.broadcast %broadcast_in_dim3A : i1 to vector<16xi1>
        %unique3A, %unique3A_726 = tpu.scan_count mask(%broadcast_in_dim3A_725 : vector<16xi1>) value(%and3A_724 : vector<16xi32>) : vector<16xi1>, vector<16xi32>
        %gather3A = tpu.vector_load_idx %arg10[%and3A_724] : memref<2048xi32, #tpu.memory_space<vmem>>[vector<16xi32>], vector<16xi32>,
        %add3A_727 = arith.addi %gather3A, %unique3A_726 : vector<16xi32>
        %sub3A = arith.constant 1 : i32
        %sub3A_728 = vector.broadcast %sub3A : i32 to vector<16xi32>
        %sub3A_729 = arith.subi %add3A_727, %sub3A_728 : vector<16xi32>
        %add3A_730 = arith.constant 1 : i32
        %add3A_731 = vector.broadcast %add3A_730 : i32 to vector<16xi32>
        %add3A_732 = arith.addi %sub3A_729, %add3A_731 : vector<16xi32>
        tpu.vector_store_idx %arg10[%and3A_724], %add3A_732 masked %unique3A : memref<2048xi32, #tpu.memory_space<vmem>>[vector<16xi32>], vector<16xi32>, vector<16xi1>
        tpu.vector_store_idx %arg7[%sub3A_729], %get3A_716 : memref<4096xi32, #tpu.memory_space<vmem>>[vector<16xi32>], vector<16xi32>,
        tpu.vector_store_idx %arg9[%sub3A_729], %get3A_720 : memref<4096xi32, #tpu.memory_space<vmem>>[vector<16xi32>], vector<16xi32>,
        %mul3A_733 = arith.constant 2 : i32
        %mul3A_734 = arith.muli %scan3A_708, %mul3A_733 : i32
        %add3A_735 = arith.constant 1 : i32
        %add3A_736 = arith.addi %mul3A_734, %add3A_735 : i32
        %mul3A_737 = arith.constant 16 : i32
        %mul3A_738 = arith.muli %add3A_736, %mul3A_737 : i32
        %get3A_739 = arith.index_cast %mul3A_738 : i32 to index
        %get3A_740 = tpu.vector_load %arg6[%get3A_739] {strides = array<i32>} : memref<4096xi32, #tpu.memory_space<vmem>>, vector<16xi32>,
        %mul3A_741 = arith.constant 16 : i32
        %mul3A_742 = arith.muli %add3A_736, %mul3A_741 : i32
        %get3A_743 = arith.index_cast %mul3A_742 : i32 to index
        %get3A_744 = tpu.vector_load %arg8[%get3A_743] {strides = array<i32>} : memref<4096xi32, #tpu.memory_space<vmem>>, vector<16xi32>,
        %shift_right_logical3A_745 = arith.constant 22 : i32
        %shift_right_logical3A_746 = vector.broadcast %shift_right_logical3A_745 : i32 to vector<16xi32>
        %shift_right_logical3A_747 = arith.shrui %get3A_740, %shift_right_logical3A_746 : vector<16xi32>
        %and3A_748 = arith.constant 1023 : i32
        %and3A_749 = vector.broadcast %and3A_748 : i32 to vector<16xi32>
        %and3A_750 = arith.andi %shift_right_logical3A_747, %and3A_749 : vector<16xi32>
        %broadcast_in_dim3A_751 = arith.constant true
        %broadcast_in_dim3A_752 = vector.broadcast %broadcast_in_dim3A_751 : i1 to vector<16xi1>
        %unique3A_753, %unique3A_754 = tpu.scan_count mask(%broadcast_in_dim3A_752 : vector<16xi1>) value(%and3A_750 : vector<16xi32>) : vector<16xi1>, vector<16xi32>
        %gather3A_755 = tpu.vector_load_idx %arg10[%and3A_750] : memref<2048xi32, #tpu.memory_space<vmem>>[vector<16xi32>], vector<16xi32>,
        %add3A_756 = arith.addi %gather3A_755, %unique3A_754 : vector<16xi32>
        %sub3A_757 = arith.constant 1 : i32
        %sub3A_758 = vector.broadcast %sub3A_757 : i32 to vector<16xi32>
        %sub3A_759 = arith.subi %add3A_756, %sub3A_758 : vector<16xi32>
        %add3A_760 = arith.constant 1 : i32
        %add3A_761 = vector.broadcast %add3A_760 : i32 to vector<16xi32>
        %add3A_762 = arith.addi %sub3A_759, %add3A_761 : vector<16xi32>
        tpu.vector_store_idx %arg10[%and3A_750], %add3A_762 masked %unique3A_753 : memref<2048xi32, #tpu.memory_space<vmem>>[vector<16xi32>], vector<16xi32>, vector<16xi1>
        tpu.vector_store_idx %arg7[%sub3A_759], %get3A_740 : memref<4096xi32, #tpu.memory_space<vmem>>[vector<16xi32>], vector<16xi32>,
        tpu.vector_store_idx %arg9[%sub3A_759], %get3A_744 : memref<4096xi32, #tpu.memory_space<vmem>>[vector<16xi32>], vector<16xi32>,
        %scan3A_763 = arith.constant 0 : i32
        scf.yield %scan3A_763 : i32
      }
      %scan3A_704 = arith.constant 128 : i32
      %parallel_loop3A_705 = arith.constant 0 : i32
      %parallel_loop3A_706 = arith.constant 64 : i32
      %parallel_loop3A_707 = arith.constant 1 : i32
      scf.for %parallel_loop3A_708 = %parallel_loop3A_705 to %parallel_loop3A_706 step %parallel_loop3A_707  : i32 {
        %parallel_loop3A_709 = arith.constant 16 : i32
        %parallel_loop3A_710 = arith.muli %parallel_loop3A_708, %parallel_loop3A_709 : i32
        %parallel_loop3A_711 = arith.index_cast %parallel_loop3A_710 : i32 to index
        %parallel_loop3A_712 = tpu.vector_load %arg9[%parallel_loop3A_711] {strides = array<i32>} : memref<4096xi32, #tpu.memory_space<vmem>>, vector<16xi32>,
        %parallel_loop3A_713 = tpu.vector_load_idx %arg5[%parallel_loop3A_712] : memref<4096xf32, #tpu.memory_space<vmem>>[vector<16xi32>], vector<16xf32>,
        %parallel_loop3A_714 = arith.constant 16 : i32
        %parallel_loop3A_715 = arith.muli %parallel_loop3A_708, %parallel_loop3A_714 : i32
        %parallel_loop3A_716 = arith.index_cast %parallel_loop3A_715 : i32 to index
        %parallel_loop3A_717 = tpu.vector_load %arg13[%parallel_loop3A_716] {strides = array<i32>} : memref<1024xf32, #tpu.memory_space<vmem>>, vector<16xf32>,
        tpu.vector_store %arg13[%parallel_loop3A_716], %parallel_loop3A_713 {strides = array<i32>} : memref<1024xf32, #tpu.memory_space<vmem>>, vector<16xf32>,
      } {sc.loop_unroll_factor = 4 : i64, sc.parallel_access}
      "tpu.region"() ({
        %run_scoped3A_708 = tpu.sem_alloc : memref<!tpu.dma_semaphore, #tpu.memory_space<semaphore_mem>>
        %dma_start3A_709 = arith.constant 0 : i32
        %dma_start3A_710 = tpu.memref_slice %arg9[%dma_start3A_709] : memref<4096xi32, #tpu.memory_space<vmem>> -> memref<1024xi32, #tpu.memory_space<vmem>>
        %dma_start3A_711 = arith.constant 0 : i32
        %dma_start3A_712 = tpu.memref_slice %arg18[%arg1, %dma_start3A_711] : memref<2x1024xi32, #tpu.memory_space<vmem_shared>> -> memref<1x1024xi32, #tpu.memory_space<vmem_shared>>
        %dma_start3A_713 = tpu.memref_squeeze %dma_start3A_712 : memref<1x1024xi32, #tpu.memory_space<vmem_shared>> -> memref<1024xi32, #tpu.memory_space<vmem_shared>>
        %dma_start3A_714 = arith.constant 0 : i32
        %dma_start3A_715 = tpu.memref_slice %arg18[%arg1, %dma_start3A_714] : memref<2x1024xi32, #tpu.memory_space<vmem_shared>> -> memref<1x1024xi32, #tpu.memory_space<vmem_shared>>
        %dma_start3A_716 = tpu.memref_squeeze %dma_start3A_715 : memref<1x1024xi32, #tpu.memory_space<vmem_shared>> -> memref<1024xi32, #tpu.memory_space<vmem_shared>>
        %dma_start3A_717 = arith.constant 0 : i32
        %dma_start3A_718 = tpu.memref_slice %arg9[%dma_start3A_717] : memref<4096xi32, #tpu.memory_space<vmem>> -> memref<1024xi32, #tpu.memory_space<vmem>>
        tpu.enqueue_dma source(%dma_start3A_718 : memref<1024xi32, #tpu.memory_space<vmem>>) target(%dma_start3A_716 : memref<1024xi32, #tpu.memory_space<vmem_shared>>) target_semaphore(%run_scoped3A_708 : memref<!tpu.dma_semaphore, #tpu.memory_space<semaphore_mem>>)
        %dma_wait3A_719 = arith.constant 0 : i32
        %dma_wait3A_720 = tpu.memref_slice %arg9[%dma_wait3A_719] : memref<4096xi32, #tpu.memory_space<vmem>> -> memref<1024xi32, #tpu.memory_space<vmem>>
        %dma_wait3A_721 = arith.constant 0 : i32
        %dma_wait3A_722 = tpu.memref_slice %arg18[%arg1, %dma_wait3A_721] : memref<2x1024xi32, #tpu.memory_space<vmem_shared>> -> memref<1x1024xi32, #tpu.memory_space<vmem_shared>>
        %dma_wait3A_723 = tpu.memref_squeeze %dma_wait3A_722 : memref<1x1024xi32, #tpu.memory_space<vmem_shared>> -> memref<1024xi32, #tpu.memory_space<vmem_shared>>
        %dma_wait3A_724 = arith.constant 0 : i32
        %dma_wait3A_725 = tpu.memref_slice %arg18[%arg1, %dma_wait3A_724] : memref<2x1024xi32, #tpu.memory_space<vmem_shared>> -> memref<1x1024xi32, #tpu.memory_space<vmem_shared>>
        %dma_wait3A_726 = tpu.memref_squeeze %dma_wait3A_725 : memref<1x1024xi32, #tpu.memory_space<vmem_shared>> -> memref<1024xi32, #tpu.memory_space<vmem_shared>>
        %dma_wait3A_727 = arith.constant 0 : i32
        %dma_wait3A_728 = tpu.memref_slice %arg9[%dma_wait3A_727] : memref<4096xi32, #tpu.memory_space<vmem>> -> memref<1024xi32, #tpu.memory_space<vmem>>
        tpu.wait_dma2 semaphore(%run_scoped3A_708 : memref<!tpu.dma_semaphore, #tpu.memory_space<semaphore_mem>>) src(%dma_wait3A_728 : memref<1024xi32, #tpu.memory_space<vmem>>) dst(%dma_wait3A_726 : memref<1024xi32, #tpu.memory_space<vmem_shared>>)
        tpu.yield
      }) : () -> ()
      "tpu.region"() ({
        %run_scoped3A_708 = tpu.sem_alloc : memref<!tpu.dma_semaphore, #tpu.memory_space<semaphore_mem>>
        %dma_start3A_709 = arith.constant 0 : i32
        %dma_start3A_710 = tpu.memref_slice %arg19[%arg1, %dma_start3A_709] : memref<2x1024xf32, #tpu.memory_space<vmem_shared>> -> memref<1x1024xf32, #tpu.memory_space<vmem_shared>>
        %dma_start3A_711 = tpu.memref_squeeze %dma_start3A_710 : memref<1x1024xf32, #tpu.memory_space<vmem_shared>> -> memref<1024xf32, #tpu.memory_space<vmem_shared>>
        %dma_start3A_712 = arith.constant 0 : i32
        %dma_start3A_713 = tpu.memref_slice %arg19[%arg1, %dma_start3A_712] : memref<2x1024xf32, #tpu.memory_space<vmem_shared>> -> memref<1x1024xf32, #tpu.memory_space<vmem_shared>>
        %dma_start3A_714 = tpu.memref_squeeze %dma_start3A_713 : memref<1x1024xf32, #tpu.memory_space<vmem_shared>> -> memref<1024xf32, #tpu.memory_space<vmem_shared>>
        tpu.enqueue_dma source(%arg13 : memref<1024xf32, #tpu.memory_space<vmem>>) target(%dma_start3A_714 : memref<1024xf32, #tpu.memory_space<vmem_shared>>) target_semaphore(%run_scoped3A_708 : memref<!tpu.dma_semaphore, #tpu.memory_space<semaphore_mem>>)
        %dma_wait3A_715 = arith.constant 0 : i32
        %dma_wait3A_716 = tpu.memref_slice %arg19[%arg1, %dma_wait3A_715] : memref<2x1024xf32, #tpu.memory_space<vmem_shared>> -> memref<1x1024xf32, #tpu.memory_space<vmem_shared>>
        %dma_wait3A_717 = tpu.memref_squeeze %dma_wait3A_716 : memref<1x1024xf32, #tpu.memory_space<vmem_shared>> -> memref<1024xf32, #tpu.memory_space<vmem_shared>>
        %dma_wait3A_718 = arith.constant 0 : i32
        %dma_wait3A_719 = tpu.memref_slice %arg19[%arg1, %dma_wait3A_718] : memref<2x1024xf32, #tpu.memory_space<vmem_shared>> -> memref<1x1024xf32, #tpu.memory_space<vmem_shared>>
        %dma_wait3A_720 = tpu.memref_squeeze %dma_wait3A_719 : memref<1x1024xf32, #tpu.memory_space<vmem_shared>> -> memref<1024xf32, #tpu.memory_space<vmem_shared>>
        tpu.wait_dma2 semaphore(%run_scoped3A_708 : memref<!tpu.dma_semaphore, #tpu.memory_space<semaphore_mem>>) src(%arg13 : memref<1024xf32, #tpu.memory_space<vmem>>) dst(%dma_wait3A_720 : memref<1024xf32, #tpu.memory_space<vmem_shared>>)
        tpu.yield
      }) : () -> ()
    } else {
    }
    %barrier3A = arith.constant 0 : index
    tpu.barrier barrier_id(%barrier3A)
    %mul3A_4 = arith.constant 64 : i32
    %mul3A_5 = arith.muli %mul3A_4, %arg1 : i32
    %run_scoped3A = arith.constant 0 : i32
    "tpu.region"() ({
      %run_scoped3A_598 = tpu.sem_alloc : memref<!tpu.dma_semaphore, #tpu.memory_space<semaphore_mem>>
      %dma_start3A_599 = arith.constant 0 : i32
      %dma_start3A_600 = tpu.memref_slice %arg14[%dma_start3A_599] : memref<128xi32, #tpu.memory_space<vmem>> -> memref<64xi32, #tpu.memory_space<vmem>>
      %dma_start3A_601 = tpu.memref_slice %arg18[%run_scoped3A, %mul3A_5] : memref<2x1024xi32, #tpu.memory_space<vmem_shared>> -> memref<1x64xi32, #tpu.memory_space<vmem_shared>>
      %dma_start3A_602 = tpu.memref_squeeze %dma_start3A_601 : memref<1x64xi32, #tpu.memory_space<vmem_shared>> -> memref<64xi32, #tpu.memory_space<vmem_shared>>
      %dma_start3A_603 = arith.constant 0 : i32
      %dma_start3A_604 = tpu.memref_slice %arg14[%dma_start3A_603] : memref<128xi32, #tpu.memory_space<vmem>> -> memref<64xi32, #tpu.memory_space<vmem>>
      %dma_start3A_605 = tpu.memref_slice %arg18[%run_scoped3A, %mul3A_5] : memref<2x1024xi32, #tpu.memory_space<vmem_shared>> -> memref<1x64xi32, #tpu.memory_space<vmem_shared>>
      %dma_start3A_606 = tpu.memref_squeeze %dma_start3A_605 : memref<1x64xi32, #tpu.memory_space<vmem_shared>> -> memref<64xi32, #tpu.memory_space<vmem_shared>>
      tpu.enqueue_dma source(%dma_start3A_606 : memref<64xi32, #tpu.memory_space<vmem_shared>>) target(%dma_start3A_604 : memref<64xi32, #tpu.memory_space<vmem>>) target_semaphore(%run_scoped3A_598 : memref<!tpu.dma_semaphore, #tpu.memory_space<semaphore_mem>>)
      %dma_wait3A_607 = arith.constant 0 : i32
      %dma_wait3A_608 = tpu.memref_slice %arg14[%dma_wait3A_607] : memref<128xi32, #tpu.memory_space<vmem>> -> memref<64xi32, #tpu.memory_space<vmem>>
      %dma_wait3A_609 = tpu.memref_slice %arg18[%run_scoped3A, %mul3A_5] : memref<2x1024xi32, #tpu.memory_space<vmem_shared>> -> memref<1x64xi32, #tpu.memory_space<vmem_shared>>
      %dma_wait3A_610 = tpu.memref_squeeze %dma_wait3A_609 : memref<1x64xi32, #tpu.memory_space<vmem_shared>> -> memref<64xi32, #tpu.memory_space<vmem_shared>>
      %dma_wait3A_611 = arith.constant 0 : i32
      %dma_wait3A_612 = tpu.memref_slice %arg14[%dma_wait3A_611] : memref<128xi32, #tpu.memory_space<vmem>> -> memref<64xi32, #tpu.memory_space<vmem>>
      %dma_wait3A_613 = tpu.memref_slice %arg18[%run_scoped3A, %mul3A_5] : memref<2x1024xi32, #tpu.memory_space<vmem_shared>> -> memref<1x64xi32, #tpu.memory_space<vmem_shared>>
      %dma_wait3A_614 = tpu.memref_squeeze %dma_wait3A_613 : memref<1x64xi32, #tpu.memory_space<vmem_shared>> -> memref<64xi32, #tpu.memory_space<vmem_shared>>
      tpu.wait_dma2 semaphore(%run_scoped3A_598 : memref<!tpu.dma_semaphore, #tpu.memory_space<semaphore_mem>>) src(%dma_wait3A_614 : memref<64xi32, #tpu.memory_space<vmem_shared>>) dst(%dma_wait3A_612 : memref<64xi32, #tpu.memory_space<vmem>>)
      tpu.yield
    }) : () -> ()
    %mul3A_6 = arith.constant 64 : i32
    %mul3A_7 = arith.muli %mul3A_6, %arg1 : i32
    %run_scoped3A_8 = arith.constant 0 : i32
    "tpu.region"() ({
      %run_scoped3A_598 = tpu.sem_alloc : memref<!tpu.dma_semaphore, #tpu.memory_space<semaphore_mem>>
      %dma_start3A_599 = arith.constant 0 : i32
      %dma_start3A_600 = tpu.memref_slice %arg15[%dma_start3A_599] : memref<128xf32, #tpu.memory_space<vmem>> -> memref<64xf32, #tpu.memory_space<vmem>>
      %dma_start3A_601 = tpu.memref_slice %arg19[%run_scoped3A_8, %mul3A_7] : memref<2x1024xf32, #tpu.memory_space<vmem_shared>> -> memref<1x64xf32, #tpu.memory_space<vmem_shared>>
      %dma_start3A_602 = tpu.memref_squeeze %dma_start3A_601 : memref<1x64xf32, #tpu.memory_space<vmem_shared>> -> memref<64xf32, #tpu.memory_space<vmem_shared>>
      %dma_start3A_603 = arith.constant 0 : i32
      %dma_start3A_604 = tpu.memref_slice %arg15[%dma_start3A_603] : memref<128xf32, #tpu.memory_space<vmem>> -> memref<64xf32, #tpu.memory_space<vmem>>
      %dma_start3A_605 = tpu.memref_slice %arg19[%run_scoped3A_8, %mul3A_7] : memref<2x1024xf32, #tpu.memory_space<vmem_shared>> -> memref<1x64xf32, #tpu.memory_space<vmem_shared>>
      %dma_start3A_606 = tpu.memref_squeeze %dma_start3A_605 : memref<1x64xf32, #tpu.memory_space<vmem_shared>> -> memref<64xf32, #tpu.memory_space<vmem_shared>>
      tpu.enqueue_dma source(%dma_start3A_606 : memref<64xf32, #tpu.memory_space<vmem_shared>>) target(%dma_start3A_604 : memref<64xf32, #tpu.memory_space<vmem>>) target_semaphore(%run_scoped3A_598 : memref<!tpu.dma_semaphore, #tpu.memory_space<semaphore_mem>>)
      %dma_wait3A_607 = arith.constant 0 : i32
      %dma_wait3A_608 = tpu.memref_slice %arg15[%dma_wait3A_607] : memref<128xf32, #tpu.memory_space<vmem>> -> memref<64xf32, #tpu.memory_space<vmem>>
      %dma_wait3A_609 = tpu.memref_slice %arg19[%run_scoped3A_8, %mul3A_7] : memref<2x1024xf32, #tpu.memory_space<vmem_shared>> -> memref<1x64xf32, #tpu.memory_space<vmem_shared>>
      %dma_wait3A_610 = tpu.memref_squeeze %dma_wait3A_609 : memref<1x64xf32, #tpu.memory_space<vmem_shared>> -> memref<64xf32, #tpu.memory_space<vmem_shared>>
      %dma_wait3A_611 = arith.constant 0 : i32
      %dma_wait3A_612 = tpu.memref_slice %arg15[%dma_wait3A_611] : memref<128xf32, #tpu.memory_space<vmem>> -> memref<64xf32, #tpu.memory_space<vmem>>
      %dma_wait3A_613 = tpu.memref_slice %arg19[%run_scoped3A_8, %mul3A_7] : memref<2x1024xf32, #tpu.memory_space<vmem_shared>> -> memref<1x64xf32, #tpu.memory_space<vmem_shared>>
      %dma_wait3A_614 = tpu.memref_squeeze %dma_wait3A_613 : memref<1x64xf32, #tpu.memory_space<vmem_shared>> -> memref<64xf32, #tpu.memory_space<vmem_shared>>
      tpu.wait_dma2 semaphore(%run_scoped3A_598 : memref<!tpu.dma_semaphore, #tpu.memory_space<semaphore_mem>>) src(%dma_wait3A_614 : memref<64xf32, #tpu.memory_space<vmem_shared>>) dst(%dma_wait3A_612 : memref<64xf32, #tpu.memory_space<vmem>>)
      tpu.yield
    }) : () -> ()
    %mul3A_9 = arith.constant 64 : i32
    %mul3A_10 = arith.muli %mul3A_9, %arg1 : i32
    %run_scoped3A_11 = arith.constant 1 : i32
    "tpu.region"() ({
      %run_scoped3A_598 = tpu.sem_alloc : memref<!tpu.dma_semaphore, #tpu.memory_space<semaphore_mem>>
      %dma_start3A_599 = arith.constant 64 : i32
      %dma_start3A_600 = tpu.memref_slice %arg14[%dma_start3A_599] : memref<128xi32, #tpu.memory_space<vmem>> -> memref<64xi32, #tpu.memory_space<vmem>>
      %dma_start3A_601 = tpu.memref_slice %arg18[%run_scoped3A_11, %mul3A_10] : memref<2x1024xi32, #tpu.memory_space<vmem_shared>> -> memref<1x64xi32, #tpu.memory_space<vmem_shared>>
      %dma_start3A_602 = tpu.memref_squeeze %dma_start3A_601 : memref<1x64xi32, #tpu.memory_space<vmem_shared>> -> memref<64xi32, #tpu.memory_space<vmem_shared>>
      %dma_start3A_603 = arith.constant 64 : i32
      %dma_start3A_604 = tpu.memref_slice %arg14[%dma_start3A_603] : memref<128xi32, #tpu.memory_space<vmem>> -> memref<64xi32, #tpu.memory_space<vmem>>
      %dma_start3A_605 = tpu.memref_slice %arg18[%run_scoped3A_11, %mul3A_10] : memref<2x1024xi32, #tpu.memory_space<vmem_shared>> -> memref<1x64xi32, #tpu.memory_space<vmem_shared>>
      %dma_start3A_606 = tpu.memref_squeeze %dma_start3A_605 : memref<1x64xi32, #tpu.memory_space<vmem_shared>> -> memref<64xi32, #tpu.memory_space<vmem_shared>>
      tpu.enqueue_dma source(%dma_start3A_606 : memref<64xi32, #tpu.memory_space<vmem_shared>>) target(%dma_start3A_604 : memref<64xi32, #tpu.memory_space<vmem>>) target_semaphore(%run_scoped3A_598 : memref<!tpu.dma_semaphore, #tpu.memory_space<semaphore_mem>>)
      %dma_wait3A_607 = arith.constant 64 : i32
      %dma_wait3A_608 = tpu.memref_slice %arg14[%dma_wait3A_607] : memref<128xi32, #tpu.memory_space<vmem>> -> memref<64xi32, #tpu.memory_space<vmem>>
      %dma_wait3A_609 = tpu.memref_slice %arg18[%run_scoped3A_11, %mul3A_10] : memref<2x1024xi32, #tpu.memory_space<vmem_shared>> -> memref<1x64xi32, #tpu.memory_space<vmem_shared>>
      %dma_wait3A_610 = tpu.memref_squeeze %dma_wait3A_609 : memref<1x64xi32, #tpu.memory_space<vmem_shared>> -> memref<64xi32, #tpu.memory_space<vmem_shared>>
      %dma_wait3A_611 = arith.constant 64 : i32
      %dma_wait3A_612 = tpu.memref_slice %arg14[%dma_wait3A_611] : memref<128xi32, #tpu.memory_space<vmem>> -> memref<64xi32, #tpu.memory_space<vmem>>
      %dma_wait3A_613 = tpu.memref_slice %arg18[%run_scoped3A_11, %mul3A_10] : memref<2x1024xi32, #tpu.memory_space<vmem_shared>> -> memref<1x64xi32, #tpu.memory_space<vmem_shared>>
      %dma_wait3A_614 = tpu.memref_squeeze %dma_wait3A_613 : memref<1x64xi32, #tpu.memory_space<vmem_shared>> -> memref<64xi32, #tpu.memory_space<vmem_shared>>
      tpu.wait_dma2 semaphore(%run_scoped3A_598 : memref<!tpu.dma_semaphore, #tpu.memory_space<semaphore_mem>>) src(%dma_wait3A_614 : memref<64xi32, #tpu.memory_space<vmem_shared>>) dst(%dma_wait3A_612 : memref<64xi32, #tpu.memory_space<vmem>>)
      tpu.yield
    }) : () -> ()
    %mul3A_12 = arith.constant 64 : i32
    %mul3A_13 = arith.muli %mul3A_12, %arg1 : i32
    %run_scoped3A_14 = arith.constant 1 : i32
    "tpu.region"() ({
      %run_scoped3A_598 = tpu.sem_alloc : memref<!tpu.dma_semaphore, #tpu.memory_space<semaphore_mem>>
      %dma_start3A_599 = arith.constant 64 : i32
      %dma_start3A_600 = tpu.memref_slice %arg15[%dma_start3A_599] : memref<128xf32, #tpu.memory_space<vmem>> -> memref<64xf32, #tpu.memory_space<vmem>>
      %dma_start3A_601 = tpu.memref_slice %arg19[%run_scoped3A_14, %mul3A_13] : memref<2x1024xf32, #tpu.memory_space<vmem_shared>> -> memref<1x64xf32, #tpu.memory_space<vmem_shared>>
      %dma_start3A_602 = tpu.memref_squeeze %dma_start3A_601 : memref<1x64xf32, #tpu.memory_space<vmem_shared>> -> memref<64xf32, #tpu.memory_space<vmem_shared>>
      %dma_start3A_603 = arith.constant 64 : i32
      %dma_start3A_604 = tpu.memref_slice %arg15[%dma_start3A_603] : memref<128xf32, #tpu.memory_space<vmem>> -> memref<64xf32, #tpu.memory_space<vmem>>
      %dma_start3A_605 = tpu.memref_slice %arg19[%run_scoped3A_14, %mul3A_13] : memref<2x1024xf32, #tpu.memory_space<vmem_shared>> -> memref<1x64xf32, #tpu.memory_space<vmem_shared>>
      %dma_start3A_606 = tpu.memref_squeeze %dma_start3A_605 : memref<1x64xf32, #tpu.memory_space<vmem_shared>> -> memref<64xf32, #tpu.memory_space<vmem_shared>>
      tpu.enqueue_dma source(%dma_start3A_606 : memref<64xf32, #tpu.memory_space<vmem_shared>>) target(%dma_start3A_604 : memref<64xf32, #tpu.memory_space<vmem>>) target_semaphore(%run_scoped3A_598 : memref<!tpu.dma_semaphore, #tpu.memory_space<semaphore_mem>>)
      %dma_wait3A_607 = arith.constant 64 : i32
      %dma_wait3A_608 = tpu.memref_slice %arg15[%dma_wait3A_607] : memref<128xf32, #tpu.memory_space<vmem>> -> memref<64xf32, #tpu.memory_space<vmem>>
      %dma_wait3A_609 = tpu.memref_slice %arg19[%run_scoped3A_14, %mul3A_13] : memref<2x1024xf32, #tpu.memory_space<vmem_shared>> -> memref<1x64xf32, #tpu.memory_space<vmem_shared>>
      %dma_wait3A_610 = tpu.memref_squeeze %dma_wait3A_609 : memref<1x64xf32, #tpu.memory_space<vmem_shared>> -> memref<64xf32, #tpu.memory_space<vmem_shared>>
      %dma_wait3A_611 = arith.constant 64 : i32
      %dma_wait3A_612 = tpu.memref_slice %arg15[%dma_wait3A_611] : memref<128xf32, #tpu.memory_space<vmem>> -> memref<64xf32, #tpu.memory_space<vmem>>
      %dma_wait3A_613 = tpu.memref_slice %arg19[%run_scoped3A_14, %mul3A_13] : memref<2x1024xf32, #tpu.memory_space<vmem_shared>> -> memref<1x64xf32, #tpu.memory_space<vmem_shared>>
      %dma_wait3A_614 = tpu.memref_squeeze %dma_wait3A_613 : memref<1x64xf32, #tpu.memory_space<vmem_shared>> -> memref<64xf32, #tpu.memory_space<vmem_shared>>
      tpu.wait_dma2 semaphore(%run_scoped3A_598 : memref<!tpu.dma_semaphore, #tpu.memory_space<semaphore_mem>>) src(%dma_wait3A_614 : memref<64xf32, #tpu.memory_space<vmem_shared>>) dst(%dma_wait3A_612 : memref<64xf32, #tpu.memory_space<vmem>>)
      tpu.yield
    }) : () -> ()
    %parallel_loop3A = arith.constant 0 : i32
    %parallel_loop3A_15 = arith.constant 128 : i32
    %parallel_loop3A_16 = arith.constant 1 : i32
    scf.for %parallel_loop3A_598 = %parallel_loop3A to %parallel_loop3A_15 step %parallel_loop3A_16  : i32 {
      %parallel_loop3A_599 = vector.broadcast %parallel_loop3A_598 : i32 to vector<16xi32>
      %parallel_loop3A_600 = tpu.vector_load_idx %arg15[%parallel_loop3A_599] : memref<128xf32, #tpu.memory_space<vmem>>[vector<16xi32>], vector<16xf32>,
      %parallel_loop3A_601 = arith.constant 16 : i32
      %parallel_loop3A_602 = arith.muli %parallel_loop3A_598, %parallel_loop3A_601 : i32
      %parallel_loop3A_603 = arith.index_cast %parallel_loop3A_602 : i32 to index
      %parallel_loop3A_604 = tpu.vector_load %arg16[%parallel_loop3A_603] {strides = array<i32>} : memref<2048xf32, #tpu.memory_space<vmem>>, vector<16xf32>,
      tpu.vector_store %arg16[%parallel_loop3A_603], %parallel_loop3A_600 {strides = array<i32>} : memref<2048xf32, #tpu.memory_space<vmem>>, vector<16xf32>,
    } {sc.loop_unroll_factor = 4 : i64, sc.parallel_access}
    %mul3A_17 = arith.constant 2 : i32
    %mul3A_18 = arith.muli %mul3A_17, %arg0 : i32
    %add3A = arith.constant 0 : i32
    %add3A_19 = arith.addi %mul3A_18, %add3A : i32
    %dma_start3A = arith.constant 0 : i32
    %dma_start3A_20 = arith.constant 0 : i32
    %dma_start3A_21 = arith.constant 0 : i32
    %dma_start3A_22 = tpu.memref_slice %arg17[%dma_start3A, %dma_start3A_20, %dma_start3A_21] : memref<2x16x2048xf32, #tpu.memory_space<vmem>> -> memref<1x16x2048xf32, #tpu.memory_space<vmem>>
    %dma_start3A_23 = tpu.memref_squeeze %dma_start3A_22 : memref<1x16x2048xf32, #tpu.memory_space<vmem>> -> memref<16x2048xf32, #tpu.memory_space<vmem>>
    %dma_start3A_24 = arith.constant 0 : i32
    %dma_start3A_25 = tpu.memref_slice %arg14[%dma_start3A_24] : memref<128xi32, #tpu.memory_space<vmem>> -> memref<16xi32, #tpu.memory_space<vmem>>
    %dma_start3A_26 = arith.constant 0 : i32
    %dma_start3A_27 = arith.constant 0 : i32
    %dma_start3A_28 = tpu.memref_slice %arg3[%add3A_19, %dma_start3A_26, %dma_start3A_27] : memref<4x4096x2048xf32, #tpu.memory_space<hbm>> -> memref<1x4096x2048xf32, #tpu.memory_space<hbm>>
    %dma_start3A_29 = tpu.memref_squeeze %dma_start3A_28 : memref<1x4096x2048xf32, #tpu.memory_space<hbm>> -> memref<4096x2048xf32, #tpu.memory_space<hbm>>
    %dma_start3A_30 = arith.constant 0 : i32
    %dma_start3A_31 = arith.constant 0 : i32
    %dma_start3A_32 = tpu.memref_slice %dma_start3A_29[%dma_start3A_30, %dma_start3A_31] : memref<4096x2048xf32, #tpu.memory_space<hbm>> -> memref<4096x2048xf32, #tpu.memory_space<hbm>>
    tpu.enqueue_indirect_dma source(%dma_start3A_32 : memref<4096x2048xf32, #tpu.memory_space<hbm>>) target(%dma_start3A_23 : memref<16x2048xf32, #tpu.memory_space<vmem>>) offsets(%dma_start3A_25 : memref<16xi32, #tpu.memory_space<vmem>>) semaphore(%arg20 : memref<!tpu.dma_semaphore, #tpu.memory_space<semaphore_mem>>)
    %mul3A_33 = arith.constant 2 : i32
    %mul3A_34 = arith.muli %mul3A_33, %arg0 : i32
    %add3A_35 = arith.constant 0 : i32
    %add3A_36 = arith.addi %mul3A_34, %add3A_35 : i32
    %dma_start3A_37 = arith.constant 1 : i32
    %dma_start3A_38 = arith.constant 0 : i32
    %dma_start3A_39 = arith.constant 0 : i32
    %dma_start3A_40 = tpu.memref_slice %arg17[%dma_start3A_37, %dma_start3A_38, %dma_start3A_39] : memref<2x16x2048xf32, #tpu.memory_space<vmem>> -> memref<1x16x2048xf32, #tpu.memory_space<vmem>>
    %dma_start3A_41 = tpu.memref_squeeze %dma_start3A_40 : memref<1x16x2048xf32, #tpu.memory_space<vmem>> -> memref<16x2048xf32, #tpu.memory_space<vmem>>
    %dma_start3A_42 = arith.constant 16 : i32
    %dma_start3A_43 = tpu.memref_slice %arg14[%dma_start3A_42] : memref<128xi32, #tpu.memory_space<vmem>> -> memref<16xi32, #tpu.memory_space<vmem>>
    %dma_start3A_44 = arith.constant 0 : i32
    %dma_start3A_45 = arith.constant 0 : i32
    %dma_start3A_46 = tpu.memref_slice %arg3[%add3A_36, %dma_start3A_44, %dma_start3A_45] : memref<4x4096x2048xf32, #tpu.memory_space<hbm>> -> memref<1x4096x2048xf32, #tpu.memory_space<hbm>>
    %dma_start3A_47 = tpu.memref_squeeze %dma_start3A_46 : memref<1x4096x2048xf32, #tpu.memory_space<hbm>> -> memref<4096x2048xf32, #tpu.memory_space<hbm>>
    %dma_start3A_48 = arith.constant 0 : i32
    %dma_start3A_49 = arith.constant 0 : i32
    %dma_start3A_50 = tpu.memref_slice %dma_start3A_47[%dma_start3A_48, %dma_start3A_49] : memref<4096x2048xf32, #tpu.memory_space<hbm>> -> memref<4096x2048xf32, #tpu.memory_space<hbm>>
    tpu.enqueue_indirect_dma source(%dma_start3A_50 : memref<4096x2048xf32, #tpu.memory_space<hbm>>) target(%dma_start3A_41 : memref<16x2048xf32, #tpu.memory_space<vmem>>) offsets(%dma_start3A_43 : memref<16xi32, #tpu.memory_space<vmem>>) semaphore(%arg21 : memref<!tpu.dma_semaphore, #tpu.memory_space<semaphore_mem>>)
    %dma_wait3A = arith.constant 0 : i32
    %dma_wait3A_51 = arith.constant 0 : i32
    %dma_wait3A_52 = arith.constant 0 : i32
    %dma_wait3A_53 = tpu.memref_slice %arg17[%dma_wait3A, %dma_wait3A_51, %dma_wait3A_52] : memref<2x16x2048xf32, #tpu.memory_space<vmem>> -> memref<1x16x2048xf32, #tpu.memory_space<vmem>>
    %dma_wait3A_54 = tpu.memref_squeeze %dma_wait3A_53 : memref<1x16x2048xf32, #tpu.memory_space<vmem>> -> memref<16x2048xf32, #tpu.memory_space<vmem>>
    %dma_wait3A_55 = arith.constant 0 : i32
    %dma_wait3A_56 = tpu.memref_slice %arg14[%dma_wait3A_55] : memref<128xi32, #tpu.memory_space<vmem>> -> memref<16xi32, #tpu.memory_space<vmem>>
    %dma_wait3A_57 = arith.constant 0 : i32
    %dma_wait3A_58 = arith.constant 0 : i32
    %dma_wait3A_59 = tpu.memref_slice %arg3[%add3A_19, %dma_wait3A_57, %dma_wait3A_58] : memref<4x4096x2048xf32, #tpu.memory_space<hbm>> -> memref<1x4096x2048xf32, #tpu.memory_space<hbm>>
    %dma_wait3A_60 = tpu.memref_squeeze %dma_wait3A_59 : memref<1x4096x2048xf32, #tpu.memory_space<hbm>> -> memref<4096x2048xf32, #tpu.memory_space<hbm>>
    %dma_wait3A_61 = arith.constant 0 : i32
    %dma_wait3A_62 = arith.constant 0 : i32
    %dma_wait3A_63 = tpu.memref_slice %dma_wait3A_60[%dma_wait3A_61, %dma_wait3A_62] : memref<4096x2048xf32, #tpu.memory_space<hbm>> -> memref<4096x2048xf32, #tpu.memory_space<hbm>>
    tpu.wait_indirect_dma semaphore(%arg20 : memref<!tpu.dma_semaphore, #tpu.memory_space<semaphore_mem>>) src(%dma_wait3A_63 : memref<4096x2048xf32, #tpu.memory_space<hbm>>) dst(%dma_wait3A_54 : memref<16x2048xf32, #tpu.memory_space<vmem>>)
    %parallel_loop3A_64 = arith.constant 0 : i32
    %parallel_loop3A_65 = arith.constant 2048 : i32
    %parallel_loop3A_66 = arith.constant 1 : i32
    scf.for %parallel_loop3A_598 = %parallel_loop3A_64 to %parallel_loop3A_65 step %parallel_loop3A_66  : i32 {
      %parallel_loop3A_599 = arith.constant 7 : i32
      %parallel_loop3A_600 = arith.shrui %parallel_loop3A_598, %parallel_loop3A_599 : i32
      %parallel_loop3A_601 = arith.constant 127 : i32
      %parallel_loop3A_602 = arith.andi %parallel_loop3A_598, %parallel_loop3A_601 : i32
      %parallel_loop3A_603 = arith.constant 0 : i32
      %parallel_loop3A_604 = arith.addi %parallel_loop3A_603, %parallel_loop3A_600 : i32
      %parallel_loop3A_605 = arith.constant 16 : i32
      %parallel_loop3A_606 = arith.muli %parallel_loop3A_604, %parallel_loop3A_605 : i32
      %parallel_loop3A_607 = arith.index_cast %parallel_loop3A_606 : i32 to index
      %parallel_loop3A_608 = tpu.vector_load %arg16[%parallel_loop3A_607] {strides = array<i32>} : memref<2048xf32, #tpu.memory_space<vmem>>, vector<16xf32>,
      %parallel_loop3A_609 = arith.constant 16 : i32
      %parallel_loop3A_610 = arith.muli %parallel_loop3A_602, %parallel_loop3A_609 : i32
      %parallel_loop3A_611 = arith.constant 0 : i32
      %parallel_loop3A_612 = arith.index_cast %parallel_loop3A_611 : i32 to index
      %parallel_loop3A_613 = arith.index_cast %parallel_loop3A_600 : i32 to index
      %parallel_loop3A_614 = arith.index_cast %parallel_loop3A_610 : i32 to index
      %parallel_loop3A_615 = tpu.vector_load %arg17[%parallel_loop3A_612, %parallel_loop3A_613, %parallel_loop3A_614] {strides = array<i32>} : memref<2x16x2048xf32, #tpu.memory_space<vmem>>, vector<16xf32>,
      %parallel_loop3A_616 = arith.mulf %parallel_loop3A_615, %parallel_loop3A_608 : vector<16xf32>
      %parallel_loop3A_617 = arith.constant 16 : i32
      %parallel_loop3A_618 = arith.muli %parallel_loop3A_602, %parallel_loop3A_617 : i32
      %parallel_loop3A_619 = arith.constant 0 : i32
      %parallel_loop3A_620 = arith.index_cast %parallel_loop3A_619 : i32 to index
      %parallel_loop3A_621 = arith.index_cast %parallel_loop3A_600 : i32 to index
      %parallel_loop3A_622 = arith.index_cast %parallel_loop3A_618 : i32 to index
      %parallel_loop3A_623 = tpu.vector_load %arg17[%parallel_loop3A_620, %parallel_loop3A_621, %parallel_loop3A_622] {strides = array<i32>} : memref<2x16x2048xf32, #tpu.memory_space<vmem>>, vector<16xf32>,
      tpu.vector_store %arg17[%parallel_loop3A_620, %parallel_loop3A_621, %parallel_loop3A_622], %parallel_loop3A_616 {strides = array<i32>} : memref<2x16x2048xf32, #tpu.memory_space<vmem>>, vector<16xf32>,
    } {sc.loop_unroll_factor = 8 : i64, sc.parallel_access}
    %mul3A_67 = arith.constant 2 : i32
    %mul3A_68 = arith.muli %mul3A_67, %arg0 : i32
    %add3A_69 = arith.constant 0 : i32
    %add3A_70 = arith.addi %mul3A_68, %add3A_69 : i32
    %mul3A_71 = arith.constant 64 : i32
    %mul3A_72 = arith.muli %mul3A_71, %arg1 : i32
    %add3A_73 = arith.constant 0 : i32
    %add3A_74 = arith.addi %mul3A_72, %add3A_73 : i32
    %dma_start3A_75 = arith.constant 0 : i32
    %dma_start3A_76 = arith.constant 0 : i32
    %dma_start3A_77 = arith.constant 0 : i32
    %dma_start3A_78 = tpu.memref_slice %arg17[%dma_start3A_75, %dma_start3A_76, %dma_start3A_77] : memref<2x16x2048xf32, #tpu.memory_space<vmem>> -> memref<1x16x2048xf32, #tpu.memory_space<vmem>>
    %dma_start3A_79 = tpu.memref_squeeze %dma_start3A_78 : memref<1x16x2048xf32, #tpu.memory_space<vmem>> -> memref<16x2048xf32, #tpu.memory_space<vmem>>
    %dma_start3A_80 = arith.constant 0 : i32
    %dma_start3A_81 = tpu.memref_slice %arg4[%add3A_70, %add3A_74, %dma_start3A_80] : memref<4x1024x2048xf32, #tpu.memory_space<hbm>> -> memref<1x16x2048xf32, #tpu.memory_space<hbm>>
    %dma_start3A_82 = tpu.memref_squeeze %dma_start3A_81 : memref<1x16x2048xf32, #tpu.memory_space<hbm>> -> memref<16x2048xf32, #tpu.memory_space<hbm>>
    %dma_start3A_83 = arith.constant 0 : i32
    %dma_start3A_84 = tpu.memref_slice %arg4[%add3A_70, %add3A_74, %dma_start3A_83] : memref<4x1024x2048xf32, #tpu.memory_space<hbm>> -> memref<1x16x2048xf32, #tpu.memory_space<hbm>>
    %dma_start3A_85 = tpu.memref_squeeze %dma_start3A_84 : memref<1x16x2048xf32, #tpu.memory_space<hbm>> -> memref<16x2048xf32, #tpu.memory_space<hbm>>
    %dma_start3A_86 = arith.constant 0 : i32
    %dma_start3A_87 = arith.constant 0 : i32
    %dma_start3A_88 = tpu.memref_slice %arg17[%dma_start3A_75, %dma_start3A_86, %dma_start3A_87] : memref<2x16x2048xf32, #tpu.memory_space<vmem>> -> memref<1x16x2048xf32, #tpu.memory_space<vmem>>
    %dma_start3A_89 = tpu.memref_squeeze %dma_start3A_88 : memref<1x16x2048xf32, #tpu.memory_space<vmem>> -> memref<16x2048xf32, #tpu.memory_space<vmem>>
    tpu.enqueue_dma source(%dma_start3A_89 : memref<16x2048xf32, #tpu.memory_space<vmem>>) target(%dma_start3A_85 : memref<16x2048xf32, #tpu.memory_space<hbm>>) target_semaphore(%arg22 : memref<!tpu.dma_semaphore, #tpu.memory_space<semaphore_mem>>)
    %dma_wait3A_90 = arith.constant 0 : i32
    %dma_wait3A_91 = arith.constant 0 : i32
    %dma_wait3A_92 = arith.constant 0 : i32
    %dma_wait3A_93 = tpu.memref_slice %arg17[%dma_wait3A_90, %dma_wait3A_91, %dma_wait3A_92] : memref<2x16x2048xf32, #tpu.memory_space<vmem>> -> memref<1x16x2048xf32, #tpu.memory_space<vmem>>
    %dma_wait3A_94 = tpu.memref_squeeze %dma_wait3A_93 : memref<1x16x2048xf32, #tpu.memory_space<vmem>> -> memref<16x2048xf32, #tpu.memory_space<vmem>>
    %dma_wait3A_95 = arith.constant 0 : i32
    %dma_wait3A_96 = tpu.memref_slice %arg4[%add3A_70, %add3A_74, %dma_wait3A_95] : memref<4x1024x2048xf32, #tpu.memory_space<hbm>> -> memref<1x16x2048xf32, #tpu.memory_space<hbm>>
    %dma_wait3A_97 = tpu.memref_squeeze %dma_wait3A_96 : memref<1x16x2048xf32, #tpu.memory_space<hbm>> -> memref<16x2048xf32, #tpu.memory_space<hbm>>
    %dma_wait3A_98 = arith.constant 0 : i32
    %dma_wait3A_99 = tpu.memref_slice %arg4[%add3A_70, %add3A_74, %dma_wait3A_98] : memref<4x1024x2048xf32, #tpu.memory_space<hbm>> -> memref<1x16x2048xf32, #tpu.memory_space<hbm>>
    %dma_wait3A_100 = tpu.memref_squeeze %dma_wait3A_99 : memref<1x16x2048xf32, #tpu.memory_space<hbm>> -> memref<16x2048xf32, #tpu.memory_space<hbm>>
    %dma_wait3A_101 = arith.constant 0 : i32
    %dma_wait3A_102 = arith.constant 0 : i32
    %dma_wait3A_103 = tpu.memref_slice %arg17[%dma_wait3A_90, %dma_wait3A_101, %dma_wait3A_102] : memref<2x16x2048xf32, #tpu.memory_space<vmem>> -> memref<1x16x2048xf32, #tpu.memory_space<vmem>>
    %dma_wait3A_104 = tpu.memref_squeeze %dma_wait3A_103 : memref<1x16x2048xf32, #tpu.memory_space<vmem>> -> memref<16x2048xf32, #tpu.memory_space<vmem>>
    tpu.wait_dma2 semaphore(%arg22 : memref<!tpu.dma_semaphore, #tpu.memory_space<semaphore_mem>>) src(%dma_wait3A_104 : memref<16x2048xf32, #tpu.memory_space<vmem>>) dst(%dma_wait3A_100 : memref<16x2048xf32, #tpu.memory_space<hbm>>)
    %mul3A_105 = arith.constant 2 : i32
    %mul3A_106 = arith.muli %mul3A_105, %arg0 : i32
    %add3A_107 = arith.constant 0 : i32
    %add3A_108 = arith.addi %mul3A_106, %add3A_107 : i32
    %dma_start3A_109 = arith.constant 0 : i32
    %dma_start3A_110 = arith.constant 0 : i32
    %dma_start3A_111 = arith.constant 0 : i32
    %dma_start3A_112 = tpu.memref_slice %arg17[%dma_start3A_109, %dma_start3A_110, %dma_start3A_111] : memref<2x16x2048xf32, #tpu.memory_space<vmem>> -> memref<1x16x2048xf32, #tpu.memory_space<vmem>>
    %dma_start3A_113 = tpu.memref_squeeze %dma_start3A_112 : memref<1x16x2048xf32, #tpu.memory_space<vmem>> -> memref<16x2048xf32, #tpu.memory_space<vmem>>
    %dma_start3A_114 = arith.constant 32 : i32
    %dma_start3A_115 = tpu.memref_slice %arg14[%dma_start3A_114] : memref<128xi32, #tpu.memory_space<vmem>> -> memref<16xi32, #tpu.memory_space<vmem>>
    %dma_start3A_116 = arith.constant 0 : i32
    %dma_start3A_117 = arith.constant 0 : i32
    %dma_start3A_118 = tpu.memref_slice %arg3[%add3A_108, %dma_start3A_116, %dma_start3A_117] : memref<4x4096x2048xf32, #tpu.memory_space<hbm>> -> memref<1x4096x2048xf32, #tpu.memory_space<hbm>>
    %dma_start3A_119 = tpu.memref_squeeze %dma_start3A_118 : memref<1x4096x2048xf32, #tpu.memory_space<hbm>> -> memref<4096x2048xf32, #tpu.memory_space<hbm>>
    %dma_start3A_120 = arith.constant 0 : i32
    %dma_start3A_121 = arith.constant 0 : i32
    %dma_start3A_122 = tpu.memref_slice %dma_start3A_119[%dma_start3A_120, %dma_start3A_121] : memref<4096x2048xf32, #tpu.memory_space<hbm>> -> memref<4096x2048xf32, #tpu.memory_space<hbm>>
    tpu.enqueue_indirect_dma source(%dma_start3A_122 : memref<4096x2048xf32, #tpu.memory_space<hbm>>) target(%dma_start3A_113 : memref<16x2048xf32, #tpu.memory_space<vmem>>) offsets(%dma_start3A_115 : memref<16xi32, #tpu.memory_space<vmem>>) semaphore(%arg20 : memref<!tpu.dma_semaphore, #tpu.memory_space<semaphore_mem>>)
    %dma_wait3A_123 = arith.constant 1 : i32
    %dma_wait3A_124 = arith.constant 0 : i32
    %dma_wait3A_125 = arith.constant 0 : i32
    %dma_wait3A_126 = tpu.memref_slice %arg17[%dma_wait3A_123, %dma_wait3A_124, %dma_wait3A_125] : memref<2x16x2048xf32, #tpu.memory_space<vmem>> -> memref<1x16x2048xf32, #tpu.memory_space<vmem>>
    %dma_wait3A_127 = tpu.memref_squeeze %dma_wait3A_126 : memref<1x16x2048xf32, #tpu.memory_space<vmem>> -> memref<16x2048xf32, #tpu.memory_space<vmem>>
    %dma_wait3A_128 = arith.constant 16 : i32
    %dma_wait3A_129 = tpu.memref_slice %arg14[%dma_wait3A_128] : memref<128xi32, #tpu.memory_space<vmem>> -> memref<16xi32, #tpu.memory_space<vmem>>
    %dma_wait3A_130 = arith.constant 0 : i32
    %dma_wait3A_131 = arith.constant 0 : i32
    %dma_wait3A_132 = tpu.memref_slice %arg3[%add3A_36, %dma_wait3A_130, %dma_wait3A_131] : memref<4x4096x2048xf32, #tpu.memory_space<hbm>> -> memref<1x4096x2048xf32, #tpu.memory_space<hbm>>
    %dma_wait3A_133 = tpu.memref_squeeze %dma_wait3A_132 : memref<1x4096x2048xf32, #tpu.memory_space<hbm>> -> memref<4096x2048xf32, #tpu.memory_space<hbm>>
    %dma_wait3A_134 = arith.constant 0 : i32
    %dma_wait3A_135 = arith.constant 0 : i32
    %dma_wait3A_136 = tpu.memref_slice %dma_wait3A_133[%dma_wait3A_134, %dma_wait3A_135] : memref<4096x2048xf32, #tpu.memory_space<hbm>> -> memref<4096x2048xf32, #tpu.memory_space<hbm>>
    tpu.wait_indirect_dma semaphore(%arg21 : memref<!tpu.dma_semaphore, #tpu.memory_space<semaphore_mem>>) src(%dma_wait3A_136 : memref<4096x2048xf32, #tpu.memory_space<hbm>>) dst(%dma_wait3A_127 : memref<16x2048xf32, #tpu.memory_space<vmem>>)
    %parallel_loop3A_137 = arith.constant 0 : i32
    %parallel_loop3A_138 = arith.constant 2048 : i32
    %parallel_loop3A_139 = arith.constant 1 : i32
    scf.for %parallel_loop3A_598 = %parallel_loop3A_137 to %parallel_loop3A_138 step %parallel_loop3A_139  : i32 {
      %parallel_loop3A_599 = arith.constant 7 : i32
      %parallel_loop3A_600 = arith.shrui %parallel_loop3A_598, %parallel_loop3A_599 : i32
      %parallel_loop3A_601 = arith.constant 127 : i32
      %parallel_loop3A_602 = arith.andi %parallel_loop3A_598, %parallel_loop3A_601 : i32
      %parallel_loop3A_603 = arith.constant 16 : i32
      %parallel_loop3A_604 = arith.addi %parallel_loop3A_603, %parallel_loop3A_600 : i32
      %parallel_loop3A_605 = arith.constant 16 : i32
      %parallel_loop3A_606 = arith.muli %parallel_loop3A_604, %parallel_loop3A_605 : i32
      %parallel_loop3A_607 = arith.index_cast %parallel_loop3A_606 : i32 to index
      %parallel_loop3A_608 = tpu.vector_load %arg16[%parallel_loop3A_607] {strides = array<i32>} : memref<2048xf32, #tpu.memory_space<vmem>>, vector<16xf32>,
      %parallel_loop3A_609 = arith.constant 16 : i32
      %parallel_loop3A_610 = arith.muli %parallel_loop3A_602, %parallel_loop3A_609 : i32
      %parallel_loop3A_611 = arith.constant 1 : i32
      %parallel_loop3A_612 = arith.index_cast %parallel_loop3A_611 : i32 to index
      %parallel_loop3A_613 = arith.index_cast %parallel_loop3A_600 : i32 to index
      %parallel_loop3A_614 = arith.index_cast %parallel_loop3A_610 : i32 to index
      %parallel_loop3A_615 = tpu.vector_load %arg17[%parallel_loop3A_612, %parallel_loop3A_613, %parallel_loop3A_614] {strides = array<i32>} : memref<2x16x2048xf32, #tpu.memory_space<vmem>>, vector<16xf32>,
      %parallel_loop3A_616 = arith.mulf %parallel_loop3A_615, %parallel_loop3A_608 : vector<16xf32>
      %parallel_loop3A_617 = arith.constant 16 : i32
      %parallel_loop3A_618 = arith.muli %parallel_loop3A_602, %parallel_loop3A_617 : i32
      %parallel_loop3A_619 = arith.constant 1 : i32
      %parallel_loop3A_620 = arith.index_cast %parallel_loop3A_619 : i32 to index
      %parallel_loop3A_621 = arith.index_cast %parallel_loop3A_600 : i32 to index
      %parallel_loop3A_622 = arith.index_cast %parallel_loop3A_618 : i32 to index
      %parallel_loop3A_623 = tpu.vector_load %arg17[%parallel_loop3A_620, %parallel_loop3A_621, %parallel_loop3A_622] {strides = array<i32>} : memref<2x16x2048xf32, #tpu.memory_space<vmem>>, vector<16xf32>,
      tpu.vector_store %arg17[%parallel_loop3A_620, %parallel_loop3A_621, %parallel_loop3A_622], %parallel_loop3A_616 {strides = array<i32>} : memref<2x16x2048xf32, #tpu.memory_space<vmem>>, vector<16xf32>,
    } {sc.loop_unroll_factor = 8 : i64, sc.parallel_access}
    %mul3A_140 = arith.constant 2 : i32
    %mul3A_141 = arith.muli %mul3A_140, %arg0 : i32
    %add3A_142 = arith.constant 0 : i32
    %add3A_143 = arith.addi %mul3A_141, %add3A_142 : i32
    %mul3A_144 = arith.constant 64 : i32
    %mul3A_145 = arith.muli %mul3A_144, %arg1 : i32
    %add3A_146 = arith.constant 16 : i32
    %add3A_147 = arith.addi %mul3A_145, %add3A_146 : i32
    %dma_start3A_148 = arith.constant 1 : i32
    %dma_start3A_149 = arith.constant 0 : i32
    %dma_start3A_150 = arith.constant 0 : i32
    %dma_start3A_151 = tpu.memref_slice %arg17[%dma_start3A_148, %dma_start3A_149, %dma_start3A_150] : memref<2x16x2048xf32, #tpu.memory_space<vmem>> -> memref<1x16x2048xf32, #tpu.memory_space<vmem>>
    %dma_start3A_152 = tpu.memref_squeeze %dma_start3A_151 : memref<1x16x2048xf32, #tpu.memory_space<vmem>> -> memref<16x2048xf32, #tpu.memory_space<vmem>>
    %dma_start3A_153 = arith.constant 0 : i32
    %dma_start3A_154 = tpu.memref_slice %arg4[%add3A_143, %add3A_147, %dma_start3A_153] : memref<4x1024x2048xf32, #tpu.memory_space<hbm>> -> memref<1x16x2048xf32, #tpu.memory_space<hbm>>
    %dma_start3A_155 = tpu.memref_squeeze %dma_start3A_154 : memref<1x16x2048xf32, #tpu.memory_space<hbm>> -> memref<16x2048xf32, #tpu.memory_space<hbm>>
    %dma_start3A_156 = arith.constant 0 : i32
    %dma_start3A_157 = tpu.memref_slice %arg4[%add3A_143, %add3A_147, %dma_start3A_156] : memref<4x1024x2048xf32, #tpu.memory_space<hbm>> -> memref<1x16x2048xf32, #tpu.memory_space<hbm>>
    %dma_start3A_158 = tpu.memref_squeeze %dma_start3A_157 : memref<1x16x2048xf32, #tpu.memory_space<hbm>> -> memref<16x2048xf32, #tpu.memory_space<hbm>>
    %dma_start3A_159 = arith.constant 0 : i32
    %dma_start3A_160 = arith.constant 0 : i32
    %dma_start3A_161 = tpu.memref_slice %arg17[%dma_start3A_148, %dma_start3A_159, %dma_start3A_160] : memref<2x16x2048xf32, #tpu.memory_space<vmem>> -> memref<1x16x2048xf32, #tpu.memory_space<vmem>>
    %dma_start3A_162 = tpu.memref_squeeze %dma_start3A_161 : memref<1x16x2048xf32, #tpu.memory_space<vmem>> -> memref<16x2048xf32, #tpu.memory_space<vmem>>
    tpu.enqueue_dma source(%dma_start3A_162 : memref<16x2048xf32, #tpu.memory_space<vmem>>) target(%dma_start3A_158 : memref<16x2048xf32, #tpu.memory_space<hbm>>) target_semaphore(%arg23 : memref<!tpu.dma_semaphore, #tpu.memory_space<semaphore_mem>>)
    %dma_wait3A_163 = arith.constant 1 : i32
    %dma_wait3A_164 = arith.constant 0 : i32
    %dma_wait3A_165 = arith.constant 0 : i32
    %dma_wait3A_166 = tpu.memref_slice %arg17[%dma_wait3A_163, %dma_wait3A_164, %dma_wait3A_165] : memref<2x16x2048xf32, #tpu.memory_space<vmem>> -> memref<1x16x2048xf32, #tpu.memory_space<vmem>>
    %dma_wait3A_167 = tpu.memref_squeeze %dma_wait3A_166 : memref<1x16x2048xf32, #tpu.memory_space<vmem>> -> memref<16x2048xf32, #tpu.memory_space<vmem>>
    %dma_wait3A_168 = arith.constant 0 : i32
    %dma_wait3A_169 = tpu.memref_slice %arg4[%add3A_143, %add3A_147, %dma_wait3A_168] : memref<4x1024x2048xf32, #tpu.memory_space<hbm>> -> memref<1x16x2048xf32, #tpu.memory_space<hbm>>
    %dma_wait3A_170 = tpu.memref_squeeze %dma_wait3A_169 : memref<1x16x2048xf32, #tpu.memory_space<hbm>> -> memref<16x2048xf32, #tpu.memory_space<hbm>>
    %dma_wait3A_171 = arith.constant 0 : i32
    %dma_wait3A_172 = tpu.memref_slice %arg4[%add3A_143, %add3A_147, %dma_wait3A_171] : memref<4x1024x2048xf32, #tpu.memory_space<hbm>> -> memref<1x16x2048xf32, #tpu.memory_space<hbm>>
    %dma_wait3A_173 = tpu.memref_squeeze %dma_wait3A_172 : memref<1x16x2048xf32, #tpu.memory_space<hbm>> -> memref<16x2048xf32, #tpu.memory_space<hbm>>
    %dma_wait3A_174 = arith.constant 0 : i32
    %dma_wait3A_175 = arith.constant 0 : i32
    %dma_wait3A_176 = tpu.memref_slice %arg17[%dma_wait3A_163, %dma_wait3A_174, %dma_wait3A_175] : memref<2x16x2048xf32, #tpu.memory_space<vmem>> -> memref<1x16x2048xf32, #tpu.memory_space<vmem>>
    %dma_wait3A_177 = tpu.memref_squeeze %dma_wait3A_176 : memref<1x16x2048xf32, #tpu.memory_space<vmem>> -> memref<16x2048xf32, #tpu.memory_space<vmem>>
    tpu.wait_dma2 semaphore(%arg23 : memref<!tpu.dma_semaphore, #tpu.memory_space<semaphore_mem>>) src(%dma_wait3A_177 : memref<16x2048xf32, #tpu.memory_space<vmem>>) dst(%dma_wait3A_173 : memref<16x2048xf32, #tpu.memory_space<hbm>>)
    %mul3A_178 = arith.constant 2 : i32
    %mul3A_179 = arith.muli %mul3A_178, %arg0 : i32
    %add3A_180 = arith.constant 0 : i32
    %add3A_181 = arith.addi %mul3A_179, %add3A_180 : i32
    %dma_start3A_182 = arith.constant 1 : i32
    %dma_start3A_183 = arith.constant 0 : i32
    %dma_start3A_184 = arith.constant 0 : i32
    %dma_start3A_185 = tpu.memref_slice %arg17[%dma_start3A_182, %dma_start3A_183, %dma_start3A_184] : memref<2x16x2048xf32, #tpu.memory_space<vmem>> -> memref<1x16x2048xf32, #tpu.memory_space<vmem>>
    %dma_start3A_186 = tpu.memref_squeeze %dma_start3A_185 : memref<1x16x2048xf32, #tpu.memory_space<vmem>> -> memref<16x2048xf32, #tpu.memory_space<vmem>>
    %dma_start3A_187 = arith.constant 48 : i32
    %dma_start3A_188 = tpu.memref_slice %arg14[%dma_start3A_187] : memref<128xi32, #tpu.memory_space<vmem>> -> memref<16xi32, #tpu.memory_space<vmem>>
    %dma_start3A_189 = arith.constant 0 : i32
    %dma_start3A_190 = arith.constant 0 : i32
    %dma_start3A_191 = tpu.memref_slice %arg3[%add3A_181, %dma_start3A_189, %dma_start3A_190] : memref<4x4096x2048xf32, #tpu.memory_space<hbm>> -> memref<1x4096x2048xf32, #tpu.memory_space<hbm>>
    %dma_start3A_192 = tpu.memref_squeeze %dma_start3A_191 : memref<1x4096x2048xf32, #tpu.memory_space<hbm>> -> memref<4096x2048xf32, #tpu.memory_space<hbm>>
    %dma_start3A_193 = arith.constant 0 : i32
    %dma_start3A_194 = arith.constant 0 : i32
    %dma_start3A_195 = tpu.memref_slice %dma_start3A_192[%dma_start3A_193, %dma_start3A_194] : memref<4096x2048xf32, #tpu.memory_space<hbm>> -> memref<4096x2048xf32, #tpu.memory_space<hbm>>
    tpu.enqueue_indirect_dma source(%dma_start3A_195 : memref<4096x2048xf32, #tpu.memory_space<hbm>>) target(%dma_start3A_186 : memref<16x2048xf32, #tpu.memory_space<vmem>>) offsets(%dma_start3A_188 : memref<16xi32, #tpu.memory_space<vmem>>) semaphore(%arg21 : memref<!tpu.dma_semaphore, #tpu.memory_space<semaphore_mem>>)
    %dma_wait3A_196 = arith.constant 0 : i32
    %dma_wait3A_197 = arith.constant 0 : i32
    %dma_wait3A_198 = arith.constant 0 : i32
    %dma_wait3A_199 = tpu.memref_slice %arg17[%dma_wait3A_196, %dma_wait3A_197, %dma_wait3A_198] : memref<2x16x2048xf32, #tpu.memory_space<vmem>> -> memref<1x16x2048xf32, #tpu.memory_space<vmem>>
    %dma_wait3A_200 = tpu.memref_squeeze %dma_wait3A_199 : memref<1x16x2048xf32, #tpu.memory_space<vmem>> -> memref<16x2048xf32, #tpu.memory_space<vmem>>
    %dma_wait3A_201 = arith.constant 32 : i32
    %dma_wait3A_202 = tpu.memref_slice %arg14[%dma_wait3A_201] : memref<128xi32, #tpu.memory_space<vmem>> -> memref<16xi32, #tpu.memory_space<vmem>>
    %dma_wait3A_203 = arith.constant 0 : i32
    %dma_wait3A_204 = arith.constant 0 : i32
    %dma_wait3A_205 = tpu.memref_slice %arg3[%add3A_108, %dma_wait3A_203, %dma_wait3A_204] : memref<4x4096x2048xf32, #tpu.memory_space<hbm>> -> memref<1x4096x2048xf32, #tpu.memory_space<hbm>>
    %dma_wait3A_206 = tpu.memref_squeeze %dma_wait3A_205 : memref<1x4096x2048xf32, #tpu.memory_space<hbm>> -> memref<4096x2048xf32, #tpu.memory_space<hbm>>
    %dma_wait3A_207 = arith.constant 0 : i32
    %dma_wait3A_208 = arith.constant 0 : i32
    %dma_wait3A_209 = tpu.memref_slice %dma_wait3A_206[%dma_wait3A_207, %dma_wait3A_208] : memref<4096x2048xf32, #tpu.memory_space<hbm>> -> memref<4096x2048xf32, #tpu.memory_space<hbm>>
    tpu.wait_indirect_dma semaphore(%arg20 : memref<!tpu.dma_semaphore, #tpu.memory_space<semaphore_mem>>) src(%dma_wait3A_209 : memref<4096x2048xf32, #tpu.memory_space<hbm>>) dst(%dma_wait3A_200 : memref<16x2048xf32, #tpu.memory_space<vmem>>)
    %parallel_loop3A_210 = arith.constant 0 : i32
    %parallel_loop3A_211 = arith.constant 2048 : i32
    %parallel_loop3A_212 = arith.constant 1 : i32
    scf.for %parallel_loop3A_598 = %parallel_loop3A_210 to %parallel_loop3A_211 step %parallel_loop3A_212  : i32 {
      %parallel_loop3A_599 = arith.constant 7 : i32
      %parallel_loop3A_600 = arith.shrui %parallel_loop3A_598, %parallel_loop3A_599 : i32
      %parallel_loop3A_601 = arith.constant 127 : i32
      %parallel_loop3A_602 = arith.andi %parallel_loop3A_598, %parallel_loop3A_601 : i32
      %parallel_loop3A_603 = arith.constant 32 : i32
      %parallel_loop3A_604 = arith.addi %parallel_loop3A_603, %parallel_loop3A_600 : i32
      %parallel_loop3A_605 = arith.constant 16 : i32
      %parallel_loop3A_606 = arith.muli %parallel_loop3A_604, %parallel_loop3A_605 : i32
      %parallel_loop3A_607 = arith.index_cast %parallel_loop3A_606 : i32 to index
      %parallel_loop3A_608 = tpu.vector_load %arg16[%parallel_loop3A_607] {strides = array<i32>} : memref<2048xf32, #tpu.memory_space<vmem>>, vector<16xf32>,
      %parallel_loop3A_609 = arith.constant 16 : i32
      %parallel_loop3A_610 = arith.muli %parallel_loop3A_602, %parallel_loop3A_609 : i32
      %parallel_loop3A_611 = arith.constant 0 : i32
      %parallel_loop3A_612 = arith.index_cast %parallel_loop3A_611 : i32 to index
      %parallel_loop3A_613 = arith.index_cast %parallel_loop3A_600 : i32 to index
      %parallel_loop3A_614 = arith.index_cast %parallel_loop3A_610 : i32 to index
      %parallel_loop3A_615 = tpu.vector_load %arg17[%parallel_loop3A_612, %parallel_loop3A_613, %parallel_loop3A_614] {strides = array<i32>} : memref<2x16x2048xf32, #tpu.memory_space<vmem>>, vector<16xf32>,
      %parallel_loop3A_616 = arith.mulf %parallel_loop3A_615, %parallel_loop3A_608 : vector<16xf32>
      %parallel_loop3A_617 = arith.constant 16 : i32
      %parallel_loop3A_618 = arith.muli %parallel_loop3A_602, %parallel_loop3A_617 : i32
      %parallel_loop3A_619 = arith.constant 0 : i32
      %parallel_loop3A_620 = arith.index_cast %parallel_loop3A_619 : i32 to index
      %parallel_loop3A_621 = arith.index_cast %parallel_loop3A_600 : i32 to index
      %parallel_loop3A_622 = arith.index_cast %parallel_loop3A_618 : i32 to index
      %parallel_loop3A_623 = tpu.vector_load %arg17[%parallel_loop3A_620, %parallel_loop3A_621, %parallel_loop3A_622] {strides = array<i32>} : memref<2x16x2048xf32, #tpu.memory_space<vmem>>, vector<16xf32>,
      tpu.vector_store %arg17[%parallel_loop3A_620, %parallel_loop3A_621, %parallel_loop3A_622], %parallel_loop3A_616 {strides = array<i32>} : memref<2x16x2048xf32, #tpu.memory_space<vmem>>, vector<16xf32>,
    } {sc.loop_unroll_factor = 8 : i64, sc.parallel_access}
    %mul3A_213 = arith.constant 2 : i32
    %mul3A_214 = arith.muli %mul3A_213, %arg0 : i32
    %add3A_215 = arith.constant 0 : i32
    %add3A_216 = arith.addi %mul3A_214, %add3A_215 : i32
    %mul3A_217 = arith.constant 64 : i32
    %mul3A_218 = arith.muli %mul3A_217, %arg1 : i32
    %add3A_219 = arith.constant 32 : i32
    %add3A_220 = arith.addi %mul3A_218, %add3A_219 : i32
    %dma_start3A_221 = arith.constant 0 : i32
    %dma_start3A_222 = arith.constant 0 : i32
    %dma_start3A_223 = arith.constant 0 : i32
    %dma_start3A_224 = tpu.memref_slice %arg17[%dma_start3A_221, %dma_start3A_222, %dma_start3A_223] : memref<2x16x2048xf32, #tpu.memory_space<vmem>> -> memref<1x16x2048xf32, #tpu.memory_space<vmem>>
    %dma_start3A_225 = tpu.memref_squeeze %dma_start3A_224 : memref<1x16x2048xf32, #tpu.memory_space<vmem>> -> memref<16x2048xf32, #tpu.memory_space<vmem>>
    %dma_start3A_226 = arith.constant 0 : i32
    %dma_start3A_227 = tpu.memref_slice %arg4[%add3A_216, %add3A_220, %dma_start3A_226] : memref<4x1024x2048xf32, #tpu.memory_space<hbm>> -> memref<1x16x2048xf32, #tpu.memory_space<hbm>>
    %dma_start3A_228 = tpu.memref_squeeze %dma_start3A_227 : memref<1x16x2048xf32, #tpu.memory_space<hbm>> -> memref<16x2048xf32, #tpu.memory_space<hbm>>
    %dma_start3A_229 = arith.constant 0 : i32
    %dma_start3A_230 = tpu.memref_slice %arg4[%add3A_216, %add3A_220, %dma_start3A_229] : memref<4x1024x2048xf32, #tpu.memory_space<hbm>> -> memref<1x16x2048xf32, #tpu.memory_space<hbm>>
    %dma_start3A_231 = tpu.memref_squeeze %dma_start3A_230 : memref<1x16x2048xf32, #tpu.memory_space<hbm>> -> memref<16x2048xf32, #tpu.memory_space<hbm>>
    %dma_start3A_232 = arith.constant 0 : i32
    %dma_start3A_233 = arith.constant 0 : i32
    %dma_start3A_234 = tpu.memref_slice %arg17[%dma_start3A_221, %dma_start3A_232, %dma_start3A_233] : memref<2x16x2048xf32, #tpu.memory_space<vmem>> -> memref<1x16x2048xf32, #tpu.memory_space<vmem>>
    %dma_start3A_235 = tpu.memref_squeeze %dma_start3A_234 : memref<1x16x2048xf32, #tpu.memory_space<vmem>> -> memref<16x2048xf32, #tpu.memory_space<vmem>>
    tpu.enqueue_dma source(%dma_start3A_235 : memref<16x2048xf32, #tpu.memory_space<vmem>>) target(%dma_start3A_231 : memref<16x2048xf32, #tpu.memory_space<hbm>>) target_semaphore(%arg22 : memref<!tpu.dma_semaphore, #tpu.memory_space<semaphore_mem>>)
    %dma_wait3A_236 = arith.constant 0 : i32
    %dma_wait3A_237 = arith.constant 0 : i32
    %dma_wait3A_238 = arith.constant 0 : i32
    %dma_wait3A_239 = tpu.memref_slice %arg17[%dma_wait3A_236, %dma_wait3A_237, %dma_wait3A_238] : memref<2x16x2048xf32, #tpu.memory_space<vmem>> -> memref<1x16x2048xf32, #tpu.memory_space<vmem>>
    %dma_wait3A_240 = tpu.memref_squeeze %dma_wait3A_239 : memref<1x16x2048xf32, #tpu.memory_space<vmem>> -> memref<16x2048xf32, #tpu.memory_space<vmem>>
    %dma_wait3A_241 = arith.constant 0 : i32
    %dma_wait3A_242 = tpu.memref_slice %arg4[%add3A_216, %add3A_220, %dma_wait3A_241] : memref<4x1024x2048xf32, #tpu.memory_space<hbm>> -> memref<1x16x2048xf32, #tpu.memory_space<hbm>>
    %dma_wait3A_243 = tpu.memref_squeeze %dma_wait3A_242 : memref<1x16x2048xf32, #tpu.memory_space<hbm>> -> memref<16x2048xf32, #tpu.memory_space<hbm>>
    %dma_wait3A_244 = arith.constant 0 : i32
    %dma_wait3A_245 = tpu.memref_slice %arg4[%add3A_216, %add3A_220, %dma_wait3A_244] : memref<4x1024x2048xf32, #tpu.memory_space<hbm>> -> memref<1x16x2048xf32, #tpu.memory_space<hbm>>
    %dma_wait3A_246 = tpu.memref_squeeze %dma_wait3A_245 : memref<1x16x2048xf32, #tpu.memory_space<hbm>> -> memref<16x2048xf32, #tpu.memory_space<hbm>>
    %dma_wait3A_247 = arith.constant 0 : i32
    %dma_wait3A_248 = arith.constant 0 : i32
    %dma_wait3A_249 = tpu.memref_slice %arg17[%dma_wait3A_236, %dma_wait3A_247, %dma_wait3A_248] : memref<2x16x2048xf32, #tpu.memory_space<vmem>> -> memref<1x16x2048xf32, #tpu.memory_space<vmem>>
    %dma_wait3A_250 = tpu.memref_squeeze %dma_wait3A_249 : memref<1x16x2048xf32, #tpu.memory_space<vmem>> -> memref<16x2048xf32, #tpu.memory_space<vmem>>
    tpu.wait_dma2 semaphore(%arg22 : memref<!tpu.dma_semaphore, #tpu.memory_space<semaphore_mem>>) src(%dma_wait3A_250 : memref<16x2048xf32, #tpu.memory_space<vmem>>) dst(%dma_wait3A_246 : memref<16x2048xf32, #tpu.memory_space<hbm>>)
    %mul3A_251 = arith.constant 2 : i32
    %mul3A_252 = arith.muli %mul3A_251, %arg0 : i32
    %add3A_253 = arith.constant 1 : i32
    %add3A_254 = arith.addi %mul3A_252, %add3A_253 : i32
    %dma_start3A_255 = arith.constant 0 : i32
    %dma_start3A_256 = arith.constant 0 : i32
    %dma_start3A_257 = arith.constant 0 : i32
    %dma_start3A_258 = tpu.memref_slice %arg17[%dma_start3A_255, %dma_start3A_256, %dma_start3A_257] : memref<2x16x2048xf32, #tpu.memory_space<vmem>> -> memref<1x16x2048xf32, #tpu.memory_space<vmem>>
    %dma_start3A_259 = tpu.memref_squeeze %dma_start3A_258 : memref<1x16x2048xf32, #tpu.memory_space<vmem>> -> memref<16x2048xf32, #tpu.memory_space<vmem>>
    %dma_start3A_260 = arith.constant 64 : i32
    %dma_start3A_261 = tpu.memref_slice %arg14[%dma_start3A_260] : memref<128xi32, #tpu.memory_space<vmem>> -> memref<16xi32, #tpu.memory_space<vmem>>
    %dma_start3A_262 = arith.constant 0 : i32
    %dma_start3A_263 = arith.constant 0 : i32
    %dma_start3A_264 = tpu.memref_slice %arg3[%add3A_254, %dma_start3A_262, %dma_start3A_263] : memref<4x4096x2048xf32, #tpu.memory_space<hbm>> -> memref<1x4096x2048xf32, #tpu.memory_space<hbm>>
    %dma_start3A_265 = tpu.memref_squeeze %dma_start3A_264 : memref<1x4096x2048xf32, #tpu.memory_space<hbm>> -> memref<4096x2048xf32, #tpu.memory_space<hbm>>
    %dma_start3A_266 = arith.constant 0 : i32
    %dma_start3A_267 = arith.constant 0 : i32
    %dma_start3A_268 = tpu.memref_slice %dma_start3A_265[%dma_start3A_266, %dma_start3A_267] : memref<4096x2048xf32, #tpu.memory_space<hbm>> -> memref<4096x2048xf32, #tpu.memory_space<hbm>>
    tpu.enqueue_indirect_dma source(%dma_start3A_268 : memref<4096x2048xf32, #tpu.memory_space<hbm>>) target(%dma_start3A_259 : memref<16x2048xf32, #tpu.memory_space<vmem>>) offsets(%dma_start3A_261 : memref<16xi32, #tpu.memory_space<vmem>>) semaphore(%arg20 : memref<!tpu.dma_semaphore, #tpu.memory_space<semaphore_mem>>)
    %dma_wait3A_269 = arith.constant 1 : i32
    %dma_wait3A_270 = arith.constant 0 : i32
    %dma_wait3A_271 = arith.constant 0 : i32
    %dma_wait3A_272 = tpu.memref_slice %arg17[%dma_wait3A_269, %dma_wait3A_270, %dma_wait3A_271] : memref<2x16x2048xf32, #tpu.memory_space<vmem>> -> memref<1x16x2048xf32, #tpu.memory_space<vmem>>
    %dma_wait3A_273 = tpu.memref_squeeze %dma_wait3A_272 : memref<1x16x2048xf32, #tpu.memory_space<vmem>> -> memref<16x2048xf32, #tpu.memory_space<vmem>>
    %dma_wait3A_274 = arith.constant 48 : i32
    %dma_wait3A_275 = tpu.memref_slice %arg14[%dma_wait3A_274] : memref<128xi32, #tpu.memory_space<vmem>> -> memref<16xi32, #tpu.memory_space<vmem>>
    %dma_wait3A_276 = arith.constant 0 : i32
    %dma_wait3A_277 = arith.constant 0 : i32
    %dma_wait3A_278 = tpu.memref_slice %arg3[%add3A_181, %dma_wait3A_276, %dma_wait3A_277] : memref<4x4096x2048xf32, #tpu.memory_space<hbm>> -> memref<1x4096x2048xf32, #tpu.memory_space<hbm>>
    %dma_wait3A_279 = tpu.memref_squeeze %dma_wait3A_278 : memref<1x4096x2048xf32, #tpu.memory_space<hbm>> -> memref<4096x2048xf32, #tpu.memory_space<hbm>>
    %dma_wait3A_280 = arith.constant 0 : i32
    %dma_wait3A_281 = arith.constant 0 : i32
    %dma_wait3A_282 = tpu.memref_slice %dma_wait3A_279[%dma_wait3A_280, %dma_wait3A_281] : memref<4096x2048xf32, #tpu.memory_space<hbm>> -> memref<4096x2048xf32, #tpu.memory_space<hbm>>
    tpu.wait_indirect_dma semaphore(%arg21 : memref<!tpu.dma_semaphore, #tpu.memory_space<semaphore_mem>>) src(%dma_wait3A_282 : memref<4096x2048xf32, #tpu.memory_space<hbm>>) dst(%dma_wait3A_273 : memref<16x2048xf32, #tpu.memory_space<vmem>>)
    %parallel_loop3A_283 = arith.constant 0 : i32
    %parallel_loop3A_284 = arith.constant 2048 : i32
    %parallel_loop3A_285 = arith.constant 1 : i32
    scf.for %parallel_loop3A_598 = %parallel_loop3A_283 to %parallel_loop3A_284 step %parallel_loop3A_285  : i32 {
      %parallel_loop3A_599 = arith.constant 7 : i32
      %parallel_loop3A_600 = arith.shrui %parallel_loop3A_598, %parallel_loop3A_599 : i32
      %parallel_loop3A_601 = arith.constant 127 : i32
      %parallel_loop3A_602 = arith.andi %parallel_loop3A_598, %parallel_loop3A_601 : i32
      %parallel_loop3A_603 = arith.constant 48 : i32
      %parallel_loop3A_604 = arith.addi %parallel_loop3A_603, %parallel_loop3A_600 : i32
      %parallel_loop3A_605 = arith.constant 16 : i32
      %parallel_loop3A_606 = arith.muli %parallel_loop3A_604, %parallel_loop3A_605 : i32
      %parallel_loop3A_607 = arith.index_cast %parallel_loop3A_606 : i32 to index
      %parallel_loop3A_608 = tpu.vector_load %arg16[%parallel_loop3A_607] {strides = array<i32>} : memref<2048xf32, #tpu.memory_space<vmem>>, vector<16xf32>,
      %parallel_loop3A_609 = arith.constant 16 : i32
      %parallel_loop3A_610 = arith.muli %parallel_loop3A_602, %parallel_loop3A_609 : i32
      %parallel_loop3A_611 = arith.constant 1 : i32
      %parallel_loop3A_612 = arith.index_cast %parallel_loop3A_611 : i32 to index
      %parallel_loop3A_613 = arith.index_cast %parallel_loop3A_600 : i32 to index
      %parallel_loop3A_614 = arith.index_cast %parallel_loop3A_610 : i32 to index
      %parallel_loop3A_615 = tpu.vector_load %arg17[%parallel_loop3A_612, %parallel_loop3A_613, %parallel_loop3A_614] {strides = array<i32>} : memref<2x16x2048xf32, #tpu.memory_space<vmem>>, vector<16xf32>,
      %parallel_loop3A_616 = arith.mulf %parallel_loop3A_615, %parallel_loop3A_608 : vector<16xf32>
      %parallel_loop3A_617 = arith.constant 16 : i32
      %parallel_loop3A_618 = arith.muli %parallel_loop3A_602, %parallel_loop3A_617 : i32
      %parallel_loop3A_619 = arith.constant 1 : i32
      %parallel_loop3A_620 = arith.index_cast %parallel_loop3A_619 : i32 to index
      %parallel_loop3A_621 = arith.index_cast %parallel_loop3A_600 : i32 to index
      %parallel_loop3A_622 = arith.index_cast %parallel_loop3A_618 : i32 to index
      %parallel_loop3A_623 = tpu.vector_load %arg17[%parallel_loop3A_620, %parallel_loop3A_621, %parallel_loop3A_622] {strides = array<i32>} : memref<2x16x2048xf32, #tpu.memory_space<vmem>>, vector<16xf32>,
      tpu.vector_store %arg17[%parallel_loop3A_620, %parallel_loop3A_621, %parallel_loop3A_622], %parallel_loop3A_616 {strides = array<i32>} : memref<2x16x2048xf32, #tpu.memory_space<vmem>>, vector<16xf32>,
    } {sc.loop_unroll_factor = 8 : i64, sc.parallel_access}
    %mul3A_286 = arith.constant 2 : i32
    %mul3A_287 = arith.muli %mul3A_286, %arg0 : i32
    %add3A_288 = arith.constant 0 : i32
    %add3A_289 = arith.addi %mul3A_287, %add3A_288 : i32
    %mul3A_290 = arith.constant 64 : i32
    %mul3A_291 = arith.muli %mul3A_290, %arg1 : i32
    %add3A_292 = arith.constant 48 : i32
    %add3A_293 = arith.addi %mul3A_291, %add3A_292 : i32
    %dma_start3A_294 = arith.constant 1 : i32
    %dma_start3A_295 = arith.constant 0 : i32
    %dma_start3A_296 = arith.constant 0 : i32
    %dma_start3A_297 = tpu.memref_slice %arg17[%dma_start3A_294, %dma_start3A_295, %dma_start3A_296] : memref<2x16x2048xf32, #tpu.memory_space<vmem>> -> memref<1x16x2048xf32, #tpu.memory_space<vmem>>
    %dma_start3A_298 = tpu.memref_squeeze %dma_start3A_297 : memref<1x16x2048xf32, #tpu.memory_space<vmem>> -> memref<16x2048xf32, #tpu.memory_space<vmem>>
    %dma_start3A_299 = arith.constant 0 : i32
    %dma_start3A_300 = tpu.memref_slice %arg4[%add3A_289, %add3A_293, %dma_start3A_299] : memref<4x1024x2048xf32, #tpu.memory_space<hbm>> -> memref<1x16x2048xf32, #tpu.memory_space<hbm>>
    %dma_start3A_301 = tpu.memref_squeeze %dma_start3A_300 : memref<1x16x2048xf32, #tpu.memory_space<hbm>> -> memref<16x2048xf32, #tpu.memory_space<hbm>>
    %dma_start3A_302 = arith.constant 0 : i32
    %dma_start3A_303 = tpu.memref_slice %arg4[%add3A_289, %add3A_293, %dma_start3A_302] : memref<4x1024x2048xf32, #tpu.memory_space<hbm>> -> memref<1x16x2048xf32, #tpu.memory_space<hbm>>
    %dma_start3A_304 = tpu.memref_squeeze %dma_start3A_303 : memref<1x16x2048xf32, #tpu.memory_space<hbm>> -> memref<16x2048xf32, #tpu.memory_space<hbm>>
    %dma_start3A_305 = arith.constant 0 : i32
    %dma_start3A_306 = arith.constant 0 : i32
    %dma_start3A_307 = tpu.memref_slice %arg17[%dma_start3A_294, %dma_start3A_305, %dma_start3A_306] : memref<2x16x2048xf32, #tpu.memory_space<vmem>> -> memref<1x16x2048xf32, #tpu.memory_space<vmem>>
    %dma_start3A_308 = tpu.memref_squeeze %dma_start3A_307 : memref<1x16x2048xf32, #tpu.memory_space<vmem>> -> memref<16x2048xf32, #tpu.memory_space<vmem>>
    tpu.enqueue_dma source(%dma_start3A_308 : memref<16x2048xf32, #tpu.memory_space<vmem>>) target(%dma_start3A_304 : memref<16x2048xf32, #tpu.memory_space<hbm>>) target_semaphore(%arg23 : memref<!tpu.dma_semaphore, #tpu.memory_space<semaphore_mem>>)
    %dma_wait3A_309 = arith.constant 1 : i32
    %dma_wait3A_310 = arith.constant 0 : i32
    %dma_wait3A_311 = arith.constant 0 : i32
    %dma_wait3A_312 = tpu.memref_slice %arg17[%dma_wait3A_309, %dma_wait3A_310, %dma_wait3A_311] : memref<2x16x2048xf32, #tpu.memory_space<vmem>> -> memref<1x16x2048xf32, #tpu.memory_space<vmem>>
    %dma_wait3A_313 = tpu.memref_squeeze %dma_wait3A_312 : memref<1x16x2048xf32, #tpu.memory_space<vmem>> -> memref<16x2048xf32, #tpu.memory_space<vmem>>
    %dma_wait3A_314 = arith.constant 0 : i32
    %dma_wait3A_315 = tpu.memref_slice %arg4[%add3A_289, %add3A_293, %dma_wait3A_314] : memref<4x1024x2048xf32, #tpu.memory_space<hbm>> -> memref<1x16x2048xf32, #tpu.memory_space<hbm>>
    %dma_wait3A_316 = tpu.memref_squeeze %dma_wait3A_315 : memref<1x16x2048xf32, #tpu.memory_space<hbm>> -> memref<16x2048xf32, #tpu.memory_space<hbm>>
    %dma_wait3A_317 = arith.constant 0 : i32
    %dma_wait3A_318 = tpu.memref_slice %arg4[%add3A_289, %add3A_293, %dma_wait3A_317] : memref<4x1024x2048xf32, #tpu.memory_space<hbm>> -> memref<1x16x2048xf32, #tpu.memory_space<hbm>>
    %dma_wait3A_319 = tpu.memref_squeeze %dma_wait3A_318 : memref<1x16x2048xf32, #tpu.memory_space<hbm>> -> memref<16x2048xf32, #tpu.memory_space<hbm>>
    %dma_wait3A_320 = arith.constant 0 : i32
    %dma_wait3A_321 = arith.constant 0 : i32
    %dma_wait3A_322 = tpu.memref_slice %arg17[%dma_wait3A_309, %dma_wait3A_320, %dma_wait3A_321] : memref<2x16x2048xf32, #tpu.memory_space<vmem>> -> memref<1x16x2048xf32, #tpu.memory_space<vmem>>
    %dma_wait3A_323 = tpu.memref_squeeze %dma_wait3A_322 : memref<1x16x2048xf32, #tpu.memory_space<vmem>> -> memref<16x2048xf32, #tpu.memory_space<vmem>>
    tpu.wait_dma2 semaphore(%arg23 : memref<!tpu.dma_semaphore, #tpu.memory_space<semaphore_mem>>) src(%dma_wait3A_323 : memref<16x2048xf32, #tpu.memory_space<vmem>>) dst(%dma_wait3A_319 : memref<16x2048xf32, #tpu.memory_space<hbm>>)
    %mul3A_324 = arith.constant 2 : i32
    %mul3A_325 = arith.muli %mul3A_324, %arg0 : i32
    %add3A_326 = arith.constant 1 : i32
    %add3A_327 = arith.addi %mul3A_325, %add3A_326 : i32
    %dma_start3A_328 = arith.constant 1 : i32
    %dma_start3A_329 = arith.constant 0 : i32
    %dma_start3A_330 = arith.constant 0 : i32
    %dma_start3A_331 = tpu.memref_slice %arg17[%dma_start3A_328, %dma_start3A_329, %dma_start3A_330] : memref<2x16x2048xf32, #tpu.memory_space<vmem>> -> memref<1x16x2048xf32, #tpu.memory_space<vmem>>
    %dma_start3A_332 = tpu.memref_squeeze %dma_start3A_331 : memref<1x16x2048xf32, #tpu.memory_space<vmem>> -> memref<16x2048xf32, #tpu.memory_space<vmem>>
    %dma_start3A_333 = arith.constant 80 : i32
    %dma_start3A_334 = tpu.memref_slice %arg14[%dma_start3A_333] : memref<128xi32, #tpu.memory_space<vmem>> -> memref<16xi32, #tpu.memory_space<vmem>>
    %dma_start3A_335 = arith.constant 0 : i32
    %dma_start3A_336 = arith.constant 0 : i32
    %dma_start3A_337 = tpu.memref_slice %arg3[%add3A_327, %dma_start3A_335, %dma_start3A_336] : memref<4x4096x2048xf32, #tpu.memory_space<hbm>> -> memref<1x4096x2048xf32, #tpu.memory_space<hbm>>
    %dma_start3A_338 = tpu.memref_squeeze %dma_start3A_337 : memref<1x4096x2048xf32, #tpu.memory_space<hbm>> -> memref<4096x2048xf32, #tpu.memory_space<hbm>>
    %dma_start3A_339 = arith.constant 0 : i32
    %dma_start3A_340 = arith.constant 0 : i32
    %dma_start3A_341 = tpu.memref_slice %dma_start3A_338[%dma_start3A_339, %dma_start3A_340] : memref<4096x2048xf32, #tpu.memory_space<hbm>> -> memref<4096x2048xf32, #tpu.memory_space<hbm>>
    tpu.enqueue_indirect_dma source(%dma_start3A_341 : memref<4096x2048xf32, #tpu.memory_space<hbm>>) target(%dma_start3A_332 : memref<16x2048xf32, #tpu.memory_space<vmem>>) offsets(%dma_start3A_334 : memref<16xi32, #tpu.memory_space<vmem>>) semaphore(%arg21 : memref<!tpu.dma_semaphore, #tpu.memory_space<semaphore_mem>>)
    %dma_wait3A_342 = arith.constant 0 : i32
    %dma_wait3A_343 = arith.constant 0 : i32
    %dma_wait3A_344 = arith.constant 0 : i32
    %dma_wait3A_345 = tpu.memref_slice %arg17[%dma_wait3A_342, %dma_wait3A_343, %dma_wait3A_344] : memref<2x16x2048xf32, #tpu.memory_space<vmem>> -> memref<1x16x2048xf32, #tpu.memory_space<vmem>>
    %dma_wait3A_346 = tpu.memref_squeeze %dma_wait3A_345 : memref<1x16x2048xf32, #tpu.memory_space<vmem>> -> memref<16x2048xf32, #tpu.memory_space<vmem>>
    %dma_wait3A_347 = arith.constant 64 : i32
    %dma_wait3A_348 = tpu.memref_slice %arg14[%dma_wait3A_347] : memref<128xi32, #tpu.memory_space<vmem>> -> memref<16xi32, #tpu.memory_space<vmem>>
    %dma_wait3A_349 = arith.constant 0 : i32
    %dma_wait3A_350 = arith.constant 0 : i32
    %dma_wait3A_351 = tpu.memref_slice %arg3[%add3A_254, %dma_wait3A_349, %dma_wait3A_350] : memref<4x4096x2048xf32, #tpu.memory_space<hbm>> -> memref<1x4096x2048xf32, #tpu.memory_space<hbm>>
    %dma_wait3A_352 = tpu.memref_squeeze %dma_wait3A_351 : memref<1x4096x2048xf32, #tpu.memory_space<hbm>> -> memref<4096x2048xf32, #tpu.memory_space<hbm>>
    %dma_wait3A_353 = arith.constant 0 : i32
    %dma_wait3A_354 = arith.constant 0 : i32
    %dma_wait3A_355 = tpu.memref_slice %dma_wait3A_352[%dma_wait3A_353, %dma_wait3A_354] : memref<4096x2048xf32, #tpu.memory_space<hbm>> -> memref<4096x2048xf32, #tpu.memory_space<hbm>>
    tpu.wait_indirect_dma semaphore(%arg20 : memref<!tpu.dma_semaphore, #tpu.memory_space<semaphore_mem>>) src(%dma_wait3A_355 : memref<4096x2048xf32, #tpu.memory_space<hbm>>) dst(%dma_wait3A_346 : memref<16x2048xf32, #tpu.memory_space<vmem>>)
    %parallel_loop3A_356 = arith.constant 0 : i32
    %parallel_loop3A_357 = arith.constant 2048 : i32
    %parallel_loop3A_358 = arith.constant 1 : i32
    scf.for %parallel_loop3A_598 = %parallel_loop3A_356 to %parallel_loop3A_357 step %parallel_loop3A_358  : i32 {
      %parallel_loop3A_599 = arith.constant 7 : i32
      %parallel_loop3A_600 = arith.shrui %parallel_loop3A_598, %parallel_loop3A_599 : i32
      %parallel_loop3A_601 = arith.constant 127 : i32
      %parallel_loop3A_602 = arith.andi %parallel_loop3A_598, %parallel_loop3A_601 : i32
      %parallel_loop3A_603 = arith.constant 64 : i32
      %parallel_loop3A_604 = arith.addi %parallel_loop3A_603, %parallel_loop3A_600 : i32
      %parallel_loop3A_605 = arith.constant 16 : i32
      %parallel_loop3A_606 = arith.muli %parallel_loop3A_604, %parallel_loop3A_605 : i32
      %parallel_loop3A_607 = arith.index_cast %parallel_loop3A_606 : i32 to index
      %parallel_loop3A_608 = tpu.vector_load %arg16[%parallel_loop3A_607] {strides = array<i32>} : memref<2048xf32, #tpu.memory_space<vmem>>, vector<16xf32>,
      %parallel_loop3A_609 = arith.constant 16 : i32
      %parallel_loop3A_610 = arith.muli %parallel_loop3A_602, %parallel_loop3A_609 : i32
      %parallel_loop3A_611 = arith.constant 0 : i32
      %parallel_loop3A_612 = arith.index_cast %parallel_loop3A_611 : i32 to index
      %parallel_loop3A_613 = arith.index_cast %parallel_loop3A_600 : i32 to index
      %parallel_loop3A_614 = arith.index_cast %parallel_loop3A_610 : i32 to index
      %parallel_loop3A_615 = tpu.vector_load %arg17[%parallel_loop3A_612, %parallel_loop3A_613, %parallel_loop3A_614] {strides = array<i32>} : memref<2x16x2048xf32, #tpu.memory_space<vmem>>, vector<16xf32>,
      %parallel_loop3A_616 = arith.mulf %parallel_loop3A_615, %parallel_loop3A_608 : vector<16xf32>
      %parallel_loop3A_617 = arith.constant 16 : i32
      %parallel_loop3A_618 = arith.muli %parallel_loop3A_602, %parallel_loop3A_617 : i32
      %parallel_loop3A_619 = arith.constant 0 : i32
      %parallel_loop3A_620 = arith.index_cast %parallel_loop3A_619 : i32 to index
      %parallel_loop3A_621 = arith.index_cast %parallel_loop3A_600 : i32 to index
      %parallel_loop3A_622 = arith.index_cast %parallel_loop3A_618 : i32 to index
      %parallel_loop3A_623 = tpu.vector_load %arg17[%parallel_loop3A_620, %parallel_loop3A_621, %parallel_loop3A_622] {strides = array<i32>} : memref<2x16x2048xf32, #tpu.memory_space<vmem>>, vector<16xf32>,
      tpu.vector_store %arg17[%parallel_loop3A_620, %parallel_loop3A_621, %parallel_loop3A_622], %parallel_loop3A_616 {strides = array<i32>} : memref<2x16x2048xf32, #tpu.memory_space<vmem>>, vector<16xf32>,
    } {sc.loop_unroll_factor = 8 : i64, sc.parallel_access}
    %mul3A_359 = arith.constant 2 : i32
    %mul3A_360 = arith.muli %mul3A_359, %arg0 : i32
    %add3A_361 = arith.constant 1 : i32
    %add3A_362 = arith.addi %mul3A_360, %add3A_361 : i32
    %mul3A_363 = arith.constant 64 : i32
    %mul3A_364 = arith.muli %mul3A_363, %arg1 : i32
    %add3A_365 = arith.constant 0 : i32
    %add3A_366 = arith.addi %mul3A_364, %add3A_365 : i32
    %dma_start3A_367 = arith.constant 0 : i32
    %dma_start3A_368 = arith.constant 0 : i32
    %dma_start3A_369 = arith.constant 0 : i32
    %dma_start3A_370 = tpu.memref_slice %arg17[%dma_start3A_367, %dma_start3A_368, %dma_start3A_369] : memref<2x16x2048xf32, #tpu.memory_space<vmem>> -> memref<1x16x2048xf32, #tpu.memory_space<vmem>>
    %dma_start3A_371 = tpu.memref_squeeze %dma_start3A_370 : memref<1x16x2048xf32, #tpu.memory_space<vmem>> -> memref<16x2048xf32, #tpu.memory_space<vmem>>
    %dma_start3A_372 = arith.constant 0 : i32
    %dma_start3A_373 = tpu.memref_slice %arg4[%add3A_362, %add3A_366, %dma_start3A_372] : memref<4x1024x2048xf32, #tpu.memory_space<hbm>> -> memref<1x16x2048xf32, #tpu.memory_space<hbm>>
    %dma_start3A_374 = tpu.memref_squeeze %dma_start3A_373 : memref<1x16x2048xf32, #tpu.memory_space<hbm>> -> memref<16x2048xf32, #tpu.memory_space<hbm>>
    %dma_start3A_375 = arith.constant 0 : i32
    %dma_start3A_376 = tpu.memref_slice %arg4[%add3A_362, %add3A_366, %dma_start3A_375] : memref<4x1024x2048xf32, #tpu.memory_space<hbm>> -> memref<1x16x2048xf32, #tpu.memory_space<hbm>>
    %dma_start3A_377 = tpu.memref_squeeze %dma_start3A_376 : memref<1x16x2048xf32, #tpu.memory_space<hbm>> -> memref<16x2048xf32, #tpu.memory_space<hbm>>
    %dma_start3A_378 = arith.constant 0 : i32
    %dma_start3A_379 = arith.constant 0 : i32
    %dma_start3A_380 = tpu.memref_slice %arg17[%dma_start3A_367, %dma_start3A_378, %dma_start3A_379] : memref<2x16x2048xf32, #tpu.memory_space<vmem>> -> memref<1x16x2048xf32, #tpu.memory_space<vmem>>
    %dma_start3A_381 = tpu.memref_squeeze %dma_start3A_380 : memref<1x16x2048xf32, #tpu.memory_space<vmem>> -> memref<16x2048xf32, #tpu.memory_space<vmem>>
    tpu.enqueue_dma source(%dma_start3A_381 : memref<16x2048xf32, #tpu.memory_space<vmem>>) target(%dma_start3A_377 : memref<16x2048xf32, #tpu.memory_space<hbm>>) target_semaphore(%arg22 : memref<!tpu.dma_semaphore, #tpu.memory_space<semaphore_mem>>)
    %dma_wait3A_382 = arith.constant 0 : i32
    %dma_wait3A_383 = arith.constant 0 : i32
    %dma_wait3A_384 = arith.constant 0 : i32
    %dma_wait3A_385 = tpu.memref_slice %arg17[%dma_wait3A_382, %dma_wait3A_383, %dma_wait3A_384] : memref<2x16x2048xf32, #tpu.memory_space<vmem>> -> memref<1x16x2048xf32, #tpu.memory_space<vmem>>
    %dma_wait3A_386 = tpu.memref_squeeze %dma_wait3A_385 : memref<1x16x2048xf32, #tpu.memory_space<vmem>> -> memref<16x2048xf32, #tpu.memory_space<vmem>>
    %dma_wait3A_387 = arith.constant 0 : i32
    %dma_wait3A_388 = tpu.memref_slice %arg4[%add3A_362, %add3A_366, %dma_wait3A_387] : memref<4x1024x2048xf32, #tpu.memory_space<hbm>> -> memref<1x16x2048xf32, #tpu.memory_space<hbm>>
    %dma_wait3A_389 = tpu.memref_squeeze %dma_wait3A_388 : memref<1x16x2048xf32, #tpu.memory_space<hbm>> -> memref<16x2048xf32, #tpu.memory_space<hbm>>
    %dma_wait3A_390 = arith.constant 0 : i32
    %dma_wait3A_391 = tpu.memref_slice %arg4[%add3A_362, %add3A_366, %dma_wait3A_390] : memref<4x1024x2048xf32, #tpu.memory_space<hbm>> -> memref<1x16x2048xf32, #tpu.memory_space<hbm>>
    %dma_wait3A_392 = tpu.memref_squeeze %dma_wait3A_391 : memref<1x16x2048xf32, #tpu.memory_space<hbm>> -> memref<16x2048xf32, #tpu.memory_space<hbm>>
    %dma_wait3A_393 = arith.constant 0 : i32
    %dma_wait3A_394 = arith.constant 0 : i32
    %dma_wait3A_395 = tpu.memref_slice %arg17[%dma_wait3A_382, %dma_wait3A_393, %dma_wait3A_394] : memref<2x16x2048xf32, #tpu.memory_space<vmem>> -> memref<1x16x2048xf32, #tpu.memory_space<vmem>>
    %dma_wait3A_396 = tpu.memref_squeeze %dma_wait3A_395 : memref<1x16x2048xf32, #tpu.memory_space<vmem>> -> memref<16x2048xf32, #tpu.memory_space<vmem>>
    tpu.wait_dma2 semaphore(%arg22 : memref<!tpu.dma_semaphore, #tpu.memory_space<semaphore_mem>>) src(%dma_wait3A_396 : memref<16x2048xf32, #tpu.memory_space<vmem>>) dst(%dma_wait3A_392 : memref<16x2048xf32, #tpu.memory_space<hbm>>)
    %mul3A_397 = arith.constant 2 : i32
    %mul3A_398 = arith.muli %mul3A_397, %arg0 : i32
    %add3A_399 = arith.constant 1 : i32
    %add3A_400 = arith.addi %mul3A_398, %add3A_399 : i32
    %dma_start3A_401 = arith.constant 0 : i32
    %dma_start3A_402 = arith.constant 0 : i32
    %dma_start3A_403 = arith.constant 0 : i32
    %dma_start3A_404 = tpu.memref_slice %arg17[%dma_start3A_401, %dma_start3A_402, %dma_start3A_403] : memref<2x16x2048xf32, #tpu.memory_space<vmem>> -> memref<1x16x2048xf32, #tpu.memory_space<vmem>>
    %dma_start3A_405 = tpu.memref_squeeze %dma_start3A_404 : memref<1x16x2048xf32, #tpu.memory_space<vmem>> -> memref<16x2048xf32, #tpu.memory_space<vmem>>
    %dma_start3A_406 = arith.constant 96 : i32
    %dma_start3A_407 = tpu.memref_slice %arg14[%dma_start3A_406] : memref<128xi32, #tpu.memory_space<vmem>> -> memref<16xi32, #tpu.memory_space<vmem>>
    %dma_start3A_408 = arith.constant 0 : i32
    %dma_start3A_409 = arith.constant 0 : i32
    %dma_start3A_410 = tpu.memref_slice %arg3[%add3A_400, %dma_start3A_408, %dma_start3A_409] : memref<4x4096x2048xf32, #tpu.memory_space<hbm>> -> memref<1x4096x2048xf32, #tpu.memory_space<hbm>>
    %dma_start3A_411 = tpu.memref_squeeze %dma_start3A_410 : memref<1x4096x2048xf32, #tpu.memory_space<hbm>> -> memref<4096x2048xf32, #tpu.memory_space<hbm>>
    %dma_start3A_412 = arith.constant 0 : i32
    %dma_start3A_413 = arith.constant 0 : i32
    %dma_start3A_414 = tpu.memref_slice %dma_start3A_411[%dma_start3A_412, %dma_start3A_413] : memref<4096x2048xf32, #tpu.memory_space<hbm>> -> memref<4096x2048xf32, #tpu.memory_space<hbm>>
    tpu.enqueue_indirect_dma source(%dma_start3A_414 : memref<4096x2048xf32, #tpu.memory_space<hbm>>) target(%dma_start3A_405 : memref<16x2048xf32, #tpu.memory_space<vmem>>) offsets(%dma_start3A_407 : memref<16xi32, #tpu.memory_space<vmem>>) semaphore(%arg20 : memref<!tpu.dma_semaphore, #tpu.memory_space<semaphore_mem>>)
    %dma_wait3A_415 = arith.constant 1 : i32
    %dma_wait3A_416 = arith.constant 0 : i32
    %dma_wait3A_417 = arith.constant 0 : i32
    %dma_wait3A_418 = tpu.memref_slice %arg17[%dma_wait3A_415, %dma_wait3A_416, %dma_wait3A_417] : memref<2x16x2048xf32, #tpu.memory_space<vmem>> -> memref<1x16x2048xf32, #tpu.memory_space<vmem>>
    %dma_wait3A_419 = tpu.memref_squeeze %dma_wait3A_418 : memref<1x16x2048xf32, #tpu.memory_space<vmem>> -> memref<16x2048xf32, #tpu.memory_space<vmem>>
    %dma_wait3A_420 = arith.constant 80 : i32
    %dma_wait3A_421 = tpu.memref_slice %arg14[%dma_wait3A_420] : memref<128xi32, #tpu.memory_space<vmem>> -> memref<16xi32, #tpu.memory_space<vmem>>
    %dma_wait3A_422 = arith.constant 0 : i32
    %dma_wait3A_423 = arith.constant 0 : i32
    %dma_wait3A_424 = tpu.memref_slice %arg3[%add3A_327, %dma_wait3A_422, %dma_wait3A_423] : memref<4x4096x2048xf32, #tpu.memory_space<hbm>> -> memref<1x4096x2048xf32, #tpu.memory_space<hbm>>
    %dma_wait3A_425 = tpu.memref_squeeze %dma_wait3A_424 : memref<1x4096x2048xf32, #tpu.memory_space<hbm>> -> memref<4096x2048xf32, #tpu.memory_space<hbm>>
    %dma_wait3A_426 = arith.constant 0 : i32
    %dma_wait3A_427 = arith.constant 0 : i32
    %dma_wait3A_428 = tpu.memref_slice %dma_wait3A_425[%dma_wait3A_426, %dma_wait3A_427] : memref<4096x2048xf32, #tpu.memory_space<hbm>> -> memref<4096x2048xf32, #tpu.memory_space<hbm>>
    tpu.wait_indirect_dma semaphore(%arg21 : memref<!tpu.dma_semaphore, #tpu.memory_space<semaphore_mem>>) src(%dma_wait3A_428 : memref<4096x2048xf32, #tpu.memory_space<hbm>>) dst(%dma_wait3A_419 : memref<16x2048xf32, #tpu.memory_space<vmem>>)
    %parallel_loop3A_429 = arith.constant 0 : i32
    %parallel_loop3A_430 = arith.constant 2048 : i32
    %parallel_loop3A_431 = arith.constant 1 : i32
    scf.for %parallel_loop3A_598 = %parallel_loop3A_429 to %parallel_loop3A_430 step %parallel_loop3A_431  : i32 {
      %parallel_loop3A_599 = arith.constant 7 : i32
      %parallel_loop3A_600 = arith.shrui %parallel_loop3A_598, %parallel_loop3A_599 : i32
      %parallel_loop3A_601 = arith.constant 127 : i32
      %parallel_loop3A_602 = arith.andi %parallel_loop3A_598, %parallel_loop3A_601 : i32
      %parallel_loop3A_603 = arith.constant 80 : i32
      %parallel_loop3A_604 = arith.addi %parallel_loop3A_603, %parallel_loop3A_600 : i32
      %parallel_loop3A_605 = arith.constant 16 : i32
      %parallel_loop3A_606 = arith.muli %parallel_loop3A_604, %parallel_loop3A_605 : i32
      %parallel_loop3A_607 = arith.index_cast %parallel_loop3A_606 : i32 to index
      %parallel_loop3A_608 = tpu.vector_load %arg16[%parallel_loop3A_607] {strides = array<i32>} : memref<2048xf32, #tpu.memory_space<vmem>>, vector<16xf32>,
      %parallel_loop3A_609 = arith.constant 16 : i32
      %parallel_loop3A_610 = arith.muli %parallel_loop3A_602, %parallel_loop3A_609 : i32
      %parallel_loop3A_611 = arith.constant 1 : i32
      %parallel_loop3A_612 = arith.index_cast %parallel_loop3A_611 : i32 to index
      %parallel_loop3A_613 = arith.index_cast %parallel_loop3A_600 : i32 to index
      %parallel_loop3A_614 = arith.index_cast %parallel_loop3A_610 : i32 to index
      %parallel_loop3A_615 = tpu.vector_load %arg17[%parallel_loop3A_612, %parallel_loop3A_613, %parallel_loop3A_614] {strides = array<i32>} : memref<2x16x2048xf32, #tpu.memory_space<vmem>>, vector<16xf32>,
      %parallel_loop3A_616 = arith.mulf %parallel_loop3A_615, %parallel_loop3A_608 : vector<16xf32>
      %parallel_loop3A_617 = arith.constant 16 : i32
      %parallel_loop3A_618 = arith.muli %parallel_loop3A_602, %parallel_loop3A_617 : i32
      %parallel_loop3A_619 = arith.constant 1 : i32
      %parallel_loop3A_620 = arith.index_cast %parallel_loop3A_619 : i32 to index
      %parallel_loop3A_621 = arith.index_cast %parallel_loop3A_600 : i32 to index
      %parallel_loop3A_622 = arith.index_cast %parallel_loop3A_618 : i32 to index
      %parallel_loop3A_623 = tpu.vector_load %arg17[%parallel_loop3A_620, %parallel_loop3A_621, %parallel_loop3A_622] {strides = array<i32>} : memref<2x16x2048xf32, #tpu.memory_space<vmem>>, vector<16xf32>,
      tpu.vector_store %arg17[%parallel_loop3A_620, %parallel_loop3A_621, %parallel_loop3A_622], %parallel_loop3A_616 {strides = array<i32>} : memref<2x16x2048xf32, #tpu.memory_space<vmem>>, vector<16xf32>,
    } {sc.loop_unroll_factor = 8 : i64, sc.parallel_access}
    %mul3A_432 = arith.constant 2 : i32
    %mul3A_433 = arith.muli %mul3A_432, %arg0 : i32
    %add3A_434 = arith.constant 1 : i32
    %add3A_435 = arith.addi %mul3A_433, %add3A_434 : i32
    %mul3A_436 = arith.constant 64 : i32
    %mul3A_437 = arith.muli %mul3A_436, %arg1 : i32
    %add3A_438 = arith.constant 16 : i32
    %add3A_439 = arith.addi %mul3A_437, %add3A_438 : i32
    %dma_start3A_440 = arith.constant 1 : i32
    %dma_start3A_441 = arith.constant 0 : i32
    %dma_start3A_442 = arith.constant 0 : i32
    %dma_start3A_443 = tpu.memref_slice %arg17[%dma_start3A_440, %dma_start3A_441, %dma_start3A_442] : memref<2x16x2048xf32, #tpu.memory_space<vmem>> -> memref<1x16x2048xf32, #tpu.memory_space<vmem>>
    %dma_start3A_444 = tpu.memref_squeeze %dma_start3A_443 : memref<1x16x2048xf32, #tpu.memory_space<vmem>> -> memref<16x2048xf32, #tpu.memory_space<vmem>>
    %dma_start3A_445 = arith.constant 0 : i32
    %dma_start3A_446 = tpu.memref_slice %arg4[%add3A_435, %add3A_439, %dma_start3A_445] : memref<4x1024x2048xf32, #tpu.memory_space<hbm>> -> memref<1x16x2048xf32, #tpu.memory_space<hbm>>
    %dma_start3A_447 = tpu.memref_squeeze %dma_start3A_446 : memref<1x16x2048xf32, #tpu.memory_space<hbm>> -> memref<16x2048xf32, #tpu.memory_space<hbm>>
    %dma_start3A_448 = arith.constant 0 : i32
    %dma_start3A_449 = tpu.memref_slice %arg4[%add3A_435, %add3A_439, %dma_start3A_448] : memref<4x1024x2048xf32, #tpu.memory_space<hbm>> -> memref<1x16x2048xf32, #tpu.memory_space<hbm>>
    %dma_start3A_450 = tpu.memref_squeeze %dma_start3A_449 : memref<1x16x2048xf32, #tpu.memory_space<hbm>> -> memref<16x2048xf32, #tpu.memory_space<hbm>>
    %dma_start3A_451 = arith.constant 0 : i32
    %dma_start3A_452 = arith.constant 0 : i32
    %dma_start3A_453 = tpu.memref_slice %arg17[%dma_start3A_440, %dma_start3A_451, %dma_start3A_452] : memref<2x16x2048xf32, #tpu.memory_space<vmem>> -> memref<1x16x2048xf32, #tpu.memory_space<vmem>>
    %dma_start3A_454 = tpu.memref_squeeze %dma_start3A_453 : memref<1x16x2048xf32, #tpu.memory_space<vmem>> -> memref<16x2048xf32, #tpu.memory_space<vmem>>
    tpu.enqueue_dma source(%dma_start3A_454 : memref<16x2048xf32, #tpu.memory_space<vmem>>) target(%dma_start3A_450 : memref<16x2048xf32, #tpu.memory_space<hbm>>) target_semaphore(%arg23 : memref<!tpu.dma_semaphore, #tpu.memory_space<semaphore_mem>>)
    %dma_wait3A_455 = arith.constant 1 : i32
    %dma_wait3A_456 = arith.constant 0 : i32
    %dma_wait3A_457 = arith.constant 0 : i32
    %dma_wait3A_458 = tpu.memref_slice %arg17[%dma_wait3A_455, %dma_wait3A_456, %dma_wait3A_457] : memref<2x16x2048xf32, #tpu.memory_space<vmem>> -> memref<1x16x2048xf32, #tpu.memory_space<vmem>>
    %dma_wait3A_459 = tpu.memref_squeeze %dma_wait3A_458 : memref<1x16x2048xf32, #tpu.memory_space<vmem>> -> memref<16x2048xf32, #tpu.memory_space<vmem>>
    %dma_wait3A_460 = arith.constant 0 : i32
    %dma_wait3A_461 = tpu.memref_slice %arg4[%add3A_435, %add3A_439, %dma_wait3A_460] : memref<4x1024x2048xf32, #tpu.memory_space<hbm>> -> memref<1x16x2048xf32, #tpu.memory_space<hbm>>
    %dma_wait3A_462 = tpu.memref_squeeze %dma_wait3A_461 : memref<1x16x2048xf32, #tpu.memory_space<hbm>> -> memref<16x2048xf32, #tpu.memory_space<hbm>>
    %dma_wait3A_463 = arith.constant 0 : i32
    %dma_wait3A_464 = tpu.memref_slice %arg4[%add3A_435, %add3A_439, %dma_wait3A_463] : memref<4x1024x2048xf32, #tpu.memory_space<hbm>> -> memref<1x16x2048xf32, #tpu.memory_space<hbm>>
    %dma_wait3A_465 = tpu.memref_squeeze %dma_wait3A_464 : memref<1x16x2048xf32, #tpu.memory_space<hbm>> -> memref<16x2048xf32, #tpu.memory_space<hbm>>
    %dma_wait3A_466 = arith.constant 0 : i32
    %dma_wait3A_467 = arith.constant 0 : i32
    %dma_wait3A_468 = tpu.memref_slice %arg17[%dma_wait3A_455, %dma_wait3A_466, %dma_wait3A_467] : memref<2x16x2048xf32, #tpu.memory_space<vmem>> -> memref<1x16x2048xf32, #tpu.memory_space<vmem>>
    %dma_wait3A_469 = tpu.memref_squeeze %dma_wait3A_468 : memref<1x16x2048xf32, #tpu.memory_space<vmem>> -> memref<16x2048xf32, #tpu.memory_space<vmem>>
    tpu.wait_dma2 semaphore(%arg23 : memref<!tpu.dma_semaphore, #tpu.memory_space<semaphore_mem>>) src(%dma_wait3A_469 : memref<16x2048xf32, #tpu.memory_space<vmem>>) dst(%dma_wait3A_465 : memref<16x2048xf32, #tpu.memory_space<hbm>>)
    %mul3A_470 = arith.constant 2 : i32
    %mul3A_471 = arith.muli %mul3A_470, %arg0 : i32
    %add3A_472 = arith.constant 1 : i32
    %add3A_473 = arith.addi %mul3A_471, %add3A_472 : i32
    %dma_start3A_474 = arith.constant 1 : i32
    %dma_start3A_475 = arith.constant 0 : i32
    %dma_start3A_476 = arith.constant 0 : i32
    %dma_start3A_477 = tpu.memref_slice %arg17[%dma_start3A_474, %dma_start3A_475, %dma_start3A_476] : memref<2x16x2048xf32, #tpu.memory_space<vmem>> -> memref<1x16x2048xf32, #tpu.memory_space<vmem>>
    %dma_start3A_478 = tpu.memref_squeeze %dma_start3A_477 : memref<1x16x2048xf32, #tpu.memory_space<vmem>> -> memref<16x2048xf32, #tpu.memory_space<vmem>>
    %dma_start3A_479 = arith.constant 112 : i32
    %dma_start3A_480 = tpu.memref_slice %arg14[%dma_start3A_479] : memref<128xi32, #tpu.memory_space<vmem>> -> memref<16xi32, #tpu.memory_space<vmem>>
    %dma_start3A_481 = arith.constant 0 : i32
    %dma_start3A_482 = arith.constant 0 : i32
    %dma_start3A_483 = tpu.memref_slice %arg3[%add3A_473, %dma_start3A_481, %dma_start3A_482] : memref<4x4096x2048xf32, #tpu.memory_space<hbm>> -> memref<1x4096x2048xf32, #tpu.memory_space<hbm>>
    %dma_start3A_484 = tpu.memref_squeeze %dma_start3A_483 : memref<1x4096x2048xf32, #tpu.memory_space<hbm>> -> memref<4096x2048xf32, #tpu.memory_space<hbm>>
    %dma_start3A_485 = arith.constant 0 : i32
    %dma_start3A_486 = arith.constant 0 : i32
    %dma_start3A_487 = tpu.memref_slice %dma_start3A_484[%dma_start3A_485, %dma_start3A_486] : memref<4096x2048xf32, #tpu.memory_space<hbm>> -> memref<4096x2048xf32, #tpu.memory_space<hbm>>
    tpu.enqueue_indirect_dma source(%dma_start3A_487 : memref<4096x2048xf32, #tpu.memory_space<hbm>>) target(%dma_start3A_478 : memref<16x2048xf32, #tpu.memory_space<vmem>>) offsets(%dma_start3A_480 : memref<16xi32, #tpu.memory_space<vmem>>) semaphore(%arg21 : memref<!tpu.dma_semaphore, #tpu.memory_space<semaphore_mem>>)
    %dma_wait3A_488 = arith.constant 0 : i32
    %dma_wait3A_489 = arith.constant 0 : i32
    %dma_wait3A_490 = arith.constant 0 : i32
    %dma_wait3A_491 = tpu.memref_slice %arg17[%dma_wait3A_488, %dma_wait3A_489, %dma_wait3A_490] : memref<2x16x2048xf32, #tpu.memory_space<vmem>> -> memref<1x16x2048xf32, #tpu.memory_space<vmem>>
    %dma_wait3A_492 = tpu.memref_squeeze %dma_wait3A_491 : memref<1x16x2048xf32, #tpu.memory_space<vmem>> -> memref<16x2048xf32, #tpu.memory_space<vmem>>
    %dma_wait3A_493 = arith.constant 96 : i32
    %dma_wait3A_494 = tpu.memref_slice %arg14[%dma_wait3A_493] : memref<128xi32, #tpu.memory_space<vmem>> -> memref<16xi32, #tpu.memory_space<vmem>>
    %dma_wait3A_495 = arith.constant 0 : i32
    %dma_wait3A_496 = arith.constant 0 : i32
    %dma_wait3A_497 = tpu.memref_slice %arg3[%add3A_400, %dma_wait3A_495, %dma_wait3A_496] : memref<4x4096x2048xf32, #tpu.memory_space<hbm>> -> memref<1x4096x2048xf32, #tpu.memory_space<hbm>>
    %dma_wait3A_498 = tpu.memref_squeeze %dma_wait3A_497 : memref<1x4096x2048xf32, #tpu.memory_space<hbm>> -> memref<4096x2048xf32, #tpu.memory_space<hbm>>
    %dma_wait3A_499 = arith.constant 0 : i32
    %dma_wait3A_500 = arith.constant 0 : i32
    %dma_wait3A_501 = tpu.memref_slice %dma_wait3A_498[%dma_wait3A_499, %dma_wait3A_500] : memref<4096x2048xf32, #tpu.memory_space<hbm>> -> memref<4096x2048xf32, #tpu.memory_space<hbm>>
    tpu.wait_indirect_dma semaphore(%arg20 : memref<!tpu.dma_semaphore, #tpu.memory_space<semaphore_mem>>) src(%dma_wait3A_501 : memref<4096x2048xf32, #tpu.memory_space<hbm>>) dst(%dma_wait3A_492 : memref<16x2048xf32, #tpu.memory_space<vmem>>)
    %parallel_loop3A_502 = arith.constant 0 : i32
    %parallel_loop3A_503 = arith.constant 2048 : i32
    %parallel_loop3A_504 = arith.constant 1 : i32
    scf.for %parallel_loop3A_598 = %parallel_loop3A_502 to %parallel_loop3A_503 step %parallel_loop3A_504  : i32 {
      %parallel_loop3A_599 = arith.constant 7 : i32
      %parallel_loop3A_600 = arith.shrui %parallel_loop3A_598, %parallel_loop3A_599 : i32
      %parallel_loop3A_601 = arith.constant 127 : i32
      %parallel_loop3A_602 = arith.andi %parallel_loop3A_598, %parallel_loop3A_601 : i32
      %parallel_loop3A_603 = arith.constant 96 : i32
      %parallel_loop3A_604 = arith.addi %parallel_loop3A_603, %parallel_loop3A_600 : i32
      %parallel_loop3A_605 = arith.constant 16 : i32
      %parallel_loop3A_606 = arith.muli %parallel_loop3A_604, %parallel_loop3A_605 : i32
      %parallel_loop3A_607 = arith.index_cast %parallel_loop3A_606 : i32 to index
      %parallel_loop3A_608 = tpu.vector_load %arg16[%parallel_loop3A_607] {strides = array<i32>} : memref<2048xf32, #tpu.memory_space<vmem>>, vector<16xf32>,
      %parallel_loop3A_609 = arith.constant 16 : i32
      %parallel_loop3A_610 = arith.muli %parallel_loop3A_602, %parallel_loop3A_609 : i32
      %parallel_loop3A_611 = arith.constant 0 : i32
      %parallel_loop3A_612 = arith.index_cast %parallel_loop3A_611 : i32 to index
      %parallel_loop3A_613 = arith.index_cast %parallel_loop3A_600 : i32 to index
      %parallel_loop3A_614 = arith.index_cast %parallel_loop3A_610 : i32 to index
      %parallel_loop3A_615 = tpu.vector_load %arg17[%parallel_loop3A_612, %parallel_loop3A_613, %parallel_loop3A_614] {strides = array<i32>} : memref<2x16x2048xf32, #tpu.memory_space<vmem>>, vector<16xf32>,
      %parallel_loop3A_616 = arith.mulf %parallel_loop3A_615, %parallel_loop3A_608 : vector<16xf32>
      %parallel_loop3A_617 = arith.constant 16 : i32
      %parallel_loop3A_618 = arith.muli %parallel_loop3A_602, %parallel_loop3A_617 : i32
      %parallel_loop3A_619 = arith.constant 0 : i32
      %parallel_loop3A_620 = arith.index_cast %parallel_loop3A_619 : i32 to index
      %parallel_loop3A_621 = arith.index_cast %parallel_loop3A_600 : i32 to index
      %parallel_loop3A_622 = arith.index_cast %parallel_loop3A_618 : i32 to index
      %parallel_loop3A_623 = tpu.vector_load %arg17[%parallel_loop3A_620, %parallel_loop3A_621, %parallel_loop3A_622] {strides = array<i32>} : memref<2x16x2048xf32, #tpu.memory_space<vmem>>, vector<16xf32>,
      tpu.vector_store %arg17[%parallel_loop3A_620, %parallel_loop3A_621, %parallel_loop3A_622], %parallel_loop3A_616 {strides = array<i32>} : memref<2x16x2048xf32, #tpu.memory_space<vmem>>, vector<16xf32>,
    } {sc.loop_unroll_factor = 8 : i64, sc.parallel_access}
    %mul3A_505 = arith.constant 2 : i32
    %mul3A_506 = arith.muli %mul3A_505, %arg0 : i32
    %add3A_507 = arith.constant 1 : i32
    %add3A_508 = arith.addi %mul3A_506, %add3A_507 : i32
    %mul3A_509 = arith.constant 64 : i32
    %mul3A_510 = arith.muli %mul3A_509, %arg1 : i32
    %add3A_511 = arith.constant 32 : i32
    %add3A_512 = arith.addi %mul3A_510, %add3A_511 : i32
    %dma_start3A_513 = arith.constant 0 : i32
    %dma_start3A_514 = arith.constant 0 : i32
    %dma_start3A_515 = arith.constant 0 : i32
    %dma_start3A_516 = tpu.memref_slice %arg17[%dma_start3A_513, %dma_start3A_514, %dma_start3A_515] : memref<2x16x2048xf32, #tpu.memory_space<vmem>> -> memref<1x16x2048xf32, #tpu.memory_space<vmem>>
    %dma_start3A_517 = tpu.memref_squeeze %dma_start3A_516 : memref<1x16x2048xf32, #tpu.memory_space<vmem>> -> memref<16x2048xf32, #tpu.memory_space<vmem>>
    %dma_start3A_518 = arith.constant 0 : i32
    %dma_start3A_519 = tpu.memref_slice %arg4[%add3A_508, %add3A_512, %dma_start3A_518] : memref<4x1024x2048xf32, #tpu.memory_space<hbm>> -> memref<1x16x2048xf32, #tpu.memory_space<hbm>>
    %dma_start3A_520 = tpu.memref_squeeze %dma_start3A_519 : memref<1x16x2048xf32, #tpu.memory_space<hbm>> -> memref<16x2048xf32, #tpu.memory_space<hbm>>
    %dma_start3A_521 = arith.constant 0 : i32
    %dma_start3A_522 = tpu.memref_slice %arg4[%add3A_508, %add3A_512, %dma_start3A_521] : memref<4x1024x2048xf32, #tpu.memory_space<hbm>> -> memref<1x16x2048xf32, #tpu.memory_space<hbm>>
    %dma_start3A_523 = tpu.memref_squeeze %dma_start3A_522 : memref<1x16x2048xf32, #tpu.memory_space<hbm>> -> memref<16x2048xf32, #tpu.memory_space<hbm>>
    %dma_start3A_524 = arith.constant 0 : i32
    %dma_start3A_525 = arith.constant 0 : i32
    %dma_start3A_526 = tpu.memref_slice %arg17[%dma_start3A_513, %dma_start3A_524, %dma_start3A_525] : memref<2x16x2048xf32, #tpu.memory_space<vmem>> -> memref<1x16x2048xf32, #tpu.memory_space<vmem>>
    %dma_start3A_527 = tpu.memref_squeeze %dma_start3A_526 : memref<1x16x2048xf32, #tpu.memory_space<vmem>> -> memref<16x2048xf32, #tpu.memory_space<vmem>>
    tpu.enqueue_dma source(%dma_start3A_527 : memref<16x2048xf32, #tpu.memory_space<vmem>>) target(%dma_start3A_523 : memref<16x2048xf32, #tpu.memory_space<hbm>>) target_semaphore(%arg22 : memref<!tpu.dma_semaphore, #tpu.memory_space<semaphore_mem>>)
    %dma_wait3A_528 = arith.constant 1 : i32
    %dma_wait3A_529 = arith.constant 0 : i32
    %dma_wait3A_530 = arith.constant 0 : i32
    %dma_wait3A_531 = tpu.memref_slice %arg17[%dma_wait3A_528, %dma_wait3A_529, %dma_wait3A_530] : memref<2x16x2048xf32, #tpu.memory_space<vmem>> -> memref<1x16x2048xf32, #tpu.memory_space<vmem>>
    %dma_wait3A_532 = tpu.memref_squeeze %dma_wait3A_531 : memref<1x16x2048xf32, #tpu.memory_space<vmem>> -> memref<16x2048xf32, #tpu.memory_space<vmem>>
    %dma_wait3A_533 = arith.constant 112 : i32
    %dma_wait3A_534 = tpu.memref_slice %arg14[%dma_wait3A_533] : memref<128xi32, #tpu.memory_space<vmem>> -> memref<16xi32, #tpu.memory_space<vmem>>
    %dma_wait3A_535 = arith.constant 0 : i32
    %dma_wait3A_536 = arith.constant 0 : i32
    %dma_wait3A_537 = tpu.memref_slice %arg3[%add3A_473, %dma_wait3A_535, %dma_wait3A_536] : memref<4x4096x2048xf32, #tpu.memory_space<hbm>> -> memref<1x4096x2048xf32, #tpu.memory_space<hbm>>
    %dma_wait3A_538 = tpu.memref_squeeze %dma_wait3A_537 : memref<1x4096x2048xf32, #tpu.memory_space<hbm>> -> memref<4096x2048xf32, #tpu.memory_space<hbm>>
    %dma_wait3A_539 = arith.constant 0 : i32
    %dma_wait3A_540 = arith.constant 0 : i32
    %dma_wait3A_541 = tpu.memref_slice %dma_wait3A_538[%dma_wait3A_539, %dma_wait3A_540] : memref<4096x2048xf32, #tpu.memory_space<hbm>> -> memref<4096x2048xf32, #tpu.memory_space<hbm>>
    tpu.wait_indirect_dma semaphore(%arg21 : memref<!tpu.dma_semaphore, #tpu.memory_space<semaphore_mem>>) src(%dma_wait3A_541 : memref<4096x2048xf32, #tpu.memory_space<hbm>>) dst(%dma_wait3A_532 : memref<16x2048xf32, #tpu.memory_space<vmem>>)
    %parallel_loop3A_542 = arith.constant 0 : i32
    %parallel_loop3A_543 = arith.constant 2048 : i32
    %parallel_loop3A_544 = arith.constant 1 : i32
    scf.for %parallel_loop3A_598 = %parallel_loop3A_542 to %parallel_loop3A_543 step %parallel_loop3A_544  : i32 {
      %parallel_loop3A_599 = arith.constant 7 : i32
      %parallel_loop3A_600 = arith.shrui %parallel_loop3A_598, %parallel_loop3A_599 : i32
      %parallel_loop3A_601 = arith.constant 127 : i32
      %parallel_loop3A_602 = arith.andi %parallel_loop3A_598, %parallel_loop3A_601 : i32
      %parallel_loop3A_603 = arith.constant 112 : i32
      %parallel_loop3A_604 = arith.addi %parallel_loop3A_603, %parallel_loop3A_600 : i32
      %parallel_loop3A_605 = arith.constant 16 : i32
      %parallel_loop3A_606 = arith.muli %parallel_loop3A_604, %parallel_loop3A_605 : i32
      %parallel_loop3A_607 = arith.index_cast %parallel_loop3A_606 : i32 to index
      %parallel_loop3A_608 = tpu.vector_load %arg16[%parallel_loop3A_607] {strides = array<i32>} : memref<2048xf32, #tpu.memory_space<vmem>>, vector<16xf32>,
      %parallel_loop3A_609 = arith.constant 16 : i32
      %parallel_loop3A_610 = arith.muli %parallel_loop3A_602, %parallel_loop3A_609 : i32
      %parallel_loop3A_611 = arith.constant 1 : i32
      %parallel_loop3A_612 = arith.index_cast %parallel_loop3A_611 : i32 to index
      %parallel_loop3A_613 = arith.index_cast %parallel_loop3A_600 : i32 to index
      %parallel_loop3A_614 = arith.index_cast %parallel_loop3A_610 : i32 to index
      %parallel_loop3A_615 = tpu.vector_load %arg17[%parallel_loop3A_612, %parallel_loop3A_613, %parallel_loop3A_614] {strides = array<i32>} : memref<2x16x2048xf32, #tpu.memory_space<vmem>>, vector<16xf32>,
      %parallel_loop3A_616 = arith.mulf %parallel_loop3A_615, %parallel_loop3A_608 : vector<16xf32>
      %parallel_loop3A_617 = arith.constant 16 : i32
      %parallel_loop3A_618 = arith.muli %parallel_loop3A_602, %parallel_loop3A_617 : i32
      %parallel_loop3A_619 = arith.constant 1 : i32
      %parallel_loop3A_620 = arith.index_cast %parallel_loop3A_619 : i32 to index
      %parallel_loop3A_621 = arith.index_cast %parallel_loop3A_600 : i32 to index
      %parallel_loop3A_622 = arith.index_cast %parallel_loop3A_618 : i32 to index
      %parallel_loop3A_623 = tpu.vector_load %arg17[%parallel_loop3A_620, %parallel_loop3A_621, %parallel_loop3A_622] {strides = array<i32>} : memref<2x16x2048xf32, #tpu.memory_space<vmem>>, vector<16xf32>,
      tpu.vector_store %arg17[%parallel_loop3A_620, %parallel_loop3A_621, %parallel_loop3A_622], %parallel_loop3A_616 {strides = array<i32>} : memref<2x16x2048xf32, #tpu.memory_space<vmem>>, vector<16xf32>,
    } {sc.loop_unroll_factor = 8 : i64, sc.parallel_access}
    %mul3A_545 = arith.constant 2 : i32
    %mul3A_546 = arith.muli %mul3A_545, %arg0 : i32
    %add3A_547 = arith.constant 1 : i32
    %add3A_548 = arith.addi %mul3A_546, %add3A_547 : i32
    %mul3A_549 = arith.constant 64 : i32
    %mul3A_550 = arith.muli %mul3A_549, %arg1 : i32
    %add3A_551 = arith.constant 48 : i32
    %add3A_552 = arith.addi %mul3A_550, %add3A_551 : i32
    %dma_start3A_553 = arith.constant 1 : i32
    %dma_start3A_554 = arith.constant 0 : i32
    %dma_start3A_555 = arith.constant 0 : i32
    %dma_start3A_556 = tpu.memref_slice %arg17[%dma_start3A_553, %dma_start3A_554, %dma_start3A_555] : memref<2x16x2048xf32, #tpu.memory_space<vmem>> -> memref<1x16x2048xf32, #tpu.memory_space<vmem>>
    %dma_start3A_557 = tpu.memref_squeeze %dma_start3A_556 : memref<1x16x2048xf32, #tpu.memory_space<vmem>> -> memref<16x2048xf32, #tpu.memory_space<vmem>>
    %dma_start3A_558 = arith.constant 0 : i32
    %dma_start3A_559 = tpu.memref_slice %arg4[%add3A_548, %add3A_552, %dma_start3A_558] : memref<4x1024x2048xf32, #tpu.memory_space<hbm>> -> memref<1x16x2048xf32, #tpu.memory_space<hbm>>
    %dma_start3A_560 = tpu.memref_squeeze %dma_start3A_559 : memref<1x16x2048xf32, #tpu.memory_space<hbm>> -> memref<16x2048xf32, #tpu.memory_space<hbm>>
    %dma_start3A_561 = arith.constant 0 : i32
    %dma_start3A_562 = tpu.memref_slice %arg4[%add3A_548, %add3A_552, %dma_start3A_561] : memref<4x1024x2048xf32, #tpu.memory_space<hbm>> -> memref<1x16x2048xf32, #tpu.memory_space<hbm>>
    %dma_start3A_563 = tpu.memref_squeeze %dma_start3A_562 : memref<1x16x2048xf32, #tpu.memory_space<hbm>> -> memref<16x2048xf32, #tpu.memory_space<hbm>>
    %dma_start3A_564 = arith.constant 0 : i32
    %dma_start3A_565 = arith.constant 0 : i32
    %dma_start3A_566 = tpu.memref_slice %arg17[%dma_start3A_553, %dma_start3A_564, %dma_start3A_565] : memref<2x16x2048xf32, #tpu.memory_space<vmem>> -> memref<1x16x2048xf32, #tpu.memory_space<vmem>>
    %dma_start3A_567 = tpu.memref_squeeze %dma_start3A_566 : memref<1x16x2048xf32, #tpu.memory_space<vmem>> -> memref<16x2048xf32, #tpu.memory_space<vmem>>
    tpu.enqueue_dma source(%dma_start3A_567 : memref<16x2048xf32, #tpu.memory_space<vmem>>) target(%dma_start3A_563 : memref<16x2048xf32, #tpu.memory_space<hbm>>) target_semaphore(%arg23 : memref<!tpu.dma_semaphore, #tpu.memory_space<semaphore_mem>>)
    %dma_wait3A_568 = arith.constant 0 : i32
    %dma_wait3A_569 = arith.constant 0 : i32
    %dma_wait3A_570 = arith.constant 0 : i32
    %dma_wait3A_571 = tpu.memref_slice %arg17[%dma_wait3A_568, %dma_wait3A_569, %dma_wait3A_570] : memref<2x16x2048xf32, #tpu.memory_space<vmem>> -> memref<1x16x2048xf32, #tpu.memory_space<vmem>>
    %dma_wait3A_572 = tpu.memref_squeeze %dma_wait3A_571 : memref<1x16x2048xf32, #tpu.memory_space<vmem>> -> memref<16x2048xf32, #tpu.memory_space<vmem>>
    %dma_wait3A_573 = arith.constant 0 : i32
    %dma_wait3A_574 = tpu.memref_slice %arg4[%add3A_508, %add3A_512, %dma_wait3A_573] : memref<4x1024x2048xf32, #tpu.memory_space<hbm>> -> memref<1x16x2048xf32, #tpu.memory_space<hbm>>
    %dma_wait3A_575 = tpu.memref_squeeze %dma_wait3A_574 : memref<1x16x2048xf32, #tpu.memory_space<hbm>> -> memref<16x2048xf32, #tpu.memory_space<hbm>>
    %dma_wait3A_576 = arith.constant 0 : i32
    %dma_wait3A_577 = tpu.memref_slice %arg4[%add3A_508, %add3A_512, %dma_wait3A_576] : memref<4x1024x2048xf32, #tpu.memory_space<hbm>> -> memref<1x16x2048xf32, #tpu.memory_space<hbm>>
    %dma_wait3A_578 = tpu.memref_squeeze %dma_wait3A_577 : memref<1x16x2048xf32, #tpu.memory_space<hbm>> -> memref<16x2048xf32, #tpu.memory_space<hbm>>
    %dma_wait3A_579 = arith.constant 0 : i32
    %dma_wait3A_580 = arith.constant 0 : i32
    %dma_wait3A_581 = tpu.memref_slice %arg17[%dma_wait3A_568, %dma_wait3A_579, %dma_wait3A_580] : memref<2x16x2048xf32, #tpu.memory_space<vmem>> -> memref<1x16x2048xf32, #tpu.memory_space<vmem>>
    %dma_wait3A_582 = tpu.memref_squeeze %dma_wait3A_581 : memref<1x16x2048xf32, #tpu.memory_space<vmem>> -> memref<16x2048xf32, #tpu.memory_space<vmem>>
    tpu.wait_dma2 semaphore(%arg22 : memref<!tpu.dma_semaphore, #tpu.memory_space<semaphore_mem>>) src(%dma_wait3A_582 : memref<16x2048xf32, #tpu.memory_space<vmem>>) dst(%dma_wait3A_578 : memref<16x2048xf32, #tpu.memory_space<hbm>>)
    %dma_wait3A_583 = arith.constant 1 : i32
    %dma_wait3A_584 = arith.constant 0 : i32
    %dma_wait3A_585 = arith.constant 0 : i32
    %dma_wait3A_586 = tpu.memref_slice %arg17[%dma_wait3A_583, %dma_wait3A_584, %dma_wait3A_585] : memref<2x16x2048xf32, #tpu.memory_space<vmem>> -> memref<1x16x2048xf32, #tpu.memory_space<vmem>>
    %dma_wait3A_587 = tpu.memref_squeeze %dma_wait3A_586 : memref<1x16x2048xf32, #tpu.memory_space<vmem>> -> memref<16x2048xf32, #tpu.memory_space<vmem>>
    %dma_wait3A_588 = arith.constant 0 : i32
    %dma_wait3A_589 = tpu.memref_slice %arg4[%add3A_548, %add3A_552, %dma_wait3A_588] : memref<4x1024x2048xf32, #tpu.memory_space<hbm>> -> memref<1x16x2048xf32, #tpu.memory_space<hbm>>
    %dma_wait3A_590 = tpu.memref_squeeze %dma_wait3A_589 : memref<1x16x2048xf32, #tpu.memory_space<hbm>> -> memref<16x2048xf32, #tpu.memory_space<hbm>>
    %dma_wait3A_591 = arith.constant 0 : i32
    %dma_wait3A_592 = tpu.memref_slice %arg4[%add3A_548, %add3A_552, %dma_wait3A_591] : memref<4x1024x2048xf32, #tpu.memory_space<hbm>> -> memref<1x16x2048xf32, #tpu.memory_space<hbm>>
    %dma_wait3A_593 = tpu.memref_squeeze %dma_wait3A_592 : memref<1x16x2048xf32, #tpu.memory_space<hbm>> -> memref<16x2048xf32, #tpu.memory_space<hbm>>
    %dma_wait3A_594 = arith.constant 0 : i32
    %dma_wait3A_595 = arith.constant 0 : i32
    %dma_wait3A_596 = tpu.memref_slice %arg17[%dma_wait3A_583, %dma_wait3A_594, %dma_wait3A_595] : memref<2x16x2048xf32, #tpu.memory_space<vmem>> -> memref<1x16x2048xf32, #tpu.memory_space<vmem>>
    %dma_wait3A_597 = tpu.memref_squeeze %dma_wait3A_596 : memref<1x16x2048xf32, #tpu.memory_space<vmem>> -> memref<16x2048xf32, #tpu.memory_space<vmem>>
    tpu.wait_dma2 semaphore(%arg23 : memref<!tpu.dma_semaphore, #tpu.memory_space<semaphore_mem>>) src(%dma_wait3A_597 : memref<16x2048xf32, #tpu.memory_space<vmem>>) dst(%dma_wait3A_593 : memref<16x2048xf32, #tpu.memory_space<hbm>>)
    return
  }
}

module attributes {stable_mosaic.version = 14 : i64} {
  func.func @_logits_body(%arg0: i32, %arg1: memref<1024x2048xf32, #tpu.memory_space<vmem>>, %arg2: memref<2048x128xf32, #tpu.memory_space<vmem>>, %arg3: memref<1024x128xf32, #tpu.memory_space<vmem>>) attributes {dimension_semantics = [#tpu.dimension_semantics<arbitrary>], iteration_bounds = array<i64: 16>, scalar_prefetch = 0 : i64, scratch_operands = 0 : i64, tpu.core_type = #tpu.core_type<tc>, window_params = [{transform_indices = @transform_0, window_bounds = array<i64: 1024, 2048>}, {pipeline_mode = #tpu.pipeline_mode<synchronous>, transform_indices = @transform_1, window_bounds = array<i64: 2048, 128>}, {transform_indices = @transform_2, window_bounds = array<i64: 1024, 128>}]} {
    %get3A = arith.constant 0 : index
    %get3A_0 = arith.constant 0 : index
    %get3A_1 = vector.load %arg1[%get3A, %get3A_0] : memref<1024x2048xf32, #tpu.memory_space<vmem>>, vector<1024x2048xf32>
    %get3A_2 = arith.constant 0 : index
    %get3A_3 = arith.constant 0 : index
    %get3A_4 = vector.load %arg2[%get3A_2, %get3A_3] : memref<2048x128xf32, #tpu.memory_space<vmem>>, vector<2048x128xf32>
    %dot_general3A = arith.constant dense<0.000000e+00> : vector<1024x128xf32>
    %dot_general3A_5 = tpu.matmul %get3A_1, %get3A_4, %dot_general3A {dimension_numbers = #tpu.dot_dimension_numbers<[1], [0], [0], [1], [0, 0, 1, 1], [], []>, transpose_lhs_hint = false} : vector<1024x2048xf32>, vector<2048x128xf32>, vector<1024x128xf32> -> vector<1024x128xf32>
    %swap3A = arith.constant 0 : index
    %swap3A_6 = arith.constant 0 : index
    %swap3A_7 = vector.load %arg3[%swap3A, %swap3A_6] : memref<1024x128xf32, #tpu.memory_space<vmem>>, vector<1024x128xf32>
    tpu.vector_store %arg3[%swap3A, %swap3A_6], %dot_general3A_5 {strides = array<i32>} : memref<1024x128xf32, #tpu.memory_space<vmem>>, vector<1024x128xf32>,
    return
  }
  func.func @transform_0(%arg0: i32) -> (i32, i32) {
    %c0_i32 = arith.constant 0 : i32
    %c0_i32_0 = arith.constant 0 : i32
    return %arg0, %c0_i32 : i32, i32
  }
  func.func @transform_1(%arg0: i32) -> (i32, i32) {
    %c0_i32 = arith.constant 0 : i32
    %c0_i32_0 = arith.constant 0 : i32
    %c0_i32_1 = arith.constant 0 : i32
    return %c0_i32, %c0_i32_0 : i32, i32
  }
  func.func @transform_2(%arg0: i32) -> (i32, i32) {
    %c0_i32 = arith.constant 0 : i32
    %c0_i32_0 = arith.constant 0 : i32
    return %arg0, %c0_i32 : i32, i32
  }
}

</mosaic_0001>

<sc_bundles>
// kernel: kernel.4.cloned.1.call-start
scs
__scs_entry_jumppad:
0x0: {  	(pc) =	sbr.rel $0x88, $3  }
0x1: {  	(tag) =	ssettag $0x0;
	lr =	simm.s32 $0x1  }
0x2: {  	[smem:$0x3F9E] =	sst lr;
	_ =	strace $0xD0000000  }
0x3: {  	_ = 	snop  }
0x4: {  	_ = 	snop  }
0x5: {  	_ = 	snop  }
0x6: {  	_ = 	snop  }
0x7: {  	_ = 	snop  }
__scs_overlays_trampoline_lowered:
0x8: {  	[smem:$0x3FAD] =	sst s0  }
0x9: {  	[smem:$0x3FAE] =	sst s1  }
0xa: {  	[smem:$0x3FAF] =	sst s2  }
0xb: {  	[smem:$0x3FB0] =	sst s3  }
0xc: {  	[smem:$0x3FB1] =	sst s4  }
0xd: {  	[smem:$0x3FB2] =	sst s5  }
0xe: {  	[smem:$0x3FB3] =	sst s6  }
0xf: {  	[smem:$0x3FB4] =	sst s7  }
0x10: {  	[smem:$0x3FB5] =	sst s8  }
0x11: {  	[smem:$0x3FB6] =	sst s9;
	s0 =	simm.s32 @!p0 $0x0  }
0x12: {  	s1 =	sld [smem:$0x3F9C];
	s0 =	simm.s32 @p0 $0x1  }
0x13: {  	[smem:$0x3FB7] =	sst s0;
	s0 =	simm.s32 @!p1 $0x0  }
0x14: {  	s2 =	sld [smem:$0x3F9B];
	s0 =	simm.s32 @p1 $0x1  }
0x15: {  	[smem:$0x3FB8] =	sst s0;
	s0 =	simm.s32 @!p2 $0x0  }
0x16: {  	s3 =	sld [smem:$0x3FDB];
	s0 =	simm.s32 @p2 $0x1  }
0x17: {  	s4 =	simm.s32 $0x1BF5;
	[smem:$0x3FBA] =	sst s0  }
0x18: {  	s0 =	sld [smem:$0x3F9D];
	_ =	swait.ge [sflag:s4], $0x0  }
0x19: {  	s7 =	sld [smem:$0x3F9E]  }
0x1a: {  	s8 =	sadd.s32 $0xFFFFE003, lr  }
0x1b: {  	s9 =	sadd.s32 $0xFFFFFEF7, lr;
	s5 =	simm.s32 $0xFFFFFFFF;
	p2 =	slt.u32 s8, $0xFFFFF086  }
0x1c: {  	p1 =	slt.u32 s9, $0xF7A;
	s5 =	simm.s32 @!p2 $0x0  }
0x1d: {  	s5 =	simm.s32 @p1 $0x1;
	p0 =	seq.s32 s7, s2  }
0x1e: {  	s7 =	smul.u32 @!p0 $0xF7A, s2;
	p2 =	seq.s32 @!p0 s5, $0x0  }
0x1f: {  	s9 =	smul.u32 $0xF7A, s1;
	s8 =	simm.s32 @!p0 $0x1BF5;
	p2 =	por !p2, p0  }
0x20: {  	[sflag:s8] =	ssyncset.s32 @!p0 $0xFFFFF086;
	s6 =	sadd.s32 @!p0 s3, s7;
	s7 =	simm.s32 @!p0 $0x108  }
0x21: {  	s3 =	sadd.s32 s3, s9;
	s6 =	sadd.s32 @!p0 $0x88, s6;
	s7 =	simm.s32 @p2 $0x1082  }
0x22: {  	[simem:s7], [sflag:s8] =	dma.local @!p0 [hbm:s6], $0xF7A  }
0x23: {  	s9 =	sor.u32 $0xD0000000, s2;
	s6 =	simm.s32 $0x108;
	_ =	swait.ge @!p0 [sflag:s8], $0x0  }
0x24: {  	s3 =	sadd.s32 $0x88, s3;
	s6 =	simm.s32 @!p1 $0x1082;
	[sflag:s4] =	ssyncset.s32 $0xFFFFF086  }
0x25: {  	[simem:s6], [sflag:s4] =	dma.local [hbm:s3], $0xF7A  }
0x26: {  	[smem:$0x3F9E] =	sst s1;
	(tag) =	ssettag s2;
	_ =	strace s9  }
0x27: {  	s1 =	sld [smem:$0x3FAE]  }
0x28: {  	s2 =	sld [smem:$0x3FAF]  }
0x29: {  	s4 =	sld [smem:$0x3FB1]  }
0x2a: {  	p0 =	seq.s32 s5, $0x0;
	s5 =	sld [smem:$0x3FB2]  }
0x2b: {  	s6 =	sld [smem:$0x3FB3]  }
0x2c: {  	s7 =	sld [smem:$0x3FB4]  }
0x2d: {  	s3 =	simm.s32 $0x108;
	s8 =	sld [smem:$0x3FB5]  }
0x2e: {  	s3 =	simm.s32 @!p0 $0x1082;
	s9 =	sld [smem:$0x3FB6]  }
0x2f: {  	lr =	sadd.s32 s0, s3;
	s0 =	sld [smem:$0x3FAD]  }
0x30: {  	s3 =	sld [smem:$0x3FB0]  }
0x31: {  	[smem:$0x3FB9] =	sst s10  }
0x32: {  	s10 =	sld [smem:$0x3FB7];
	_ =	sdelay $0x3  }
0x33: {  	p0 =	seq.s32 s10, $0x1;
	s10 =	sld [smem:$0x3FB9];
	_ =	sdelay $0x3  }
0x34: {  	[smem:$0x3FB9] =	sst s10  }
0x35: {  	s10 =	sld [smem:$0x3FB8];
	_ =	sdelay $0x3  }
0x36: {  	p1 =	seq.s32 s10, $0x1;
	s10 =	sld [smem:$0x3FB9];
	_ =	sdelay $0x3  }
0x37: {  	[smem:$0x3FB9] =	sst s10  }
0x38: {  	s10 =	sld [smem:$0x3FBA]  }
0x39: {  	_ = 	snop;
	(pc) =	sbr.ind lr, $3  }
0x3a: {  	_ = 	snop  }
0x3b: {  	_ = 	snop  }
0x3c: {  	p2 =	seq.s32 s10, $0x1;
	s10 =	sld [smem:$0x3FB9]  }
0x3d: {  	_ =	shalt  }
0x3e: {  	_ =	shalt  }
0x3f: {  	_ =	shalt  }
0x40: {  	_ =	shalt  }
0x41: {  	_ =	shalt  }
0x42: {  	_ =	shalt  }
0x43: {  	_ =	shalt  }
0x44: {  	_ =	shalt  }
0x45: {  	_ =	shalt  }
0x46: {  	_ =	shalt  }
0x47: {  	_ =	shalt  }
0x48: {  	_ =	shalt  }
0x49: {  	_ =	shalt  }
0x4a: {  	_ =	shalt  }
0x4b: {  	_ =	shalt  }
0x4c: {  	_ =	shalt  }
0x4d: {  	_ =	shalt  }
0x4e: {  	_ =	shalt  }
0x4f: {  	_ =	shalt  }
0x50: {  	_ =	shalt  }
0x51: {  	_ =	shalt  }
0x52: {  	_ =	shalt  }
0x53: {  	_ =	shalt  }
0x54: {  	_ =	shalt  }
0x55: {  	_ =	shalt  }
0x56: {  	_ =	shalt  }
0x57: {  	_ =	shalt  }
0x58: {  	_ =	shalt  }
0x59: {  	_ =	shalt  }
0x5a: {  	_ =	shalt  }
0x5b: {  	_ =	shalt  }
0x5c: {  	_ =	shalt  }
0x5d: {  	_ =	shalt  }
0x5e: {  	_ =	shalt  }
0x5f: {  	_ =	shalt  }
0x60: {  	_ =	shalt  }
0x61: {  	_ =	shalt  }
0x62: {  	_ =	shalt  }
0x63: {  	_ =	shalt  }
0x64: {  	_ =	shalt  }
0x65: {  	_ =	shalt  }
0x66: {  	_ =	shalt  }
0x67: {  	_ =	shalt  }
0x68: {  	_ =	shalt  }
0x69: {  	_ =	shalt  }
0x6a: {  	_ =	shalt  }
0x6b: {  	_ =	shalt  }
0x6c: {  	_ =	shalt  }
0x6d: {  	_ =	shalt  }
0x6e: {  	_ =	shalt  }
0x6f: {  	_ =	shalt  }
0x70: {  	_ =	shalt  }
0x71: {  	_ =	shalt  }
0x72: {  	_ =	shalt  }
0x73: {  	_ =	shalt  }
0x74: {  	_ =	shalt  }
0x75: {  	_ =	shalt  }
0x76: {  	_ =	shalt  }
0x77: {  	_ =	shalt  }
0x78: {  	_ =	shalt  }
0x79: {  	_ =	shalt  }
0x7a: {  	_ =	shalt  }
0x7b: {  	_ =	shalt  }
0x7c: {  	_ =	shalt  }
0x7d: {  	_ =	shalt  }
0x7e: {  	_ =	shalt  }
0x7f: {  	_ =	shalt  }
0x80: {  	_ =	shalt  }
0x81: {  	_ =	shalt  }
0x82: {  	_ =	shalt  }
0x83: {  	_ =	shalt  }
0x84: {  	_ =	shalt  }
0x85: {  	_ =	shalt  }
0x86: {  	_ =	shalt  }
0x87: {  	_ =	shalt  }
.Lfunc_end0:
.L_simem_size_0:
called_computation_lowered:
.L_overlay_start_0:
0x88: {  	s2 =	sld [smem:$0x3FD9]  }
0x89: {  	s3 =	sld [smem:$0x3FFE];
	_ =	sdelay $0x1  }
0x8a: {  	s1 =	srdreg.scid  }
0x8b: {  	s0 =	sand.u32 $0x1, s1  }
0x8c: {  	s17 =	sshll.u32 s0, $0xA;
	s2 =	sadd.s32 s3, s2  }
0x8d: {  	s2 =	sadd.s32 s2, s17  }
0x8e: {  	[smem:$0x3FC5] =	sst s2  }
0x8f: {  	_ = 	snop  }
0x90: {  	s2 =	sld [smem:$0x3FC9]  }
0x91: {  	s18 =	sld [smem:$0x3FD0];
	(tm) =	ssettm $0x1  }
0x92: {  	s4 =	sld [smem:$0x3FFB];
	_ =	sdelay $0x3  }
0x93: {  	_ =	strace s4  }
0x94: {  	s4 =	sld [smem:$0x3FFC];
	_ =	sdelay $0x3  }
0x95: {  	_ =	strace s4  }
0x96: {  	s4 =	sld [smem:$0x3FFD];
	_ =	sdelay $0x3  }
0x97: {  	_ =	strace s4  }
0x98: {  	_ =	strace $0x8FFFFFFF  }
0x99: {  	s19 =	sld [smem:$0x3FDB];
	_ =	sdelay $0x1  }
0x9a: {  	s5 =	simm.s32 $_scs_section_size  }
0x9b: {  	s6 =	simm.s32 $_size__tile_overlayer_lowered;
	s7 =	simm.s32 $_tile_overlayer_lowered  }
0x9c: {  	s22 =	simm.s32 $0x1BFF;
	s21 =	sshll.u32 s7, $0x1;
	s4 =	sadd.s32 s5, s19  }
0x9d: {  	s8 =	simm.s32 $0x0;
	s20 =	sshll.u32 s6, $0x1;
	s6 =	sadd.s32 s21, s4  }
0x9e: {  	[timem:s8], [sflag:s22] =	dma.local [hbm:s6], s20  }
0x9f: {  	_ =	swait.ge [sflag:s22], s20  }
0xa0: {  	s5 =	ssub.s32 $0x0, s20;
	[sflag:s22] =	ssyncset.done $0x0  }
0xa1: {  	[sflag:s22] =	ssyncadd.s32 s5;
	_ =	sdelay $0x1  }
0xa2: {  	s23 =	simm.s32 $0x1B8B  }
0xa3: {  	_ =	swait.ge [sflag:s23], $0x1  }
0xa4: {  	[sflag:s23] =	ssyncset.done $0x0  }
0xa5: {  	s25 =	simm.s32 $0x1B8E;
	s24 =	sld [smem:$0x3FFE];
	[sflag:s23] =	ssyncadd.s32 $0xFFFFFFFF  }
0xa6: {  	s26 =	simm.s32 $execute0_lowered;
	[smem:$0x3FD2] =	sst s25  }
0xa7: {  	s6 =	sshll.u32 s26, $0x1;
	_ =	strace $0x80000046;
	[dreg:$0x1] =	wrdreg $0xFFFFFFFF  }
0xa8: {  	s28 =	simm.s32 $_size_execute0_lowered;
	s4 =	sadd.s32 s4, s6;
	[dreg:$0x0] =	wrdreg $0x0  }
0xa9: {  	s6 =	sshll.u32 s28, $0x1;
	[dreg:$0x2] =	wrdreg s4  }
0xaa: {  	[dreg:$0x3] =	wrdreg s6  }
0xab: {  	[dreg:$0x4] =	wrdreg $0xC0  }
0xac: {  	_ =	task [dreg:s8], $0x5FFFF  }
0xad: {  	[dreg:$0x1] =	wrdreg $0xFFFFFFFF  }
0xae: {  	[dreg:$0x0] =	wrdreg $0x60  }
0xaf: {  	[dreg:$0x2] =	wrdreg s24  }
0xb0: {  	[dreg:$0x3] =	wrdreg s2  }
0xb1: {  	[dreg:$0x4] =	wrdreg s18  }
0xb2: {  	[dreg:$0x5] =	wrdreg $0x165000  }
0xb3: {  	[dreg:$0x6] =	wrdreg $0x165800  }
0xb4: {  	[dreg:$0x7] =	wrdreg $0x9  }
0xb5: {  	_ =	task.clear_ibuf [dreg:s8], $0x8FFFF;
	_ =	strace $0x90000046  }
0xb6: {  	s29 =	simm.s32 $0x9;
	_ =	strace $0x80000048  }
0xb7: {  	_ =	swait.ge [sflag:s29], $0x1  }
0xb8: {  	[sflag:s29] =	ssyncadd.s32 $0xFFFFFFFF  }
0xb9: {  	_ =	strace $0x90000048  }
0xba: {  	_ =	sfence  }
0xbb: {  	s30 =	sld [smem:$0x0];
	_ =	sdelay $0x2  }
0xbc: {  	s31 =	sshll.u32 s1, $0xD;
	s1 =	sshrl.u32 s1, $0x2  }
0xbd: {  	s3 =	sand.u32 $0x4000, s31;
	s1 =	sadd.s32 s1, s30  }
0xbe: {  	s0 =	sor.u32 s3, s0;
	s1 =	sshll.u32 s1, $0x11  }
0xbf: {  	s0 =	sor.u32 s1, s0  }
0xc0: {  	s0 =	sadd.s32 $0x8F2B, s0  }
0xc1: {  	[sflag:s0] =	ssyncadd.remote.s32 $0x1  }
0xc2: {  	_ =	sfence.sel $0xFFFF  }
0xc3: {  	[dreg:$0x0] =	wrdreg $0xFFFFFFFF;
	(pc) =	sbr.abs _section_cstart, $3  }
0xc4: {  	[dreg:$0x1] =	wrdreg $0xFFFFFFFF  }
0xc5: {  	_ =	task.clear_ibuf [dreg:s8], $0x2FFFF;
	_ =	strace $0x9FFFFFFF  }
0xc6: {  	(tm) =	ssettm $0x7FFFFFFF  }
0xc7: {  	_ =	shalt  }
tec
execute0_lowered:
.L_overlay_start_1:
0x0: {  	(tag) =	ssettag $0x1  }
0x1: {  	s1 =	rddreg [dreg:$0x0]  }
0x2: {  	s3 =	rddreg [dreg:$0x1]  }
0x3: {  	s0 =	rddreg [dreg:$0x2]  }
0x4: {  	s4 =	rddreg [dreg:$0x3]  }
0x5: {  	s5 =	rddreg [dreg:$0x4]  }
0x6: {  	s2 =	srdreg.scid;
	s12 =	stileid.u32  }
0x7: {  	s28 =	simm.s32 $0x1000;
	s29 =	simm.s32 $0x3000;
	s6 =	sand.u32 $0x1, s2  }
0x8: {  	s2 =	simm.s32 $0x0;
	s8 =	sshll.u32 s12, $0x7;
	s23 =	sshll.u32 s12, $0x6  }
0x9: {  	s31 =	sshll.u32 s12, $0x11;
	p0 =	sgt.u32 s12, $0x1;
	s12 =	simm.s32 $0x3  }
0xa: {  	s7 =	sshll.u32 s6, $0x8;
	[smem:$0x7FF] =	sst s2;
	s9 =	ssub.s32 $0x2, s6  }
0xb: {  	s24 =	sadd.s32 s8, s4;
	s25 =	sand.u32 $0x700, s8;
	s7 =	sadd.s32 s8, s7  }
0xc: {  	s26 =	sadd.s32 s8, s5;
	s13 =	sor.u32 $0x8000, s31;
	s7 =	sshrl.u32 s7, $0x3  }
0xd: {  	s11 =	sor.u32 $0x10000, s31;
	s19 =	sor.u32 $0x18000, s31;
	s1 =	sadd.s32 s1, s7  }
0xe: {  	_ =	strace $0x80000047;
	[dreg:$0x6] =	wrdreg s1;
	s1 =	sand.u32 $0x40, s23  }
0xf: {  	s10 =	sshrl.u32 s9, $0x1;
	[dreg:$0x7] =	wrdreg s24;
	s7 =	sor.u32 s1, s25  }
0x10: {  	[dreg:$0x8] =	wrdreg s26;
	s1 =	sor.u32 s1, s8;
	s30 =	sadd.s32 s7, s4  }
0x11: {  	s7 =	sadd.s32 s7, s5;
	s1 =	sor.u32 $0x80, s1;
	[dreg:$0x9] =	wrdreg s30  }
0x12: {  	s9 =	ssub.s32 s9, s10;
	[dreg:$0xa] =	wrdreg s7;
	s4 =	sadd.s32 s1, s4  }
0x13: {  	s1 =	sadd.s32 s1, s5;
	s5 =	sshll.u32 s6, $0x15;
	[dreg:$0xb] =	wrdreg s4  }
0x14: {  	s7 =	sshll.u32 s6, $0x16;
	s6 =	sshllo.u32 s6, $0x1;
	[dreg:$0xc] =	wrdreg s1  }
0x15: {  	s10 =	sadd.s32 s3, s5;
	s15 =	sor.u32 s31, s7;
	s16 =	sor.u32 s7, s13  }
0x16: {  	s18 =	sor.u32 s7, s11;
	s20 =	sor.u32 s7, s19;
	s21 =	sshll.u32 s6, $0x15  }
0x17: {  	s6 =	sshll.u32 s6, $0x14;
	s4 =	sshrl.u32 s15, $0x3;
	s8 =	sshrl.u32 s16, $0x3  }
0x18: {  	s1 =	sor.u32 s31, s21;
	s14 =	sadd.s32 s3, s6;
	s23 =	sor.u32 s13, s21  }
0x19: {  	s24 =	sor.u32 s11, s21;
	s25 =	sor.u32 s19, s21;
	s31 =	smax.u32 s9, $0x1  }
0x1a: {  	s21 =	simm.s32 $0xE500;
	s11 =	simm.s32 $0x1;
	s13 =	simm.s32 $0x2  }
0x1b: {  	s15 =	simm.s32 $0x4;
	s4 =	sadd.s32 s0, s4;
	s17 =	sadd.s32 s0, s8  }
0x1c: {  	s1 =	sshrl.u32 s1, $0x3;
	s3 =	sshrl.u32 s24, $0x3;
	[dreg:$0x15] =	wrdreg s31  }
0x1d: {  	s30 =	sshrl.u32 s25, $0x3;
	s24 =	simm.s32 $0x5000;
	[dreg:$0xd] =	wrdreg s4  }
0x1e: {  	s25 =	simm.s32 $0x2000;
	[dreg:$0xe] =	wrdreg s17;
	s1 =	sadd.s32 s0, s1  }
0x1f: {  	s4 =	sshrl.u32 s18, $0x3;
	s26 =	sadd.s32 s0, s3;
	[dreg:$0x11] =	wrdreg s1  }
0x20: {  	s4 =	sadd.s32 s0, s4;
	s1 =	sshrl.u32 s23, $0x3;
	[dreg:$0x13] =	wrdreg s26  }
0x21: {  	[dreg:$0xf] =	wrdreg s4;
	s4 =	sshrl.u32 s20, $0x3;
	s1 =	sadd.s32 s0, s1  }
0x22: {  	v0 =	vlaneseq.u32;
	s17 =	simm.s32 $0x0;
	s22 =	sadd.s32 s0, s4;
	[dreg:$0x12] =	wrdreg s1  }
0x23: {  	v1 =	vimm.s32 $0x0;
	vm0 =	vmmov $0xffff;
	v3 =	vshrl.u32 v0, $0x3;
	s23 =	simm.s32 $0x5;
	s0 =	sadd.s32 s0, s30;
	[dreg:$0x10] =	wrdreg s22  }
0x24: {  	v2 =	vand.u32 $0x7, v0;
	v4 =	vor.u32 $0x8, v0;
	v3 =	vmul.u32 $0x8, v3;
	s26 =	simm.s32 $0x4000;
	s1 =	simm.s32 $0x5C80;
	[dreg:$0x14] =	wrdreg s0  }
.LBB2_1:
.Ltmp0:
0x25: {  	(pc) =	sbr.rel @p0 .LBB2_43-.Ltmp0, $1  }
0x26: {  	_ =	sdelay $0x3  }
0x27: {  	s0 =	rddreg [dreg:$0x6];
	s3 =	simm.s32 $0x80;
	s4 =	simm.s32 $0x200  }
0x28: {  	[tilespmem:s2], [sflag:$0x5] =	stream.strided.gather [hbm4b:s0+s3], $0x1000, s4, s3, $0x38;
	[tilespmem:$0x16600] =	vst v63  }
0x29: {  	_ =	swait.ge [sflag:s23], $0x1000  }
0x2a: {  	[sflag:s23] =	ssyncset.done $0x0  }
0x2b: {  	s31 =	simm.s32 $0x20;
	[sflag:s23] =	ssyncadd.s32 $0xFFFFF000  }
0x2c: {  	v5 =	vld [tilespmem:s31+$0xFFFFFFE0]  }
0x2d: {  	v7 =	vld [tilespmem:s31+$0x10]  }
0x2e: {  	v8 =	vld [tilespmem:s31+$0x0]  }
0x2f: {  	v9 =	vld [tilespmem:s31+$0xFFFFFFF0];
	_ =	sdelay $0x1  }
0x30: {  	s5 =	simm.s32 $0x60;
	vm1 =	vlt.s32 v5, $0x0;
	v10 =	vxor.u32 $0x7FFFFFFF, v5  }
0x31: {  	s4 =	simm.s32 $0x1020;
	v6 =	vld [tilespmem:s5+$0xFFFFFFE0];
	v11 =	vxor.u32 $0x7FFFFFFF, v7;
	v10 =	vsel vm1, v5, v10;
	vm1 =	vlt.s32 v7, $0x0  }
0x32: {  	vm2 =	vlt.s32 v8, $0x0;
	v5 =	vld [tilespmem:s5+$0x10];
	[tilespmem:s4+$0xFFFFFFE0] =	vst v10;
	v10 =	vxor.u32 $0x7FFFFFFF, v8;
	v11 =	vsel vm1, v7, v11  }
0x33: {  	v12 =	vxor.u32 $0x7FFFFFFF, v9;
	v7 =	vld [tilespmem:s5+$0x0];
	vm1 =	vlt.s32 v9, $0x0;
	v10 =	vsel vm2, v8, v10;
	[tilespmem:s4+$0x10] =	vst v11  }
0x34: {  	s6 =	simm.s32 $0x4;
	s0 =	simm.s32 $0x0;
	v8 =	vld [tilespmem:s5+$0xFFFFFFF0];
	v9 =	vsel vm1, v9, v12;
	[tilespmem:s4+$0x0] =	vst v10  }
.LBB2_3:
0x35: {  	s6 =	sadd.s32 $0x4, s6  }
0x36: {  	[tilespmem:s4+$0xFFFFFFF0] =	vst v9;
	s4 =	sadd.s32 $0x40, s4;
	s3 =	simm.s32 $0x5020;
	p1 =	slt.u32 s6, $0xFC  }
.Ltmp1:
0x37: {  	s5 =	sadd.s32 $0x40, s5;
	vm1 =	vlt.s32 v6, $0x0;
	v9 =	vxor.u32 $0x7FFFFFFF, v6;
	(pc) =	sbr.rel @p1 .LBB2_3-.Ltmp1, $4  }
0x38: {  	v9 =	vsel vm1, v6, v9;
	v6 =	vld [tilespmem:s5+$0xFFFFFFE0];
	vm1 =	vlt.s32 v5, $0x0;
	v10 =	vxor.u32 $0x7FFFFFFF, v5  }
0x39: {  	[tilespmem:s4+$0xFFFFFFE0] =	vst v9;
	vm2 =	vlt.s32 v7, $0x0;
	v9 =	vxor.u32 $0x7FFFFFFF, v7;
	v10 =	vsel vm1, v5, v10;
	v5 =	vld [tilespmem:s5+$0x10]  }
0x3a: {  	vm1 =	vlt.s32 v8, $0x0;
	v11 =	vxor.u32 $0x7FFFFFFF, v8;
	v12 =	vsel vm2, v7, v9;
	v7 =	vld [tilespmem:s5+$0x0];
	[tilespmem:s4+$0x10] =	vst v10  }
0x3b: {  	v9 =	vsel vm1, v8, v11;
	v8 =	vld [tilespmem:s5+$0xFFFFFFF0];
	[tilespmem:s4+$0x0] =	vst v12  }
0x3c: {  	_ = 	snop  }
0x3d: {  	vm1 =	vlt.s32 v6, $0x0;
	v10 =	vxor.u32 $0x7FFFFFFF, v6  }
0x3e: {  	[tilespmem:s4+$0xFFFFFFF0] =	vst v9;
	s31 =	sadd.s32 $0x40, s4;
	v6 =	vsel vm1, v6, v10;
	vm1 =	vlt.s32 v5, $0x0;
	v62 =	vxor.u32 $0x7FFFFFFF, v5  }
0x3f: {  	[tilespmem:s31+$0xFFFFFFE0] =	vst v6;
	vm2 =	vlt.s32 v7, $0x0;
	v6 =	vxor.u32 $0x7FFFFFFF, v7;
	v5 =	vsel vm1, v5, v62  }
0x40: {  	vm1 =	vlt.s32 v8, $0x0;
	v63 =	vxor.u32 $0x7FFFFFFF, v8;
	v6 =	vsel vm2, v7, v6;
	[tilespmem:s31+$0x10] =	vst v5  }
0x41: {  	v5 =	vsel vm1, v8, v63;
	[tilespmem:s31+$0x0] =	vst v6  }
0x42: {  	[tilespmem:s31+$0xFFFFFFF0] =	vst v5  }
0x43: {  	[tilespmem:s3+$0xFFFFFFE0] =	vst v1  }
0x44: {  	[tilespmem:s3+$0x10] =	vst v1  }
0x45: {  	[tilespmem:s3+$0x0] =	vst v1  }
.LBB2_5:
0x46: {  	s0 =	sadd.s32 $0x4, s0  }
0x47: {  	[tilespmem:s3+$0xFFFFFFF0] =	vst v1;
	s3 =	sadd.s32 $0x40, s3;
	p1 =	slt.u32 s0, $0x7C  }
.Ltmp2:
0x48: {  	[tilespmem:s3+$0xFFFFFFE0] =	vst v1;
	(pc) =	sbr.rel @p1 .LBB2_5-.Ltmp2, $3  }
0x49: {  	_ =	sdelay $0x1  }
0x4a: {  	[tilespmem:s3+$0x10] =	vst v1  }
0x4b: {  	[tilespmem:s3+$0x0] =	vst v1  }
0x4c: {  	[tilespmem:s3+$0xFFFFFFF0] =	vst v1;
	s0 =	simm.s32 $0x0  }
.LBB2_7:
0x4d: {  	s3 =	sshra.s32 s0, $0x2  }
0x4e: {  	v5 =	vld [tilespmem:s3+$0x1000];
	_ =	sdelay $0x4  }
0x4f: {  	v5 =	vand.u32 $0x7FF, v5  }
0x50: {  	(xrf1) =	vunique.msk.u32 $0xffff, v5;
	_ =	sdelay $0xd  }
0x51: {  	_, v6, vm1 =	vpop (xrf1);
	_ =	sdelay $0x5  }
0x52: {  	[tilespmem:v5+s24+$0x0] =	vst.idx.add.s32.msk vm1, v6  }
0x53: {  	v5 =	vld [tilespmem:s3+$0x1010];
	_ =	sdelay $0x4  }
0x54: {  	v5 =	vand.u32 $0x7FF, v5  }
0x55: {  	(xrf1) =	vunique.msk.u32 $0xffff, v5;
	_ =	sdelay $0xd  }
0x56: {  	_, v6, vm1 =	vpop (xrf1)  }
0x57: {  	p1 =	sne.s32 s0, $0x3F80  }
.Ltmp3:
0x58: {  	_ = 	snop;
	(pc) =	sbr.rel @p1 .LBB2_7-.Ltmp3, $2  }
0x59: {  	_ =	sdelay $0x2  }
0x5a: {  	s0 =	sadd.s32 $0x80, s0;
	[tilespmem:v5+s24+$0x0] =	vst.idx.add.s32.msk vm1, v6  }
0x5b: {  	s0 =	simm.s32 $0x5010  }
0x5c: {  	v5 =	vld [tilespmem:s0+$0xFFFFFFF0];
	_ =	sdelay $0x1  }
0x5d: {  	v6 =	vld [tilespmem:s0+$0x0];
	_ =	sdelay $0x2  }
0x5e: {  	(xrf0) =	vadd.scan.msk.s32 $0xffff, v5;
	_ =	sdelay $0x1  }
0x5f: {  	(xrf0) =	vadd.scan.msk.s32 $0xffff, v6;
	_ =	sdelay $0x2  }
0x60: {  	s20 =	simm.s32 $0x5030  }
0x61: {  	v6 =	vld [tilespmem:s20+$0xFFFFFFF0];
	v5, _, _ =	vpop (xrf0)  }
0x62: {  	s22 =	simm.s32 $0x5050;
	(v2sf) =	vpush v5, $0xF;
	v5 =	vld [tilespmem:s20+$0x0]  }
0x63: {  	v8 =	vld [tilespmem:s22+$0xFFFFFFF0];
	v7, _, _ =	vpop (xrf0)  }
0x64: {  	(v2sf) =	vpush v7, $0xF;
	v7 =	vld [tilespmem:s22+$0x0];
	_ =	sdelay $0x1  }
0x65: {  	(xrf0) =	vadd.scan.msk.s32 $0xffff, v6  }
0x66: {  	(xrf0) =	vadd.scan.msk.s32 $0xffff, v5  }
0x67: {  	(xrf0) =	vadd.scan.msk.s32 $0xffff, v8  }
0x68: {  	(xrf0) =	vadd.scan.msk.s32 $0xffff, v7;
	_ =	sdelay $0x2  }
0x69: {  	v7, _, _ =	vpop (xrf0)  }
0x6a: {  	(v2sf) =	vpush v7, $0xF;
	v7, _, _ =	vpop (xrf0)  }
0x6b: {  	s30 =	simm.s32 $0x5070;
	(v2sf) =	vpush v7, $0xF;
	v7, _, _ =	vpop (xrf0)  }
0x6c: {  	v5 =	vld [tilespmem:s30+$0xFFFFFFF0];
	(v2sf) =	vpush v7, $0xF;
	v7, _, _ =	vpop (xrf0)  }
0x6d: {  	v6 =	vld [tilespmem:s30+$0x0];
	(v2sf) =	vpush v7, $0xF;
	_ =	sdelay $0x3  }
0x6e: {  	s3 =	simm.s32 $0x5090;
	(xrf0) =	vadd.scan.msk.s32 $0xffff, v5  }
0x6f: {  	v5 =	vld [tilespmem:s3+$0xFFFFFFF0];
	(xrf0) =	vadd.scan.msk.s32 $0xffff, v6  }
0x70: {  	v6 =	vld [tilespmem:s3+$0x0];
	s31 =	spop (v2sf)  }
0x71: {  	s4 =	simm.s32 $0x1;
	[smem:$0x0] =	sst s31  }
0x72: {  	s5 =	simm.s32 $0x8;
	s0 =	simm.s32 $0x3;
	s6 =	spop (v2sf)  }
.LBB2_9:
0x73: {  	s5 =	sadd.s32 $0x2, s5  }
0x74: {  	s3 =	sadd.s32 $0x20, s3;
	(xrf0) =	vadd.scan.msk.s32 $0xffff, v5;
	v7, _, _ =	vpop (xrf0);
	[smem:s4] =	sst s6;
	p1 =	slt.u32 s5, $0x7E  }
.Ltmp4:
0x75: {  	s4 =	smov.u32 s0;
	v5 =	vld [tilespmem:s3+$0xFFFFFFF0];
	(xrf0) =	vadd.scan.msk.s32 $0xffff, v6;
	(v2sf) =	vpush v7, $0xF;
	v7, _, _ =	vpop (xrf0);
	(pc) =	sbr.rel @p1 .LBB2_9-.Ltmp4, $3  }
0x76: {  	v6 =	vld [tilespmem:s3+$0x0];
	(v2sf) =	vpush v7, $0xF;
	_ =	sdelay $0x1  }
0x77: {  	s6 =	spop (v2sf)  }
0x78: {  	s0 =	sadd.s32 $0x2, s0;
	[smem:s4+$0xFFFFFFFF] =	sst s6;
	s6 =	spop (v2sf)  }
0x79: {  	(xrf0) =	vadd.scan.msk.s32 $0xffff, v5  }
0x7a: {  	(xrf0) =	vadd.scan.msk.s32 $0xffff, v6;
	_ =	sdelay $0x2  }
0x7b: {  	v5, _, _ =	vpop (xrf0)  }
0x7c: {  	(v2sf) =	vpush v5, $0xF;
	v5, _, _ =	vpop (xrf0)  }
0x7d: {  	(v2sf) =	vpush v5, $0xF;
	v5, _, _ =	vpop (xrf0)  }
0x7e: {  	(v2sf) =	vpush v5, $0xF;
	v5, _, _ =	vpop (xrf0)  }
0x7f: {  	(v2sf) =	vpush v5, $0xF;
	_ =	sdelay $0x7  }
0x80: {  	[smem:s4] =	sst s6;
	s3 =	spop (v2sf)  }
0x81: {  	s7 =	spop (v2sf);
	[smem:s0+$0xFFFFFFFF] =	sst s3  }
0x82: {  	s8 =	sadd.s32 $0x2, s0;
	[smem:s0] =	sst s7;
	s9 =	spop (v2sf)  }
0x83: {  	[smem:s8+$0xFFFFFFFF] =	sst s9;
	s16 =	spop (v2sf)  }
0x84: {  	s18 =	sadd.s32 $0x2, s8;
	[smem:s8] =	sst s16;
	s19 =	spop (v2sf)  }
0x85: {  	[smem:s18+$0xFFFFFFFF] =	sst s19;
	s20 =	spop (v2sf)  }
0x86: {  	s22 =	sadd.s32 $0x2, s18;
	[smem:s18] =	sst s20;
	s30 =	spop (v2sf)  }
0x87: {  	s4 =	simm.s32 $0x0;
	[smem:s22+$0xFFFFFFFF] =	sst s30;
	s31 =	spop (v2sf)  }
0x88: {  	s3 =	simm.s32 $0x0;
	s0 =	simm.s32 $0x0;
	[smem:s22] =	sst s31  }
.LBB2_11:
0x89: {  	p1 =	sne.s32 s3, $0x1FC  }
.Ltmp5:
0x8a: {  	s5 =	sshra.s32 s3, $0x2;
	(pc) =	sbr.rel @p1 .LBB2_11-.Ltmp5, $2  }
0x8b: {  	s6 =	sld [smem:s5+$0x0];
	_ =	sdelay $0x2  }
0x8c: {  	s3 =	sadd.s32 $0x4, s3;
	[smem:s5+$0x80] =	sst s4;
	s4 =	sadd.s32 s4, s6  }
0x8d: {  	p1 =	por $0x1, $0x1  }
.Ltmp6:
0x8e: {  	_ = 	snop;
	(pc) =	sbr.rel @!p1 .LBB2_14-.Ltmp6, $3  }
0x8f: {  	_ =	sdelay $0x1  }
0x90: {  	s3 =	simm.s32 $0x5000  }
0x91: {  	s4 =	simm.s32 $0x4;
	v5 =	vld [tilespmem:s3+$0x0]  }
.LBB2_13:
0x92: {  	p1 =	sne.s32 s4, $0x1FC;
	_ =	sdelay $0x3  }
0x93: {  	(xrf0) =	vadd.scan.msk.s32 $0xffff, v5;
	_ =	sdelay $0x3  }
0x94: {  	s5 =	sshra.s32 s0, $0x2;
	s0 =	smov.u32 s4  }
0x95: {  	s5 =	sld [smem:s5+$0x80]  }
.Ltmp7:
0x96: {  	v6, _, _ =	vpop (xrf0);
	(pc) =	sbr.rel @p1 .LBB2_13-.Ltmp7, $4  }
0x97: {  	v5 =	vsub.s32 v6, v5  }
0x98: {  	v5 =	vadd.s32 s5, v5  }
0x99: {  	[tilespmem:s3+$0x0] =	vst v5;
	s3 =	sadd.s32 $0x10, s3  }
0x9a: {  	s4 =	sadd.s32 $0x4, s4;
	v5 =	vld [tilespmem:s3+$0x0]  }
.LBB2_14:
0x9b: {  	_ =	sdelay $0x3  }
0x9c: {  	(xrf0) =	vadd.scan.msk.s32 $0xffff, v5;
	_ =	sdelay $0x3  }
0x9d: {  	s0 =	sshra.s32 s0, $0x2  }
0x9e: {  	s0 =	sld [smem:s0+$0x80]  }
0x9f: {  	v6, _, _ =	vpop (xrf0)  }
0xa0: {  	v5 =	vsub.s32 v6, v5  }
0xa1: {  	v5 =	vadd.s32 s0, v5  }
0xa2: {  	s0 =	simm.s32 $0x0;
	[tilespmem:s3+$0x0] =	vst v5;
	s3 =	simm.s32 $0x1010  }
.LBB2_15:
0xa3: {  	v5 =	vld [tilespmem:s3+$0xFFFFFFF0];
	_ =	sdelay $0x4  }
0xa4: {  	v6 =	vand.u32 $0x7FF, v5  }
0xa5: {  	(xrf1) =	vunique.msk.u32 $0xffff, v6;
	_ =	sdelay $0x9  }
0xa6: {  	v7 =	vld.idx.msk [tilespmem:v6+s24+$0x0], $0xffff;
	_ =	sdelay $0x3  }
0xa7: {  	_, v8, vm1 =	vpop (xrf1)  }
0xa8: {  	v7 =	vadd.s32 v7, v8  }
0xa9: {  	v8 =	vadd.s32 $0xFFFFFFFF, v7;
	_ =	sdelay $0x3  }
0xaa: {  	[tilespmem:v6+s24+$0x0] =	vst.idx.msk vm1, v7  }
0xab: {  	v6 =	vor.u32 s0, v0;
	[tilespmem:v8+s25+$0x0] =	vst.idx.msk $0xffff, v5  }
0xac: {  	[tilespmem:v8+s26+$0x0] =	vst.idx.msk $0xffff, v6  }
0xad: {  	v5 =	vld [tilespmem:s3+$0x0];
	_ =	sdelay $0x4  }
0xae: {  	v6 =	vand.u32 $0x7FF, v5  }
0xaf: {  	(xrf1) =	vunique.msk.u32 $0xffff, v6;
	_ =	sdelay $0x9  }
0xb0: {  	v7 =	vld.idx.msk [tilespmem:v6+s24+$0x0], $0xffff;
	_ =	sdelay $0x3  }
0xb1: {  	_, v63, vm1 =	vpop (xrf1)  }
0xb2: {  	v7 =	vadd.s32 v7, v63  }
0xb3: {  	v8 =	vadd.s32 $0xFFFFFFFF, v7  }
0xb4: {  	p1 =	sne.s32 s0, $0xFE0  }
.Ltmp8:
0xb5: {  	_ = 	snop;
	(pc) =	sbr.rel @p1 .LBB2_15-.Ltmp8, $4  }
0xb6: {  	_ = 	snop  }
0xb7: {  	s4 =	sadd.s32 $0x10, s0;
	[tilespmem:v6+s24+$0x0] =	vst.idx.msk vm1, v7  }
0xb8: {  	v6 =	vor.u32 s4, v0;
	[tilespmem:v8+s25+$0x0] =	vst.idx.msk $0xffff, v5  }
0xb9: {  	s0 =	sadd.s32 $0x20, s0;
	s3 =	sadd.s32 $0x20, s3;
	[tilespmem:v8+s26+$0x0] =	vst.idx.msk $0xffff, v6  }
0xba: {  	s0 =	simm.s32 $0x5020  }
0xbb: {  	[tilespmem:s0+$0xFFFFFFE0] =	vst v1  }
0xbc: {  	[tilespmem:s0+$0x10] =	vst v1  }
0xbd: {  	s3 =	simm.s32 $0x0;
	[tilespmem:s0+$0x0] =	vst v1  }
.LBB2_17:
0xbe: {  	s3 =	sadd.s32 $0x4, s3  }
0xbf: {  	[tilespmem:s0+$0xFFFFFFF0] =	vst v1;
	s0 =	sadd.s32 $0x40, s0;
	p1 =	slt.u32 s3, $0x7C  }
.Ltmp9:
0xc0: {  	[tilespmem:s0+$0xFFFFFFE0] =	vst v1;
	(pc) =	sbr.rel @p1 .LBB2_17-.Ltmp9, $3  }
0xc1: {  	_ =	sdelay $0x1  }
0xc2: {  	[tilespmem:s0+$0x10] =	vst v1  }
0xc3: {  	[tilespmem:s0+$0x0] =	vst v1  }
0xc4: {  	[tilespmem:s0+$0xFFFFFFF0] =	vst v1;
	s0 =	simm.s32 $0x0  }
.LBB2_19:
0xc5: {  	s3 =	sshra.s32 s0, $0x2  }
0xc6: {  	v5 =	vld [tilespmem:s3+$0x2000];
	_ =	sdelay $0x4  }
0xc7: {  	v5 =	vshrl.u32 v5, $0xB  }
0xc8: {  	v5 =	vand.u32 $0x7FF, v5  }
0xc9: {  	(xrf1) =	vunique.msk.u32 $0xffff, v5;
	_ =	sdelay $0xd  }
0xca: {  	_, v6, vm1 =	vpop (xrf1);
	_ =	sdelay $0x5  }
0xcb: {  	[tilespmem:v5+s24+$0x0] =	vst.idx.add.s32.msk vm1, v6  }
0xcc: {  	v5 =	vld [tilespmem:s3+$0x2010];
	_ =	sdelay $0x4  }
0xcd: {  	v5 =	vshrl.u32 v5, $0xB  }
0xce: {  	v5 =	vand.u32 $0x7FF, v5  }
0xcf: {  	(xrf1) =	vunique.msk.u32 $0xffff, v5;
	_ =	sdelay $0xd  }
0xd0: {  	_, v6, vm1 =	vpop (xrf1)  }
0xd1: {  	p1 =	sne.s32 s0, $0x3F80  }
.Ltmp10:
0xd2: {  	_ = 	snop;
	(pc) =	sbr.rel @p1 .LBB2_19-.Ltmp10, $2  }
0xd3: {  	_ =	sdelay $0x2  }
0xd4: {  	s0 =	sadd.s32 $0x80, s0;
	[tilespmem:v5+s24+$0x0] =	vst.idx.add.s32.msk vm1, v6  }
0xd5: {  	s0 =	simm.s32 $0x5010  }
0xd6: {  	v5 =	vld [tilespmem:s0+$0xFFFFFFF0];
	_ =	sdelay $0x1  }
0xd7: {  	v6 =	vld [tilespmem:s0+$0x0];
	_ =	sdelay $0x2  }
0xd8: {  	(xrf0) =	vadd.scan.msk.s32 $0xffff, v5;
	_ =	sdelay $0x1  }
0xd9: {  	(xrf0) =	vadd.scan.msk.s32 $0xffff, v6;
	_ =	sdelay $0x2  }
0xda: {  	s20 =	simm.s32 $0x5030  }
0xdb: {  	v6 =	vld [tilespmem:s20+$0xFFFFFFF0];
	v5, _, _ =	vpop (xrf0)  }
0xdc: {  	s22 =	simm.s32 $0x5050;
	(v2sf) =	vpush v5, $0xF;
	v5 =	vld [tilespmem:s20+$0x0]  }
0xdd: {  	v8 =	vld [tilespmem:s22+$0xFFFFFFF0];
	v7, _, _ =	vpop (xrf0)  }
0xde: {  	(v2sf) =	vpush v7, $0xF;
	v7 =	vld [tilespmem:s22+$0x0];
	_ =	sdelay $0x1  }
0xdf: {  	(xrf0) =	vadd.scan.msk.s32 $0xffff, v6  }
0xe0: {  	(xrf0) =	vadd.scan.msk.s32 $0xffff, v5  }
0xe1: {  	(xrf0) =	vadd.scan.msk.s32 $0xffff, v8  }
0xe2: {  	(xrf0) =	vadd.scan.msk.s32 $0xffff, v7;
	_ =	sdelay $0x2  }
0xe3: {  	v7, _, _ =	vpop (xrf0)  }
0xe4: {  	(v2sf) =	vpush v7, $0xF;
	v7, _, _ =	vpop (xrf0)  }
0xe5: {  	s30 =	simm.s32 $0x5070;
	(v2sf) =	vpush v7, $0xF;
	v7, _, _ =	vpop (xrf0)  }
0xe6: {  	v5 =	vld [tilespmem:s30+$0xFFFFFFF0];
	(v2sf) =	vpush v7, $0xF;
	v7, _, _ =	vpop (xrf0)  }
0xe7: {  	v6 =	vld [tilespmem:s30+$0x0];
	(v2sf) =	vpush v7, $0xF;
	_ =	sdelay $0x3  }
0xe8: {  	s3 =	simm.s32 $0x5090;
	(xrf0) =	vadd.scan.msk.s32 $0xffff, v5  }
0xe9: {  	v5 =	vld [tilespmem:s3+$0xFFFFFFF0];
	(xrf0) =	vadd.scan.msk.s32 $0xffff, v6  }
0xea: {  	v6 =	vld [tilespmem:s3+$0x0];
	s31 =	spop (v2sf)  }
0xeb: {  	s4 =	simm.s32 $0x1;
	[smem:$0x0] =	sst s31  }
0xec: {  	s5 =	simm.s32 $0x8;
	s0 =	simm.s32 $0x3;
	s6 =	spop (v2sf)  }
.LBB2_21:
0xed: {  	s5 =	sadd.s32 $0x2, s5  }
0xee: {  	s3 =	sadd.s32 $0x20, s3;
	(xrf0) =	vadd.scan.msk.s32 $0xffff, v5;
	v7, _, _ =	vpop (xrf0);
	[smem:s4] =	sst s6;
	p1 =	slt.u32 s5, $0x7E  }
.Ltmp11:
0xef: {  	s4 =	smov.u32 s0;
	v5 =	vld [tilespmem:s3+$0xFFFFFFF0];
	(xrf0) =	vadd.scan.msk.s32 $0xffff, v6;
	(v2sf) =	vpush v7, $0xF;
	v7, _, _ =	vpop (xrf0);
	(pc) =	sbr.rel @p1 .LBB2_21-.Ltmp11, $3  }
0xf0: {  	v6 =	vld [tilespmem:s3+$0x0];
	(v2sf) =	vpush v7, $0xF;
	_ =	sdelay $0x1  }
0xf1: {  	s6 =	spop (v2sf)  }
0xf2: {  	s0 =	sadd.s32 $0x2, s0;
	[smem:s4+$0xFFFFFFFF] =	sst s6;
	s6 =	spop (v2sf)  }
0xf3: {  	(xrf0) =	vadd.scan.msk.s32 $0xffff, v5  }
0xf4: {  	(xrf0) =	vadd.scan.msk.s32 $0xffff, v6;
	_ =	sdelay $0x2  }
0xf5: {  	v5, _, _ =	vpop (xrf0)  }
0xf6: {  	(v2sf) =	vpush v5, $0xF;
	v5, _, _ =	vpop (xrf0)  }
0xf7: {  	(v2sf) =	vpush v5, $0xF;
	v5, _, _ =	vpop (xrf0)  }
0xf8: {  	(v2sf) =	vpush v5, $0xF;
	v5, _, _ =	vpop (xrf0)  }
0xf9: {  	(v2sf) =	vpush v5, $0xF;
	_ =	sdelay $0x7  }
0xfa: {  	[smem:s4] =	sst s6;
	s3 =	spop (v2sf)  }
0xfb: {  	s7 =	spop (v2sf);
	[smem:s0+$0xFFFFFFFF] =	sst s3  }
0xfc: {  	s8 =	sadd.s32 $0x2, s0;
	[smem:s0] =	sst s7;
	s9 =	spop (v2sf)  }
0xfd: {  	[smem:s8+$0xFFFFFFFF] =	sst s9;
	s16 =	spop (v2sf)  }
0xfe: {  	s18 =	sadd.s32 $0x2, s8;
	[smem:s8] =	sst s16;
	s19 =	spop (v2sf)  }
0xff: {  	[smem:s18+$0xFFFFFFFF] =	sst s19;
	s20 =	spop (v2sf)  }
0x100: {  	s22 =	sadd.s32 $0x2, s18;
	[smem:s18] =	sst s20;
	s30 =	spop (v2sf)  }
0x101: {  	s4 =	simm.s32 $0x0;
	[smem:s22+$0xFFFFFFFF] =	sst s30;
	s31 =	spop (v2sf)  }
0x102: {  	s3 =	simm.s32 $0x0;
	s0 =	simm.s32 $0x0;
	[smem:s22] =	sst s31  }
.LBB2_23:
0x103: {  	p1 =	sne.s32 s3, $0x1FC  }
.Ltmp12:
0x104: {  	s5 =	sshra.s32 s3, $0x2;
	(pc) =	sbr.rel @p1 .LBB2_23-.Ltmp12, $2  }
0x105: {  	s6 =	sld [smem:s5+$0x0];
	_ =	sdelay $0x2  }
0x106: {  	s3 =	sadd.s32 $0x4, s3;
	[smem:s5+$0x80] =	sst s4;
	s4 =	sadd.s32 s4, s6  }
0x107: {  	p1 =	por $0x1, $0x1  }
.Ltmp13:
0x108: {  	_ = 	snop;
	(pc) =	sbr.rel @!p1 .LBB2_26-.Ltmp13, $3  }
0x109: {  	_ =	sdelay $0x1  }
0x10a: {  	s3 =	simm.s32 $0x5000  }
0x10b: {  	s4 =	simm.s32 $0x4;
	v5 =	vld [tilespmem:s3+$0x0]  }
.LBB2_25:
0x10c: {  	p1 =	sne.s32 s4, $0x1FC;
	_ =	sdelay $0x3  }
0x10d: {  	(xrf0) =	vadd.scan.msk.s32 $0xffff, v5;
	_ =	sdelay $0x3  }
0x10e: {  	s5 =	sshra.s32 s0, $0x2;
	s0 =	smov.u32 s4  }
0x10f: {  	s5 =	sld [smem:s5+$0x80]  }
.Ltmp14:
0x110: {  	v6, _, _ =	vpop (xrf0);
	(pc) =	sbr.rel @p1 .LBB2_25-.Ltmp14, $4  }
0x111: {  	v5 =	vsub.s32 v6, v5  }
0x112: {  	v5 =	vadd.s32 s5, v5  }
0x113: {  	[tilespmem:s3+$0x0] =	vst v5;
	s3 =	sadd.s32 $0x10, s3  }
0x114: {  	s4 =	sadd.s32 $0x4, s4;
	v5 =	vld [tilespmem:s3+$0x0]  }
.LBB2_26:
0x115: {  	_ =	sdelay $0x3  }
0x116: {  	(xrf0) =	vadd.scan.msk.s32 $0xffff, v5;
	_ =	sdelay $0x3  }
0x117: {  	s0 =	sshra.s32 s0, $0x2  }
0x118: {  	s0 =	sld [smem:s0+$0x80]  }
0x119: {  	v6, _, _ =	vpop (xrf0)  }
0x11a: {  	v5 =	vsub.s32 v6, v5  }
0x11b: {  	v5 =	vadd.s32 s0, v5  }
0x11c: {  	s0 =	simm.s32 $0x0;
	[tilespmem:s3+$0x0] =	vst v5  }
.LBB2_27:
0x11d: {  	s3 =	sshra.s32 s0, $0x2  }
0x11e: {  	v5 =	vld [tilespmem:s3+$0x2000];
	_ =	sdelay $0x4  }
0x11f: {  	v6 =	vshrl.u32 v5, $0xB  }
0x120: {  	v6 =	vand.u32 $0x7FF, v6  }
0x121: {  	(xrf1) =	vunique.msk.u32 $0xffff, v6;
	_ =	sdelay $0x9  }
0x122: {  	v7 =	vld.idx.msk [tilespmem:v6+s24+$0x0], $0xffff;
	_ =	sdelay $0x3  }
0x123: {  	_, v8, vm1 =	vpop (xrf1)  }
0x124: {  	v7 =	vadd.s32 v7, v8  }
0x125: {  	v8 =	vadd.s32 $0xFFFFFFFF, v7  }
0x126: {  	v9 =	vld [tilespmem:s3+$0x4000];
	_ =	sdelay $0x2  }
0x127: {  	[tilespmem:v6+s24+$0x0] =	vst.idx.msk vm1, v7  }
0x128: {  	[tilespmem:v8+s28+$0x0] =	vst.idx.msk $0xffff, v5  }
0x129: {  	[tilespmem:v8+s29+$0x0] =	vst.idx.msk $0xffff, v9  }
0x12a: {  	v5 =	vld [tilespmem:s3+$0x2010];
	_ =	sdelay $0x4  }
0x12b: {  	v6 =	vshrl.u32 v5, $0xB  }
0x12c: {  	v6 =	vand.u32 $0x7FF, v6  }
0x12d: {  	(xrf1) =	vunique.msk.u32 $0xffff, v6;
	_ =	sdelay $0x9  }
0x12e: {  	v7 =	vld.idx.msk [tilespmem:v6+s24+$0x0], $0xffff;
	_ =	sdelay $0x3  }
0x12f: {  	_, v63, vm1 =	vpop (xrf1)  }
0x130: {  	v7 =	vadd.s32 v7, v63  }
0x131: {  	v8 =	vadd.s32 $0xFFFFFFFF, v7  }
0x132: {  	p1 =	sne.s32 s0, $0x3F80;
	v9 =	vld [tilespmem:s3+$0x4010]  }
.Ltmp15:
0x133: {  	_ = 	snop;
	(pc) =	sbr.rel @p1 .LBB2_27-.Ltmp15, $4  }
0x134: {  	_ = 	snop  }
0x135: {  	[tilespmem:v6+s24+$0x0] =	vst.idx.msk vm1, v7  }
0x136: {  	[tilespmem:v8+s28+$0x0] =	vst.idx.msk $0xffff, v5  }
0x137: {  	s0 =	sadd.s32 $0x80, s0;
	[tilespmem:v8+s29+$0x0] =	vst.idx.msk $0xffff, v9  }
0x138: {  	s0 =	simm.s32 $0x5020  }
0x139: {  	[tilespmem:s0+$0xFFFFFFE0] =	vst v1  }
0x13a: {  	[tilespmem:s0+$0x10] =	vst v1  }
0x13b: {  	s3 =	simm.s32 $0x0;
	[tilespmem:s0+$0x0] =	vst v1  }
.LBB2_29:
0x13c: {  	s3 =	sadd.s32 $0x4, s3  }
0x13d: {  	[tilespmem:s0+$0xFFFFFFF0] =	vst v1;
	s0 =	sadd.s32 $0x40, s0;
	p1 =	slt.u32 s3, $0x7C  }
.Ltmp16:
0x13e: {  	[tilespmem:s0+$0xFFFFFFE0] =	vst v1;
	(pc) =	sbr.rel @p1 .LBB2_29-.Ltmp16, $3  }
0x13f: {  	_ =	sdelay $0x1  }
0x140: {  	[tilespmem:s0+$0x10] =	vst v1  }
0x141: {  	[tilespmem:s0+$0x0] =	vst v1  }
0x142: {  	[tilespmem:s0+$0xFFFFFFF0] =	vst v1;
	s0 =	simm.s32 $0x0  }
.LBB2_31:
0x143: {  	s3 =	sshra.s32 s0, $0x2  }
0x144: {  	v5 =	vld [tilespmem:s3+$0x1000];
	_ =	sdelay $0x4  }
0x145: {  	v5 =	vshrl.u32 v5, $0x16  }
0x146: {  	(xrf1) =	vunique.msk.u32 $0xffff, v5;
	_ =	sdelay $0xd  }
0x147: {  	_, v6, vm1 =	vpop (xrf1);
	_ =	sdelay $0x5  }
0x148: {  	[tilespmem:v5+s24+$0x0] =	vst.idx.add.s32.msk vm1, v6  }
0x149: {  	v5 =	vld [tilespmem:s3+$0x1010];
	_ =	sdelay $0x4  }
0x14a: {  	v5 =	vshrl.u32 v5, $0x16  }
0x14b: {  	(xrf1) =	vunique.msk.u32 $0xffff, v5;
	_ =	sdelay $0xd  }
0x14c: {  	_, v6, vm1 =	vpop (xrf1)  }
0x14d: {  	p1 =	sne.s32 s0, $0x3F80  }
.Ltmp17:
0x14e: {  	_ = 	snop;
	(pc) =	sbr.rel @p1 .LBB2_31-.Ltmp17, $2  }
0x14f: {  	_ =	sdelay $0x2  }
0x150: {  	s0 =	sadd.s32 $0x80, s0;
	[tilespmem:v5+s24+$0x0] =	vst.idx.add.s32.msk vm1, v6  }
0x151: {  	s0 =	simm.s32 $0x5010  }
0x152: {  	v5 =	vld [tilespmem:s0+$0xFFFFFFF0];
	_ =	sdelay $0x1  }
0x153: {  	v6 =	vld [tilespmem:s0+$0x0];
	_ =	sdelay $0x2  }
0x154: {  	(xrf0) =	vadd.scan.msk.s32 $0xffff, v5;
	_ =	sdelay $0x1  }
0x155: {  	(xrf0) =	vadd.scan.msk.s32 $0xffff, v6;
	_ =	sdelay $0x2  }
0x156: {  	s20 =	simm.s32 $0x5030  }
0x157: {  	v6 =	vld [tilespmem:s20+$0xFFFFFFF0];
	v5, _, _ =	vpop (xrf0)  }
0x158: {  	s22 =	simm.s32 $0x5050;
	(v2sf) =	vpush v5, $0xF;
	v5 =	vld [tilespmem:s20+$0x0]  }
0x159: {  	v8 =	vld [tilespmem:s22+$0xFFFFFFF0];
	v7, _, _ =	vpop (xrf0)  }
0x15a: {  	(v2sf) =	vpush v7, $0xF;
	v7 =	vld [tilespmem:s22+$0x0];
	_ =	sdelay $0x1  }
0x15b: {  	(xrf0) =	vadd.scan.msk.s32 $0xffff, v6  }
0x15c: {  	(xrf0) =	vadd.scan.msk.s32 $0xffff, v5  }
0x15d: {  	(xrf0) =	vadd.scan.msk.s32 $0xffff, v8  }
0x15e: {  	(xrf0) =	vadd.scan.msk.s32 $0xffff, v7;
	_ =	sdelay $0x2  }
0x15f: {  	v7, _, _ =	vpop (xrf0)  }
0x160: {  	(v2sf) =	vpush v7, $0xF;
	v7, _, _ =	vpop (xrf0)  }
0x161: {  	s30 =	simm.s32 $0x5070;
	(v2sf) =	vpush v7, $0xF;
	v7, _, _ =	vpop (xrf0)  }
0x162: {  	v5 =	vld [tilespmem:s30+$0xFFFFFFF0];
	(v2sf) =	vpush v7, $0xF;
	v7, _, _ =	vpop (xrf0)  }
0x163: {  	v6 =	vld [tilespmem:s30+$0x0];
	(v2sf) =	vpush v7, $0xF;
	_ =	sdelay $0x3  }
0x164: {  	s3 =	simm.s32 $0x5090;
	(xrf0) =	vadd.scan.msk.s32 $0xffff, v5  }
0x165: {  	v5 =	vld [tilespmem:s3+$0xFFFFFFF0];
	(xrf0) =	vadd.scan.msk.s32 $0xffff, v6  }
0x166: {  	v6 =	vld [tilespmem:s3+$0x0];
	s31 =	spop (v2sf)  }
0x167: {  	s4 =	simm.s32 $0x1;
	[smem:$0x0] =	sst s31  }
0x168: {  	s5 =	simm.s32 $0x8;
	s0 =	simm.s32 $0x3;
	s6 =	spop (v2sf)  }
.LBB2_33:
0x169: {  	s5 =	sadd.s32 $0x2, s5  }
0x16a: {  	s3 =	sadd.s32 $0x20, s3;
	(xrf0) =	vadd.scan.msk.s32 $0xffff, v5;
	v7, _, _ =	vpop (xrf0);
	[smem:s4] =	sst s6;
	p1 =	slt.u32 s5, $0x7E  }
.Ltmp18:
0x16b: {  	s4 =	smov.u32 s0;
	v5 =	vld [tilespmem:s3+$0xFFFFFFF0];
	(xrf0) =	vadd.scan.msk.s32 $0xffff, v6;
	(v2sf) =	vpush v7, $0xF;
	v7, _, _ =	vpop (xrf0);
	(pc) =	sbr.rel @p1 .LBB2_33-.Ltmp18, $3  }
0x16c: {  	v6 =	vld [tilespmem:s3+$0x0];
	(v2sf) =	vpush v7, $0xF;
	_ =	sdelay $0x1  }
0x16d: {  	s6 =	spop (v2sf)  }
0x16e: {  	s0 =	sadd.s32 $0x2, s0;
	[smem:s4+$0xFFFFFFFF] =	sst s6;
	s6 =	spop (v2sf)  }
0x16f: {  	(xrf0) =	vadd.scan.msk.s32 $0xffff, v5  }
0x170: {  	(xrf0) =	vadd.scan.msk.s32 $0xffff, v6;
	_ =	sdelay $0x2  }
0x171: {  	v5, _, _ =	vpop (xrf0)  }
0x172: {  	(v2sf) =	vpush v5, $0xF;
	v5, _, _ =	vpop (xrf0)  }
0x173: {  	(v2sf) =	vpush v5, $0xF;
	v5, _, _ =	vpop (xrf0)  }
0x174: {  	(v2sf) =	vpush v5, $0xF;
	v5, _, _ =	vpop (xrf0)  }
0x175: {  	(v2sf) =	vpush v5, $0xF;
	_ =	sdelay $0x7  }
0x176: {  	[smem:s4] =	sst s6;
	s3 =	spop (v2sf)  }
0x177: {  	s7 =	spop (v2sf);
	[smem:s0+$0xFFFFFFFF] =	sst s3  }
0x178: {  	s8 =	sadd.s32 $0x2, s0;
	[smem:s0] =	sst s7;
	s9 =	spop (v2sf)  }
0x179: {  	[smem:s8+$0xFFFFFFFF] =	sst s9;
	s16 =	spop (v2sf)  }
0x17a: {  	s18 =	sadd.s32 $0x2, s8;
	[smem:s8] =	sst s16;
	s19 =	spop (v2sf)  }
0x17b: {  	[smem:s18+$0xFFFFFFFF] =	sst s19;
	s20 =	spop (v2sf)  }
0x17c: {  	s22 =	sadd.s32 $0x2, s18;
	[smem:s18] =	sst s20;
	s30 =	spop (v2sf)  }
0x17d: {  	s4 =	simm.s32 $0x0;
	[smem:s22+$0xFFFFFFFF] =	sst s30;
	s31 =	spop (v2sf)  }
0x17e: {  	s3 =	simm.s32 $0x0;
	s0 =	simm.s32 $0x0;
	[smem:s22] =	sst s31  }
.LBB2_35:
0x17f: {  	p1 =	sne.s32 s3, $0x1FC  }
.Ltmp19:
0x180: {  	s5 =	sshra.s32 s3, $0x2;
	(pc) =	sbr.rel @p1 .LBB2_35-.Ltmp19, $2  }
0x181: {  	s6 =	sld [smem:s5+$0x0];
	_ =	sdelay $0x2  }
0x182: {  	s3 =	sadd.s32 $0x4, s3;
	[smem:s5+$0x80] =	sst s4;
	s4 =	sadd.s32 s4, s6  }
0x183: {  	p1 =	por $0x1, $0x1  }
.Ltmp20:
0x184: {  	_ = 	snop;
	(pc) =	sbr.rel @!p1 .LBB2_38-.Ltmp20, $3  }
0x185: {  	_ =	sdelay $0x1  }
0x186: {  	s3 =	simm.s32 $0x5000  }
0x187: {  	s4 =	simm.s32 $0x4;
	v5 =	vld [tilespmem:s3+$0x0]  }
.LBB2_37:
0x188: {  	p1 =	sne.s32 s4, $0x1FC;
	_ =	sdelay $0x3  }
0x189: {  	(xrf0) =	vadd.scan.msk.s32 $0xffff, v5;
	_ =	sdelay $0x3  }
0x18a: {  	s5 =	sshra.s32 s0, $0x2;
	s0 =	smov.u32 s4  }
0x18b: {  	s5 =	sld [smem:s5+$0x80]  }
.Ltmp21:
0x18c: {  	v6, _, _ =	vpop (xrf0);
	(pc) =	sbr.rel @p1 .LBB2_37-.Ltmp21, $4  }
0x18d: {  	v5 =	vsub.s32 v6, v5  }
0x18e: {  	v5 =	vadd.s32 s5, v5  }
0x18f: {  	[tilespmem:s3+$0x0] =	vst v5;
	s3 =	sadd.s32 $0x10, s3  }
0x190: {  	s4 =	sadd.s32 $0x4, s4;
	v5 =	vld [tilespmem:s3+$0x0]  }
.LBB2_38:
0x191: {  	_ =	sdelay $0x3  }
0x192: {  	(xrf0) =	vadd.scan.msk.s32 $0xffff, v5;
	_ =	sdelay $0x3  }
0x193: {  	s0 =	sshra.s32 s0, $0x2  }
0x194: {  	s0 =	sld [smem:s0+$0x80]  }
0x195: {  	v6, _, _ =	vpop (xrf0)  }
0x196: {  	v5 =	vsub.s32 v6, v5  }
0x197: {  	v5 =	vadd.s32 s0, v5  }
0x198: {  	s0 =	simm.s32 $0x0;
	[tilespmem:s3+$0x0] =	vst v5  }
.LBB2_39:
0x199: {  	s3 =	sshra.s32 s0, $0x2  }
0x19a: {  	v5 =	vld [tilespmem:s3+$0x1000];
	_ =	sdelay $0x4  }
0x19b: {  	v6 =	vshrl.u32 v5, $0x16  }
0x19c: {  	(xrf1) =	vunique.msk.u32 $0xffff, v6;
	_ =	sdelay $0x9  }
0x19d: {  	v7 =	vld.idx.msk [tilespmem:v6+s24+$0x0], $0xffff;
	_ =	sdelay $0x3  }
0x19e: {  	_, v8, vm1 =	vpop (xrf1)  }
0x19f: {  	v7 =	vadd.s32 v7, v8  }
0x1a0: {  	v8 =	vadd.s32 $0xFFFFFFFF, v7  }
0x1a1: {  	v9 =	vld [tilespmem:s3+$0x3000];
	_ =	sdelay $0x2  }
0x1a2: {  	[tilespmem:v6+s24+$0x0] =	vst.idx.msk vm1, v7  }
0x1a3: {  	[tilespmem:v8+s25+$0x0] =	vst.idx.msk $0xffff, v5  }
0x1a4: {  	[tilespmem:v8+s26+$0x0] =	vst.idx.msk $0xffff, v9  }
0x1a5: {  	v5 =	vld [tilespmem:s3+$0x1010];
	_ =	sdelay $0x4  }
0x1a6: {  	v6 =	vshrl.u32 v5, $0x16  }
0x1a7: {  	(xrf1) =	vunique.msk.u32 $0xffff, v6;
	_ =	sdelay $0x9  }
0x1a8: {  	v7 =	vld.idx.msk [tilespmem:v6+s24+$0x0], $0xffff;
	_ =	sdelay $0x3  }
0x1a9: {  	_, v63, vm1 =	vpop (xrf1)  }
0x1aa: {  	v7 =	vadd.s32 v7, v63  }
0x1ab: {  	v8 =	vadd.s32 $0xFFFFFFFF, v7  }
0x1ac: {  	p1 =	sne.s32 s0, $0x3F80;
	v9 =	vld [tilespmem:s3+$0x3010]  }
.Ltmp22:
0x1ad: {  	_ = 	snop;
	(pc) =	sbr.rel @p1 .LBB2_39-.Ltmp22, $4  }
0x1ae: {  	_ = 	snop  }
0x1af: {  	[tilespmem:v6+s24+$0x0] =	vst.idx.msk vm1, v7  }
0x1b0: {  	[tilespmem:v8+s25+$0x0] =	vst.idx.msk $0xffff, v5  }
0x1b1: {  	s0 =	sadd.s32 $0x80, s0;
	[tilespmem:v8+s26+$0x0] =	vst.idx.msk $0xffff, v9  }
0x1b2: {  	s0 =	simm.s32 $0x4020  }
0x1b3: {  	v5 =	vld [tilespmem:s0+$0x10];
	_ =	sdelay $0x1  }
0x1b4: {  	v7 =	vld [tilespmem:s0+$0xFFFFFFE0]  }
0x1b5: {  	v8 =	vld [tilespmem:s0+$0xFFFFFFF0]  }
0x1b6: {  	s31 =	simm.s32 $0x4060;
	v9 =	vld [tilespmem:s0+$0x0]  }
0x1b7: {  	v12 =	vld [tilespmem:s31+$0x10]  }
0x1b8: {  	v6 =	vld [tilespmem:s31+$0xFFFFFFF0]  }
0x1b9: {  	v11 =	vld [tilespmem:s31+$0xFFFFFFE0]  }
0x1ba: {  	v13 =	vld.idx.msk [tilespmem:v5+s2+$0x0], $0xffff  }
0x1bb: {  	v5 =	vld [tilespmem:s31+$0x0]  }
0x1bc: {  	v10 =	vld.idx.msk [tilespmem:v7+s2+$0x0], $0xffff  }
0x1bd: {  	v7 =	vld.idx.msk [tilespmem:v8+s2+$0x0], $0xffff  }
0x1be: {  	s0 =	simm.s32 $0x5820;
	v8 =	vld.idx.msk [tilespmem:v9+s2+$0x0], $0xffff  }
0x1bf: {  	s3 =	simm.s32 $0x4;
	s4 =	simm.s32 $0x40A0;
	v9 =	vld.idx.msk [tilespmem:v12+s2+$0x0], $0xffff;
	[tilespmem:s0+$0x10] =	vst v13  }
.LBB2_41:
0x1c0: {  	v12 =	vld [tilespmem:s4+$0x10];
	s3 =	sadd.s32 $0x4, s3  }
0x1c1: {  	v13 =	vld [tilespmem:s4+$0xFFFFFFF0];
	p1 =	slt.u32 s3, $0x3C;
	[tilespmem:s0+$0xFFFFFFE0] =	vst v10  }
0x1c2: {  	v14 =	vld [tilespmem:s4+$0x0];
	[tilespmem:s0+$0xFFFFFFF0] =	vst v7  }
0x1c3: {  	v15 =	vld [tilespmem:s4+$0xFFFFFFE0];
	[tilespmem:s0+$0x0] =	vst v8  }
.Ltmp23:
0x1c4: {  	s0 =	sadd.s32 $0x40, s0;
	v10 =	vld.idx.msk [tilespmem:v11+s2+$0x0], $0xffff;
	(pc) =	sbr.rel @p1 .LBB2_41-.Ltmp23, $4  }
0x1c5: {  	v7 =	vld.idx.msk [tilespmem:v6+s2+$0x0], $0xffff;
	[tilespmem:s0+$0x10] =	vst v9  }
0x1c6: {  	v8 =	vld.idx.msk [tilespmem:v5+s2+$0x0], $0xffff;
	v6 =	vmov v13  }
0x1c7: {  	v5 =	vmov v14  }
0x1c8: {  	s4 =	sadd.s32 $0x40, s4;
	v9 =	vld.idx.msk [tilespmem:v12+s2+$0x0], $0xffff;
	v11 =	vmov v15  }
0x1c9: {  	_ =	sdelay $0x3  }
0x1ca: {  	v11 =	vld.idx.msk [tilespmem:v11+s2+$0x0], $0xffff  }
0x1cb: {  	[tilespmem:s0+$0xFFFFFFE0] =	vst v10;
	v6 =	vld.idx.msk [tilespmem:v6+s2+$0x0], $0xffff  }
0x1cc: {  	v5 =	vld.idx.msk [tilespmem:v5+s2+$0x0], $0xffff;
	[tilespmem:s0+$0xFFFFFFF0] =	vst v7  }
0x1cd: {  	s30 =	sadd.s32 $0x40, s0;
	[tilespmem:s0+$0x0] =	vst v8  }
0x1ce: {  	[tilespmem:s30+$0x10] =	vst v9  }
0x1cf: {  	[tilespmem:s30+$0xFFFFFFE0] =	vst v11  }
0x1d0: {  	[tilespmem:s30+$0xFFFFFFF0] =	vst v6  }
0x1d1: {  	[tilespmem:s30+$0x0] =	vst v5  }
0x1d2: {  	s3 =	simm.s32 $0x80;
	s4 =	simm.s32 $0x100;
	s0 =	rddreg [dreg:$0x7]  }
0x1d3: {  	[spmem:s0] =	stream.strided.scatter [tilespmem:s26], [sflag:$0x5], $0x400, s4, s3, $0x38;
	[tilespmem:$0x16600] =	vst v63  }
0x1d4: {  	_ =	swait.ge [sflag:s23], $0x400  }
0x1d5: {  	[sflag:s23] =	ssyncset.done $0x0  }
0x1d6: {  	s5 =	simm.s32 $0x5800;
	s31 =	rddreg [dreg:$0x8];
	[sflag:s23] =	ssyncadd.s32 $0xFFFFFC00  }
0x1d7: {  	[spmem:s31] =	stream.strided.scatter [tilespmem:s5], [sflag:$0x5], $0x400, s4, s3, $0x38;
	[tilespmem:$0x16600] =	vst v63  }
0x1d8: {  	_ =	swait.ge [sflag:s23], $0x400  }
0x1d9: {  	[sflag:s23] =	ssyncset.done $0x0  }
0x1da: {  	[sflag:s23] =	ssyncadd.s32 $0xFFFFFC00  }
.LBB2_43:
0x1db: {  	[bflag:$0x0] =	sbarrier.arrive $0xFFFF  }
0x1dc: {  	s3 =	simm.s32 $0x5C00;
	s0 =	rddreg [dreg:$0x9]  }
0x1dd: {  	[tilespmem:s3], [sflag:$0x5] =	stream.linear.gather [spmem:s0], $0x40, $0x38;
	[tilespmem:$0x16600] =	vst v63  }
0x1de: {  	_ =	swait.ge [sflag:s23], $0x40  }
0x1df: {  	[sflag:s23] =	ssyncset.done $0x0  }
0x1e0: {  	s3 =	rddreg [dreg:$0xa];
	[sflag:s23] =	ssyncadd.s32 $0xFFFFFFC0  }
0x1e1: {  	[tilespmem:s1], [sflag:$0x5] =	stream.linear.gather [spmem:s3], $0x40, $0x38;
	[tilespmem:$0x16600] =	vst v63  }
0x1e2: {  	_ =	swait.ge [sflag:s23], $0x40  }
0x1e3: {  	s5 =	simm.s32 $0x5C40;
	[sflag:s23] =	ssyncset.done $0x0  }
0x1e4: {  	s6 =	simm.s32 $0x2;
	s4 =	rddreg [dreg:$0xb];
	[sflag:s23] =	ssyncadd.s32 $0xFFFFFFC0  }
0x1e5: {  	v5 =	vmov s6;
	[tilespmem:s5], [sflag:$0x5] =	stream.linear.gather [spmem:s4], $0x40, $0x38;
	[tilespmem:$0x16600] =	vst v63  }
0x1e6: {  	s7 =	simm.s32 $0x1;
	v5 =	vand.u32 $0xFFFFFFFE, v5;
	_ =	swait.ge [sflag:s23], $0x40  }
0x1e7: {  	s8 =	simm.s32 $0x0;
	v6 =	vmov s7;
	v5 =	vbroadcast v5, $0x0;
	[sflag:s23] =	ssyncset.done $0x0  }
0x1e8: {  	s16 =	simm.s32 $0x5CC0;
	v7 =	vmov s8;
	v6 =	vand.u32 $0xFFFFFFFD, v6;
	s9 =	rddreg [dreg:$0xc];
	[sflag:s23] =	ssyncadd.s32 $0xFFFFFFC0  }
0x1e9: {  	v7 =	vand.u32 $0xFFFFFFFC, v7;
	v6 =	vbroadcast v6, $0x0;
	[tilespmem:s16], [sflag:$0x5] =	stream.linear.gather [spmem:s9], $0x40, $0x38;
	[tilespmem:$0x16600] =	vst v63  }
0x1ea: {  	s18 =	simm.s32 $0x6;
	v7 =	vbroadcast v7, $0x0;
	_ =	swait.ge [sflag:s23], $0x40  }
0x1eb: {  	s19 =	simm.s32 $0x3;
	v8 =	vmov s18;
	s4 =	simm.s32 $0x5;
	[sflag:s23] =	ssyncset.done $0x0  }
0x1ec: {  	s20 =	simm.s32 $0x4;
	v9 =	vmov s19;
	v8 =	vand.u32 $0xFFFFFFFE, v8;
	v10 =	vmov s4;
	[sflag:s23] =	ssyncadd.s32 $0xFFFFFFC0  }
0x1ed: {  	v11 =	vmov s20;
	v8 =	vbroadcast v8, $0x0;
	v10 =	vand.u32 $0xFFFFFFFD, v10;
	v12 =	vld.idx.msk [tilespmem:v5+s1+$0x0], $0xffff  }
0x1ee: {  	v10 =	vbroadcast v10, $0x0;
	v5 =	vand.u32 $0xFFFFFFFC, v11  }
0x1ef: {  	v11 =	vld.idx.msk [tilespmem:v6+s1+$0x0], $0xffff;
	v13 =	vbroadcast v5, $0x0  }
0x1f0: {  	v14 =	vld.idx.msk [tilespmem:v7+s1+$0x0], $0xffff  }
0x1f1: {  	s22 =	simm.s32 $0xA;
	s31 =	simm.s32 $0x7;
	s0 =	simm.s32 $0x5D20  }
0x1f2: {  	s30 =	simm.s32 $0x8;
	s5 =	simm.s32 $0x9;
	v6 =	vmov s22;
	v5 =	vld.idx.msk [tilespmem:v9+s1+$0x0], $0xffff;
	[tilespmem:s0+$0x0] =	vst v12;
	v12 =	vmov s31  }
0x1f3: {  	v15 =	vmov s30;
	v7 =	vmov s5;
	v9 =	vand.u32 $0xFFFFFFFE, v6;
	v6 =	vld.idx.msk [tilespmem:v8+s1+$0x0], $0xffff  }
0x1f4: {  	v16 =	vand.u32 $0xFFFFFFFD, v7;
	v7 =	vld.idx.msk [tilespmem:v10+s1+$0x0], $0xffff;
	v8 =	vbroadcast v9, $0x0;
	v9 =	vand.u32 $0xFFFFFFFC, v15;
	[tilespmem:s0+$0xFFFFFFF0] =	vst v11  }
0x1f5: {  	s3 =	simm.s32 $0xC;
	s4 =	simm.s32 $0xB;
	v10 =	vbroadcast v16, $0x0;
	v9 =	vbroadcast v9, $0x0;
	[tilespmem:s0+$0xFFFFFFE0] =	vst v14;
	v11 =	vld.idx.msk [tilespmem:v13+s1+$0x0], $0xffff  }
.LBB2_44:
0x1f6: {  	s5 =	sadd.s32 $0x2, s3  }
0x1f7: {  	p1 =	slt.u32 s3, $0x7C;
	[tilespmem:s0+$0x10] =	vst v5;
	v5 =	vld.idx.msk [tilespmem:v12+s1+$0x0], $0xffff;
	s6 =	smov.u32 s3;
	s3 =	sadd.s32 $0x4, s3  }
.Ltmp24:
0x1f8: {  	v12 =	vmov s4;
	s7 =	sadd.s32 $0x1, s6;
	v13 =	vmov s5;
	(pc) =	sbr.rel @p1 .LBB2_44-.Ltmp24, $4  }
0x1f9: {  	s0 =	sadd.s32 $0x40, s0;
	v14 =	vmov s7;
	v13 =	vand.u32 $0xFFFFFFFE, v13  }
0x1fa: {  	v15 =	vmov s6;
	v14 =	vand.u32 $0xFFFFFFFD, v14;
	[tilespmem:s0+$0x0] =	vst v6;
	v6 =	vld.idx.msk [tilespmem:v8+s1+$0x0], $0xffff;
	v8 =	vbroadcast v13, $0x0  }
0x1fb: {  	v13 =	vand.u32 $0xFFFFFFFC, v15;
	[tilespmem:s0+$0xFFFFFFF0] =	vst v7;
	v7 =	vld.idx.msk [tilespmem:v10+s1+$0x0], $0xffff;
	v10 =	vbroadcast v14, $0x0  }
0x1fc: {  	s4 =	sadd.s32 $0x3, s6;
	[tilespmem:s0+$0xFFFFFFE0] =	vst v11;
	v11 =	vld.idx.msk [tilespmem:v9+s1+$0x0], $0xffff;
	v9 =	vbroadcast v13, $0x0  }
0x1fd: {  	_ =	sdelay $0x2  }
0x1fe: {  	v13 =	vmov s4  }
0x1ff: {  	v12 =	vld.idx.msk [tilespmem:v12+s1+$0x0], $0xffff  }
0x200: {  	[tilespmem:s0+$0x10] =	vst v5;
	s19 =	sadd.s32 $0x40, s0;
	v5 =	vld.idx.msk [tilespmem:v8+s1+$0x0], $0xffff  }
0x201: {  	[tilespmem:s19+$0x0] =	vst v6;
	v6 =	vld.idx.msk [tilespmem:v10+s1+$0x0], $0xffff  }
0x202: {  	[tilespmem:s19+$0xFFFFFFF0] =	vst v7;
	v7 =	vld.idx.msk [tilespmem:v9+s1+$0x0], $0xffff  }
0x203: {  	[tilespmem:s19+$0xFFFFFFE0] =	vst v11;
	v8 =	vld.idx.msk [tilespmem:v13+s1+$0x0], $0xffff  }
0x204: {  	s0 =	sadd.s32 $0x40, s19;
	[tilespmem:s19+$0x10] =	vst v12  }
0x205: {  	[tilespmem:s0+$0x0] =	vst v5  }
0x206: {  	[tilespmem:s0+$0xFFFFFFF0] =	vst v6  }
0x207: {  	[tilespmem:s0+$0xFFFFFFE0] =	vst v7  }
0x208: {  	[tilespmem:s0+$0x10] =	vst v8  }
0x209: {  	v5 =	vld [tilespmem:$0x5C00];
	_ =	sdelay $0x4  }
0x20a: {  	v6 =	vshll.u32 v5, $0x4  }
0x20b: {  	v5 =	vand.u32 $0x7, v5;
	v6 =	vand.u32 $0xFFFFFF80, v6  }
0x20c: {  	v5 =	vor.u32 v5, v6  }
0x20d: {  	v6 =	vperm.xlane v5, v2;
	_ =	sdelay $0x1  }
0x20e: {  	v6 =	vadd.s32 v3, v6;
	_ =	sdelay $0x3  }
0x20f: {  	s4 =	simm.s32 $0x0;
	s20 =	simm.s32 $0x6500  }
0x210: {  	[tilespmem:s20], [sflag:$0x1] =	stream.indirect_vreg.gather [hbm4b:s10+s4], $0x80, v6, vm0, $0xb8;
	[tilespmem:$0x16600] =	vst v63  }
0x211: {  	s3 =	simm.s32 $0x6D00;
	s0 =	sadd.s32 $0x100, s10  }
0x212: {  	[tilespmem:s3], [sflag:$0x1] =	stream.indirect_vreg.gather [hbm4b:s0+s4], $0x80, v6, vm0, $0xb8;
	[tilespmem:$0x16600] =	vst v63  }
0x213: {  	s5 =	simm.s32 $0x7500;
	s3 =	sadd.s32 $0x200, s10  }
0x214: {  	[tilespmem:s5], [sflag:$0x1] =	stream.indirect_vreg.gather [hbm4b:s3+s4], $0x80, v6, vm0, $0xb8;
	[tilespmem:$0x16600] =	vst v63  }
0x215: {  	s18 =	sadd.s32 $0x300, s10;
	s22 =	simm.s32 $0x7D00  }
0x216: {  	[tilespmem:s22], [sflag:$0x1] =	stream.indirect_vreg.gather [hbm4b:s18+s4], $0x80, v6, vm0, $0xb8;
	[tilespmem:$0x16600] =	vst v63  }
0x217: {  	s30 =	simm.s32 $0x8500;
	s19 =	sadd.s32 $0x400, s10  }
0x218: {  	[tilespmem:s30], [sflag:$0x1] =	stream.indirect_vreg.gather [hbm4b:s19+s4], $0x80, v6, vm0, $0xb8;
	[tilespmem:$0x16600] =	vst v63  }
0x219: {  	s6 =	simm.s32 $0x8D00;
	v5 =	vperm.xlane v5, v4;
	s20 =	sadd.s32 $0x500, s10  }
0x21a: {  	[tilespmem:s6], [sflag:$0x1] =	stream.indirect_vreg.gather [hbm4b:s20+s4], $0x80, v6, vm0, $0xb8;
	[tilespmem:$0x16600] =	vst v63  }
0x21b: {  	s7 =	simm.s32 $0x9500;
	v5 =	vadd.s32 v3, v5;
	s22 =	sadd.s32 $0x600, s10  }
0x21c: {  	[tilespmem:s7], [sflag:$0x1] =	stream.indirect_vreg.gather [hbm4b:s22+s4], $0x80, v6, vm0, $0xb8;
	[tilespmem:$0x16600] =	vst v63  }
0x21d: {  	s31 =	sadd.s32 $0x700, s10;
	s8 =	simm.s32 $0x9D00  }
0x21e: {  	[tilespmem:s8], [sflag:$0x1] =	stream.indirect_vreg.gather [hbm4b:s31+s4], $0x80, v6, vm0, $0xb8;
	[tilespmem:$0x16600] =	vst v63  }
0x21f: {  	s9 =	simm.s32 $0xA500  }
0x220: {  	[tilespmem:s9], [sflag:$0x1] =	stream.indirect_vreg.gather [hbm4b:s10+s4], $0x80, v5, vm0, $0xb8;
	[tilespmem:$0x16600] =	vst v63  }
0x221: {  	s16 =	simm.s32 $0xAD00  }
0x222: {  	[tilespmem:s16], [sflag:$0x1] =	stream.indirect_vreg.gather [hbm4b:s0+s4], $0x80, v5, vm0, $0xb8;
	[tilespmem:$0x16600] =	vst v63  }
0x223: {  	s30 =	simm.s32 $0xB500  }
0x224: {  	[tilespmem:s30], [sflag:$0x1] =	stream.indirect_vreg.gather [hbm4b:s3+s4], $0x80, v5, vm0, $0xb8;
	[tilespmem:$0x16600] =	vst v63  }
0x225: {  	s6 =	simm.s32 $0xBD00  }
0x226: {  	[tilespmem:s6], [sflag:$0x1] =	stream.indirect_vreg.gather [hbm4b:s18+s4], $0x80, v5, vm0, $0xb8;
	[tilespmem:$0x16600] =	vst v63  }
0x227: {  	s7 =	simm.s32 $0xC500  }
0x228: {  	[tilespmem:s7], [sflag:$0x1] =	stream.indirect_vreg.gather [hbm4b:s19+s4], $0x80, v5, vm0, $0xb8;
	[tilespmem:$0x16600] =	vst v63  }
0x229: {  	s8 =	simm.s32 $0xCD00  }
0x22a: {  	[tilespmem:s8], [sflag:$0x1] =	stream.indirect_vreg.gather [hbm4b:s20+s4], $0x80, v5, vm0, $0xb8;
	[tilespmem:$0x16600] =	vst v63  }
0x22b: {  	s9 =	simm.s32 $0xD500  }
0x22c: {  	[tilespmem:s9], [sflag:$0x1] =	stream.indirect_vreg.gather [hbm4b:s22+s4], $0x80, v5, vm0, $0xb8;
	[tilespmem:$0x16600] =	vst v63  }
0x22d: {  	s16 =	simm.s32 $0xDD00  }
0x22e: {  	[tilespmem:s16], [sflag:$0x1] =	stream.indirect_vreg.gather [hbm4b:s31+s4], $0x80, v5, vm0, $0xb8;
	[tilespmem:$0x16600] =	vst v63  }
0x22f: {  	v5 =	vld [tilespmem:$0x5C10];
	_ =	sdelay $0x4  }
0x230: {  	v6 =	vshll.u32 v5, $0x4  }
0x231: {  	v5 =	vand.u32 $0x7, v5;
	v6 =	vand.u32 $0xFFFFFF80, v6  }
0x232: {  	v5 =	vor.u32 v5, v6  }
0x233: {  	v6 =	vperm.xlane v5, v2;
	_ =	sdelay $0x1  }
0x234: {  	v6 =	vadd.s32 v3, v6;
	_ =	sdelay $0x4  }
0x235: {  	[tilespmem:s21], [sflag:$0x2] =	stream.indirect_vreg.gather [hbm4b:s10+s4], $0x80, v6, vm0, $0xb8;
	[tilespmem:$0x16600] =	vst v63  }
0x236: {  	s21 =	simm.s32 $0xED00  }
0x237: {  	[tilespmem:s21], [sflag:$0x2] =	stream.indirect_vreg.gather [hbm4b:s0+s4], $0x80, v6, vm0, $0xb8;
	[tilespmem:$0x16600] =	vst v63  }
0x238: {  	s30 =	simm.s32 $0xF500  }
0x239: {  	[tilespmem:s30], [sflag:$0x2] =	stream.indirect_vreg.gather [hbm4b:s3+s4], $0x80, v6, vm0, $0xb8;
	[tilespmem:$0x16600] =	vst v63  }
0x23a: {  	s6 =	simm.s32 $0xFD00  }
0x23b: {  	[tilespmem:s6], [sflag:$0x2] =	stream.indirect_vreg.gather [hbm4b:s18+s4], $0x80, v6, vm0, $0xb8;
	[tilespmem:$0x16600] =	vst v63  }
0x23c: {  	s7 =	simm.s32 $0x10500  }
0x23d: {  	[tilespmem:s7], [sflag:$0x2] =	stream.indirect_vreg.gather [hbm4b:s19+s4], $0x80, v6, vm0, $0xb8;
	[tilespmem:$0x16600] =	vst v63  }
0x23e: {  	s8 =	simm.s32 $0x10D00;
	v5 =	vperm.xlane v5, v4  }
0x23f: {  	[tilespmem:s8], [sflag:$0x2] =	stream.indirect_vreg.gather [hbm4b:s20+s4], $0x80, v6, vm0, $0xb8;
	[tilespmem:$0x16600] =	vst v63  }
0x240: {  	s9 =	simm.s32 $0x11500;
	v5 =	vadd.s32 v3, v5  }
0x241: {  	[tilespmem:s9], [sflag:$0x2] =	stream.indirect_vreg.gather [hbm4b:s22+s4], $0x80, v6, vm0, $0xb8;
	[tilespmem:$0x16600] =	vst v63  }
0x242: {  	s16 =	simm.s32 $0x11D00  }
0x243: {  	[tilespmem:s16], [sflag:$0x2] =	stream.indirect_vreg.gather [hbm4b:s31+s4], $0x80, v6, vm0, $0xb8;
	[tilespmem:$0x16600] =	vst v63  }
0x244: {  	s21 =	simm.s32 $0x12500  }
0x245: {  	[tilespmem:s21], [sflag:$0x2] =	stream.indirect_vreg.gather [hbm4b:s10+s4], $0x80, v5, vm0, $0xb8;
	[tilespmem:$0x16600] =	vst v63  }
0x246: {  	s30 =	simm.s32 $0x12D00  }
0x247: {  	[tilespmem:s30], [sflag:$0x2] =	stream.indirect_vreg.gather [hbm4b:s0+s4], $0x80, v5, vm0, $0xb8;
	[tilespmem:$0x16600] =	vst v63  }
0x248: {  	s6 =	simm.s32 $0x13500  }
0x249: {  	[tilespmem:s6], [sflag:$0x2] =	stream.indirect_vreg.gather [hbm4b:s3+s4], $0x80, v5, vm0, $0xb8;
	[tilespmem:$0x16600] =	vst v63  }
0x24a: {  	s7 =	simm.s32 $0x13D00  }
0x24b: {  	[tilespmem:s7], [sflag:$0x2] =	stream.indirect_vreg.gather [hbm4b:s18+s4], $0x80, v5, vm0, $0xb8;
	[tilespmem:$0x16600] =	vst v63  }
0x24c: {  	s8 =	simm.s32 $0x14500  }
0x24d: {  	[tilespmem:s8], [sflag:$0x2] =	stream.indirect_vreg.gather [hbm4b:s19+s4], $0x80, v5, vm0, $0xb8;
	[tilespmem:$0x16600] =	vst v63  }
0x24e: {  	s9 =	simm.s32 $0x14D00  }
0x24f: {  	[tilespmem:s9], [sflag:$0x2] =	stream.indirect_vreg.gather [hbm4b:s20+s4], $0x80, v5, vm0, $0xb8;
	[tilespmem:$0x16600] =	vst v63  }
0x250: {  	s16 =	simm.s32 $0x15500  }
0x251: {  	[tilespmem:s16], [sflag:$0x2] =	stream.indirect_vreg.gather [hbm4b:s22+s4], $0x80, v5, vm0, $0xb8;
	[tilespmem:$0x16600] =	vst v63  }
0x252: {  	s5 =	simm.s32 $0x0;
	s21 =	simm.s32 $0x15D00  }
0x253: {  	[tilespmem:s21], [sflag:$0x2] =	stream.indirect_vreg.gather [hbm4b:s31+s4], $0x80, v5, vm0, $0xb8;
	[tilespmem:$0x16600] =	vst v63  }
0x254: {  	s30 =	sand.u32 $0x380, s5;
	_ =	swait.ge [sflag:s11], $0x8000  }
0x255: {  	s6 =	sand.u32 $0x4000, s4;
	s7 =	sand.u32 $0x3C00, s4;
	[sflag:s11] =	ssyncset.done $0x0  }
0x256: {  	s6 =	sor.u32 s7, s6;
	s4 =	sand.u32 $0xF0, s4;
	[sflag:s11] =	ssyncadd.s32 $0xFFFF8000  }
0x257: {  	v5 =	vld [tilespmem:s4+$0x5D00];
	s4 =	sor.u32 s30, s6  }
0x258: {  	v11 =	vld [tilespmem:s4+$0x6570]  }
0x259: {  	v10 =	vld [tilespmem:s4+$0x6500]  }
0x25a: {  	v9 =	vld [tilespmem:s4+$0x6510]  }
0x25b: {  	v8 =	vld [tilespmem:s4+$0x6520]  }
0x25c: {  	v7 =	vld [tilespmem:s4+$0x6530]  }
0x25d: {  	s7 =	simm.s32 $0x1;
	s21 =	simm.s32 $0x400;
	s6 =	simm.s32 $0x80;
	v6 =	vld [tilespmem:s4+$0x6540];
	v11 =	vmul.f32 v11, v5  }
.LBB2_46:
0x25e: {  	s5 =	sadd.s32 $0x8, s5;
	s8 =	sand.u32 $0x4000, s6;
	s9 =	sand.u32 $0x3C00, s21;
	v10 =	vmul.f32 v10, v5;
	v12 =	vld [tilespmem:s4+$0x6550]  }
0x25f: {  	s30 =	sand.u32 $0xF0, s7;
	s16 =	sand.u32 $0x380, s5;
	s8 =	sor.u32 s9, s8;
	v9 =	vmul.f32 v9, v5;
	v13 =	vld [tilespmem:s4+$0x6560];
	[tilespmem:s4+$0x6570] =	vst v11  }
0x260: {  	p1 =	slt.u32 s5, $0x7F8;
	s9 =	smov.u32 s4;
	v11 =	vld [tilespmem:s30+$0x5D00];
	[tilespmem:s4+$0x6500] =	vst v10;
	v8 =	vmul.f32 v8, v5;
	s4 =	sor.u32 s16, s8  }
0x261: {  	v14 =	vld [tilespmem:s4+$0x6570];
	[tilespmem:s9+$0x6510] =	vst v9;
	v7 =	vmul.f32 v7, v5  }
.Ltmp25:
0x262: {  	v10 =	vld [tilespmem:s4+$0x6500];
	[tilespmem:s9+$0x6520] =	vst v8;
	v6 =	vmul.f32 v6, v5;
	(pc) =	sbr.rel @p1 .LBB2_46-.Ltmp25, $4  }
0x263: {  	v9 =	vld [tilespmem:s4+$0x6510];
	[tilespmem:s9+$0x6530] =	vst v7;
	v12 =	vmul.f32 v12, v5  }
0x264: {  	v8 =	vld [tilespmem:s4+$0x6520];
	[tilespmem:s9+$0x6540] =	vst v6;
	v13 =	vmul.f32 v13, v5  }
0x265: {  	v7 =	vld [tilespmem:s4+$0x6530];
	[tilespmem:s9+$0x6550] =	vst v12;
	v5 =	vmov v11  }
0x266: {  	s21 =	sadd.s32 $0x400, s21;
	s6 =	sadd.s32 $0x80, s6;
	s7 =	sadd.s32 $0x1, s7;
	v6 =	vld [tilespmem:s4+$0x6540];
	v11 =	vmul.f32 v14, v5;
	[tilespmem:s9+$0x6560] =	vst v13  }
0x267: {  	v10 =	vmul.f32 v10, v5;
	v12 =	vld [tilespmem:s4+$0x6550]  }
0x268: {  	v13 =	vld [tilespmem:s4+$0x6560];
	v9 =	vmul.f32 v9, v5;
	[tilespmem:s4+$0x6570] =	vst v11  }
0x269: {  	[tilespmem:s4+$0x6500] =	vst v10;
	v8 =	vmul.f32 v8, v5  }
0x26a: {  	[tilespmem:s4+$0x6510] =	vst v9;
	v7 =	vmul.f32 v7, v5  }
0x26b: {  	[tilespmem:s4+$0x6520] =	vst v8;
	v6 =	vmul.f32 v6, v5  }
0x26c: {  	[tilespmem:s4+$0x6530] =	vst v7;
	v7 =	vmul.f32 v12, v5  }
0x26d: {  	v5 =	vmul.f32 v13, v5;
	[tilespmem:s4+$0x6540] =	vst v6  }
0x26e: {  	[tilespmem:s4+$0x6550] =	vst v7  }
0x26f: {  	[tilespmem:s4+$0x6560] =	vst v5  }
0x270: {  	s6 =	simm.s32 $0x6500;
	s4 =	simm.s32 $0x0;
	s5 =	rddreg [dreg:$0xd]  }
0x271: {  	[hbm4b:s5+s4] =	stream.linear.scatter [tilespmem:s6], [sflag:$0x3], $0x8000, $0x38;
	[tilespmem:$0x16600] =	vst v63  }
0x272: {  	_ =	swait.ge [sflag:s12], $0x8000  }
0x273: {  	[sflag:s12] =	ssyncset.done $0x0  }
0x274: {  	[sflag:s12] =	ssyncadd.s32 $0xFFFF8000  }
0x275: {  	v5 =	vld [tilespmem:$0x5C20];
	_ =	sdelay $0x4  }
0x276: {  	v6 =	vshll.u32 v5, $0x4  }
0x277: {  	v5 =	vand.u32 $0x7, v5;
	v6 =	vand.u32 $0xFFFFFF80, v6  }
0x278: {  	v5 =	vor.u32 v5, v6  }
0x279: {  	v6 =	vperm.xlane v5, v2;
	_ =	sdelay $0x1  }
0x27a: {  	v6 =	vadd.s32 v3, v6;
	_ =	sdelay $0x4  }
0x27b: {  	[tilespmem:s6], [sflag:$0x1] =	stream.indirect_vreg.gather [hbm4b:s10+s4], $0x80, v6, vm0, $0xb8;
	[tilespmem:$0x16600] =	vst v63  }
0x27c: {  	s21 =	simm.s32 $0x6D00  }
0x27d: {  	[tilespmem:s21], [sflag:$0x1] =	stream.indirect_vreg.gather [hbm4b:s0+s4], $0x80, v6, vm0, $0xb8;
	[tilespmem:$0x16600] =	vst v63  }
0x27e: {  	s30 =	simm.s32 $0x7500  }
0x27f: {  	[tilespmem:s30], [sflag:$0x1] =	stream.indirect_vreg.gather [hbm4b:s3+s4], $0x80, v6, vm0, $0xb8;
	[tilespmem:$0x16600] =	vst v63  }
0x280: {  	s6 =	simm.s32 $0x7D00  }
0x281: {  	[tilespmem:s6], [sflag:$0x1] =	stream.indirect_vreg.gather [hbm4b:s18+s4], $0x80, v6, vm0, $0xb8;
	[tilespmem:$0x16600] =	vst v63  }
0x282: {  	s7 =	simm.s32 $0x8500  }
0x283: {  	[tilespmem:s7], [sflag:$0x1] =	stream.indirect_vreg.gather [hbm4b:s19+s4], $0x80, v6, vm0, $0xb8;
	[tilespmem:$0x16600] =	vst v63  }
0x284: {  	s8 =	simm.s32 $0x8D00;
	v5 =	vperm.xlane v5, v4  }
0x285: {  	[tilespmem:s8], [sflag:$0x1] =	stream.indirect_vreg.gather [hbm4b:s20+s4], $0x80, v6, vm0, $0xb8;
	[tilespmem:$0x16600] =	vst v63  }
0x286: {  	s9 =	simm.s32 $0x9500;
	v5 =	vadd.s32 v3, v5  }
0x287: {  	[tilespmem:s9], [sflag:$0x1] =	stream.indirect_vreg.gather [hbm4b:s22+s4], $0x80, v6, vm0, $0xb8;
	[tilespmem:$0x16600] =	vst v63  }
0x288: {  	s16 =	simm.s32 $0x9D00  }
0x289: {  	[tilespmem:s16], [sflag:$0x1] =	stream.indirect_vreg.gather [hbm4b:s31+s4], $0x80, v6, vm0, $0xb8;
	[tilespmem:$0x16600] =	vst v63  }
0x28a: {  	s21 =	simm.s32 $0xA500  }
0x28b: {  	[tilespmem:s21], [sflag:$0x1] =	stream.indirect_vreg.gather [hbm4b:s10+s4], $0x80, v5, vm0, $0xb8;
	[tilespmem:$0x16600] =	vst v63  }
0x28c: {  	s30 =	simm.s32 $0xAD00  }
0x28d: {  	[tilespmem:s30], [sflag:$0x1] =	stream.indirect_vreg.gather [hbm4b:s0+s4], $0x80, v5, vm0, $0xb8;
	[tilespmem:$0x16600] =	vst v63  }
0x28e: {  	s6 =	simm.s32 $0xB500  }
0x28f: {  	[tilespmem:s6], [sflag:$0x1] =	stream.indirect_vreg.gather [hbm4b:s3+s4], $0x80, v5, vm0, $0xb8;
	[tilespmem:$0x16600] =	vst v63  }
0x290: {  	s7 =	simm.s32 $0xBD00  }
0x291: {  	[tilespmem:s7], [sflag:$0x1] =	stream.indirect_vreg.gather [hbm4b:s18+s4], $0x80, v5, vm0, $0xb8;
	[tilespmem:$0x16600] =	vst v63  }
0x292: {  	s8 =	simm.s32 $0xC500  }
0x293: {  	[tilespmem:s8], [sflag:$0x1] =	stream.indirect_vreg.gather [hbm4b:s19+s4], $0x80, v5, vm0, $0xb8;
	[tilespmem:$0x16600] =	vst v63  }
0x294: {  	s9 =	simm.s32 $0xCD00  }
0x295: {  	[tilespmem:s9], [sflag:$0x1] =	stream.indirect_vreg.gather [hbm4b:s20+s4], $0x80, v5, vm0, $0xb8;
	[tilespmem:$0x16600] =	vst v63  }
0x296: {  	s16 =	simm.s32 $0xD500  }
0x297: {  	[tilespmem:s16], [sflag:$0x1] =	stream.indirect_vreg.gather [hbm4b:s22+s4], $0x80, v5, vm0, $0xb8;
	[tilespmem:$0x16600] =	vst v63  }
0x298: {  	s21 =	simm.s32 $0xDD00  }
0x299: {  	[tilespmem:s21], [sflag:$0x1] =	stream.indirect_vreg.gather [hbm4b:s31+s4], $0x80, v5, vm0, $0xb8;
	[tilespmem:$0x16600] =	vst v63  }
0x29a: {  	s30 =	sand.u32 $0x4000, s4;
	s7 =	sand.u32 $0x3C00, s4;
	_ =	swait.ge [sflag:s13], $0x8000  }
0x29b: {  	s5 =	simm.s32 $0x0;
	s6 =	sor.u32 s7, s30;
	[sflag:s13] =	ssyncset.done $0x0  }
0x29c: {  	s8 =	sand.u32 $0x380, s5;
	s4 =	sand.u32 $0xF0, s4;
	[sflag:s13] =	ssyncadd.s32 $0xFFFF8000  }
0x29d: {  	v5 =	vld [tilespmem:s4+$0x5E00];
	s4 =	sor.u32 s8, s6  }
0x29e: {  	v11 =	vld [tilespmem:s4+$0xE570]  }
0x29f: {  	v10 =	vld [tilespmem:s4+$0xE500]  }
0x2a0: {  	v9 =	vld [tilespmem:s4+$0xE510]  }
0x2a1: {  	v8 =	vld [tilespmem:s4+$0xE520]  }
0x2a2: {  	v7 =	vld [tilespmem:s4+$0xE530]  }
0x2a3: {  	s7 =	simm.s32 $0x1;
	s21 =	simm.s32 $0x400;
	s6 =	simm.s32 $0x80;
	v6 =	vld [tilespmem:s4+$0xE540];
	v11 =	vmul.f32 v11, v5  }
.LBB2_48:
0x2a4: {  	s5 =	sadd.s32 $0x8, s5;
	s8 =	sand.u32 $0x4000, s6;
	s9 =	sand.u32 $0x3C00, s21;
	v10 =	vmul.f32 v10, v5;
	v12 =	vld [tilespmem:s4+$0xE550]  }
0x2a5: {  	s16 =	sand.u32 $0xF0, s7;
	s30 =	sand.u32 $0x380, s5;
	s8 =	sor.u32 s9, s8;
	v9 =	vmul.f32 v9, v5;
	v13 =	vld [tilespmem:s4+$0xE560];
	[tilespmem:s4+$0xE570] =	vst v11  }
0x2a6: {  	p1 =	slt.u32 s5, $0x7F8;
	s9 =	smov.u32 s4;
	v11 =	vld [tilespmem:s16+$0x5E00];
	[tilespmem:s4+$0xE500] =	vst v10;
	v8 =	vmul.f32 v8, v5;
	s4 =	sor.u32 s30, s8  }
0x2a7: {  	v14 =	vld [tilespmem:s4+$0xE570];
	[tilespmem:s9+$0xE510] =	vst v9;
	v7 =	vmul.f32 v7, v5  }
.Ltmp26:
0x2a8: {  	v10 =	vld [tilespmem:s4+$0xE500];
	[tilespmem:s9+$0xE520] =	vst v8;
	v6 =	vmul.f32 v6, v5;
	(pc) =	sbr.rel @p1 .LBB2_48-.Ltmp26, $4  }
0x2a9: {  	v9 =	vld [tilespmem:s4+$0xE510];
	[tilespmem:s9+$0xE530] =	vst v7;
	v12 =	vmul.f32 v12, v5  }
0x2aa: {  	v8 =	vld [tilespmem:s4+$0xE520];
	[tilespmem:s9+$0xE540] =	vst v6;
	v13 =	vmul.f32 v13, v5  }
0x2ab: {  	v7 =	vld [tilespmem:s4+$0xE530];
	[tilespmem:s9+$0xE550] =	vst v12;
	v5 =	vmov v11  }
0x2ac: {  	s21 =	sadd.s32 $0x400, s21;
	s6 =	sadd.s32 $0x80, s6;
	s7 =	sadd.s32 $0x1, s7;
	v6 =	vld [tilespmem:s4+$0xE540];
	v11 =	vmul.f32 v14, v5;
	[tilespmem:s9+$0xE560] =	vst v13  }
0x2ad: {  	v10 =	vmul.f32 v10, v5;
	v12 =	vld [tilespmem:s4+$0xE550]  }
0x2ae: {  	v13 =	vld [tilespmem:s4+$0xE560];
	v9 =	vmul.f32 v9, v5;
	[tilespmem:s4+$0xE570] =	vst v11  }
0x2af: {  	[tilespmem:s4+$0xE500] =	vst v10;
	v8 =	vmul.f32 v8, v5  }
0x2b0: {  	[tilespmem:s4+$0xE510] =	vst v9;
	v7 =	vmul.f32 v7, v5  }
0x2b1: {  	[tilespmem:s4+$0xE520] =	vst v8;
	v6 =	vmul.f32 v6, v5  }
0x2b2: {  	[tilespmem:s4+$0xE530] =	vst v7;
	v7 =	vmul.f32 v12, v5  }
0x2b3: {  	v5 =	vmul.f32 v13, v5;
	[tilespmem:s4+$0xE540] =	vst v6  }
0x2b4: {  	[tilespmem:s4+$0xE550] =	vst v7  }
0x2b5: {  	[tilespmem:s4+$0xE560] =	vst v5  }
0x2b6: {  	s6 =	simm.s32 $0xE500;
	s4 =	simm.s32 $0x0;
	s5 =	rddreg [dreg:$0xe]  }
0x2b7: {  	[hbm4b:s5+s4] =	stream.linear.scatter [tilespmem:s6], [sflag:$0x4], $0x8000, $0x38;
	[tilespmem:$0x16600] =	vst v63  }
0x2b8: {  	_ =	swait.ge [sflag:s15], $0x8000  }
0x2b9: {  	[sflag:s15] =	ssyncset.done $0x0  }
0x2ba: {  	[sflag:s15] =	ssyncadd.s32 $0xFFFF8000  }
0x2bb: {  	v5 =	vld [tilespmem:$0x5C30];
	_ =	sdelay $0x4  }
0x2bc: {  	v6 =	vshll.u32 v5, $0x4  }
0x2bd: {  	v5 =	vand.u32 $0x7, v5;
	v6 =	vand.u32 $0xFFFFFF80, v6  }
0x2be: {  	v5 =	vor.u32 v5, v6  }
0x2bf: {  	v6 =	vperm.xlane v5, v2;
	_ =	sdelay $0x1  }
0x2c0: {  	v6 =	vadd.s32 v3, v6;
	_ =	sdelay $0x4  }
0x2c1: {  	[tilespmem:s6], [sflag:$0x2] =	stream.indirect_vreg.gather [hbm4b:s10+s4], $0x80, v6, vm0, $0xb8;
	[tilespmem:$0x16600] =	vst v63  }
0x2c2: {  	s7 =	simm.s32 $0xED00  }
0x2c3: {  	[tilespmem:s7], [sflag:$0x2] =	stream.indirect_vreg.gather [hbm4b:s0+s4], $0x80, v6, vm0, $0xb8;
	[tilespmem:$0x16600] =	vst v63  }
0x2c4: {  	s8 =	simm.s32 $0xF500  }
0x2c5: {  	[tilespmem:s8], [sflag:$0x2] =	stream.indirect_vreg.gather [hbm4b:s3+s4], $0x80, v6, vm0, $0xb8;
	[tilespmem:$0x16600] =	vst v63  }
0x2c6: {  	s9 =	simm.s32 $0xFD00  }
0x2c7: {  	[tilespmem:s9], [sflag:$0x2] =	stream.indirect_vreg.gather [hbm4b:s18+s4], $0x80, v6, vm0, $0xb8;
	[tilespmem:$0x16600] =	vst v63  }
0x2c8: {  	s16 =	simm.s32 $0x10500  }
0x2c9: {  	[tilespmem:s16], [sflag:$0x2] =	stream.indirect_vreg.gather [hbm4b:s19+s4], $0x80, v6, vm0, $0xb8;
	[tilespmem:$0x16600] =	vst v63  }
0x2ca: {  	s21 =	simm.s32 $0x10D00;
	v5 =	vperm.xlane v5, v4  }
0x2cb: {  	[tilespmem:s21], [sflag:$0x2] =	stream.indirect_vreg.gather [hbm4b:s20+s4], $0x80, v6, vm0, $0xb8;
	[tilespmem:$0x16600] =	vst v63  }
0x2cc: {  	s30 =	simm.s32 $0x11500;
	v5 =	vadd.s32 v3, v5  }
0x2cd: {  	[tilespmem:s30], [sflag:$0x2] =	stream.indirect_vreg.gather [hbm4b:s22+s4], $0x80, v6, vm0, $0xb8;
	[tilespmem:$0x16600] =	vst v63  }
0x2ce: {  	s6 =	simm.s32 $0x11D00  }
0x2cf: {  	[tilespmem:s6], [sflag:$0x2] =	stream.indirect_vreg.gather [hbm4b:s31+s4], $0x80, v6, vm0, $0xb8;
	[tilespmem:$0x16600] =	vst v63  }
0x2d0: {  	s7 =	simm.s32 $0x12500  }
0x2d1: {  	[tilespmem:s7], [sflag:$0x2] =	stream.indirect_vreg.gather [hbm4b:s10+s4], $0x80, v5, vm0, $0xb8;
	[tilespmem:$0x16600] =	vst v63  }
0x2d2: {  	s8 =	simm.s32 $0x12D00  }
0x2d3: {  	[tilespmem:s8], [sflag:$0x2] =	stream.indirect_vreg.gather [hbm4b:s0+s4], $0x80, v5, vm0, $0xb8;
	[tilespmem:$0x16600] =	vst v63  }
0x2d4: {  	s9 =	simm.s32 $0x13500  }
0x2d5: {  	[tilespmem:s9], [sflag:$0x2] =	stream.indirect_vreg.gather [hbm4b:s3+s4], $0x80, v5, vm0, $0xb8;
	[tilespmem:$0x16600] =	vst v63  }
0x2d6: {  	s16 =	simm.s32 $0x13D00  }
0x2d7: {  	[tilespmem:s16], [sflag:$0x2] =	stream.indirect_vreg.gather [hbm4b:s18+s4], $0x80, v5, vm0, $0xb8;
	[tilespmem:$0x16600] =	vst v63  }
0x2d8: {  	s18 =	simm.s32 $0x14500  }
0x2d9: {  	[tilespmem:s18], [sflag:$0x2] =	stream.indirect_vreg.gather [hbm4b:s19+s4], $0x80, v5, vm0, $0xb8;
	[tilespmem:$0x16600] =	vst v63  }
0x2da: {  	s19 =	simm.s32 $0x14D00  }
0x2db: {  	[tilespmem:s19], [sflag:$0x2] =	stream.indirect_vreg.gather [hbm4b:s20+s4], $0x80, v5, vm0, $0xb8;
	[tilespmem:$0x16600] =	vst v63  }
0x2dc: {  	s20 =	simm.s32 $0x15500  }
0x2dd: {  	[tilespmem:s20], [sflag:$0x2] =	stream.indirect_vreg.gather [hbm4b:s22+s4], $0x80, v5, vm0, $0xb8;
	[tilespmem:$0x16600] =	vst v63  }
0x2de: {  	s21 =	simm.s32 $0x15D00  }
0x2df: {  	[tilespmem:s21], [sflag:$0x2] =	stream.indirect_vreg.gather [hbm4b:s31+s4], $0x80, v5, vm0, $0xb8;
	[tilespmem:$0x16600] =	vst v63  }
0x2e0: {  	s30 =	sand.u32 $0x3C00, s4;
	s22 =	sand.u32 $0x4000, s4;
	_ =	swait.ge [sflag:s11], $0x8000  }
0x2e1: {  	s3 =	simm.s32 $0x0;
	s0 =	sor.u32 s30, s22;
	[sflag:s11] =	ssyncset.done $0x0  }
0x2e2: {  	s4 =	sand.u32 $0xF0, s4;
	s31 =	sand.u32 $0x380, s3;
	[sflag:s11] =	ssyncadd.s32 $0xFFFF8000  }
0x2e3: {  	s0 =	sor.u32 s31, s0;
	v5 =	vld [tilespmem:s4+$0x5F00]  }
0x2e4: {  	v11 =	vld [tilespmem:s0+$0x6570]  }
0x2e5: {  	v10 =	vld [tilespmem:s0+$0x6500]  }
0x2e6: {  	v9 =	vld [tilespmem:s0+$0x6510]  }
0x2e7: {  	v8 =	vld [tilespmem:s0+$0x6520]  }
0x2e8: {  	v7 =	vld [tilespmem:s0+$0x6530]  }
0x2e9: {  	s5 =	simm.s32 $0x80;
	s6 =	simm.s32 $0x1;
	v6 =	vld [tilespmem:s0+$0x6540];
	s4 =	simm.s32 $0x400;
	v11 =	vmul.f32 v11, v5  }
.LBB2_50:
0x2ea: {  	s3 =	sadd.s32 $0x8, s3;
	s7 =	sand.u32 $0x4000, s5;
	s8 =	sand.u32 $0x3C00, s4;
	v10 =	vmul.f32 v10, v5;
	v12 =	vld [tilespmem:s0+$0x6550]  }
0x2eb: {  	s9 =	sand.u32 $0xF0, s6;
	s16 =	sand.u32 $0x380, s3;
	s7 =	sor.u32 s8, s7;
	v9 =	vmul.f32 v9, v5;
	v13 =	vld [tilespmem:s0+$0x6560];
	[tilespmem:s0+$0x6570] =	vst v11  }
0x2ec: {  	p1 =	slt.u32 s3, $0x7F8;
	s8 =	smov.u32 s0;
	v11 =	vld [tilespmem:s9+$0x5F00];
	[tilespmem:s0+$0x6500] =	vst v10;
	v8 =	vmul.f32 v8, v5;
	s0 =	sor.u32 s16, s7  }
0x2ed: {  	v14 =	vld [tilespmem:s0+$0x6570];
	[tilespmem:s8+$0x6510] =	vst v9;
	v7 =	vmul.f32 v7, v5  }
.Ltmp27:
0x2ee: {  	v10 =	vld [tilespmem:s0+$0x6500];
	[tilespmem:s8+$0x6520] =	vst v8;
	v6 =	vmul.f32 v6, v5;
	(pc) =	sbr.rel @p1 .LBB2_50-.Ltmp27, $4  }
0x2ef: {  	v9 =	vld [tilespmem:s0+$0x6510];
	[tilespmem:s8+$0x6530] =	vst v7;
	v12 =	vmul.f32 v12, v5  }
0x2f0: {  	v8 =	vld [tilespmem:s0+$0x6520];
	[tilespmem:s8+$0x6540] =	vst v6;
	v13 =	vmul.f32 v13, v5  }
0x2f1: {  	v7 =	vld [tilespmem:s0+$0x6530];
	[tilespmem:s8+$0x6550] =	vst v12;
	v5 =	vmov v11  }
0x2f2: {  	s4 =	sadd.s32 $0x400, s4;
	s5 =	sadd.s32 $0x80, s5;
	s6 =	sadd.s32 $0x1, s6;
	v6 =	vld [tilespmem:s0+$0x6540];
	v11 =	vmul.f32 v14, v5;
	[tilespmem:s8+$0x6560] =	vst v13  }
0x2f3: {  	v10 =	vmul.f32 v10, v5;
	v12 =	vld [tilespmem:s0+$0x6550]  }
0x2f4: {  	v13 =	vld [tilespmem:s0+$0x6560];
	v9 =	vmul.f32 v9, v5;
	[tilespmem:s0+$0x6570] =	vst v11  }
0x2f5: {  	[tilespmem:s0+$0x6500] =	vst v10;
	v8 =	vmul.f32 v8, v5  }
0x2f6: {  	[tilespmem:s0+$0x6510] =	vst v9;
	v7 =	vmul.f32 v7, v5  }
0x2f7: {  	[tilespmem:s0+$0x6520] =	vst v8;
	v6 =	vmul.f32 v6, v5  }
0x2f8: {  	[tilespmem:s0+$0x6530] =	vst v7;
	v7 =	vmul.f32 v12, v5  }
0x2f9: {  	v5 =	vmul.f32 v13, v5;
	[tilespmem:s0+$0x6540] =	vst v6  }
0x2fa: {  	[tilespmem:s0+$0x6550] =	vst v7  }
0x2fb: {  	[tilespmem:s0+$0x6560] =	vst v5  }
0x2fc: {  	s4 =	simm.s32 $0x0;
	s3 =	simm.s32 $0x6500;
	s0 =	rddreg [dreg:$0xf]  }
0x2fd: {  	[hbm4b:s0+s4] =	stream.linear.scatter [tilespmem:s3], [sflag:$0x3], $0x8000, $0x38;
	[tilespmem:$0x16600] =	vst v63  }
0x2fe: {  	_ =	swait.ge [sflag:s12], $0x8000  }
0x2ff: {  	[sflag:s12] =	ssyncset.done $0x0  }
0x300: {  	[sflag:s12] =	ssyncadd.s32 $0xFFFF8000  }
0x301: {  	v5 =	vld [tilespmem:$0x5C40];
	_ =	sdelay $0x4  }
0x302: {  	v6 =	vshll.u32 v5, $0x4  }
0x303: {  	v5 =	vand.u32 $0x7, v5;
	v6 =	vand.u32 $0xFFFFFF80, v6  }
0x304: {  	v5 =	vor.u32 v5, v6  }
0x305: {  	v6 =	vperm.xlane v5, v2;
	_ =	sdelay $0x1  }
0x306: {  	v6 =	vadd.s32 v3, v6;
	_ =	sdelay $0x4  }
0x307: {  	[tilespmem:s3], [sflag:$0x1] =	stream.indirect_vreg.gather [hbm4b:s14+s4], $0x80, v6, vm0, $0xb8;
	[tilespmem:$0x16600] =	vst v63  }
0x308: {  	s18 =	sadd.s32 $0x100, s14;
	s6 =	simm.s32 $0x6D00  }
0x309: {  	[tilespmem:s6], [sflag:$0x1] =	stream.indirect_vreg.gather [hbm4b:s18+s4], $0x80, v6, vm0, $0xb8;
	[tilespmem:$0x16600] =	vst v63  }
0x30a: {  	s19 =	sadd.s32 $0x200, s14;
	s7 =	simm.s32 $0x7500  }
0x30b: {  	[tilespmem:s7], [sflag:$0x1] =	stream.indirect_vreg.gather [hbm4b:s19+s4], $0x80, v6, vm0, $0xb8;
	[tilespmem:$0x16600] =	vst v63  }
0x30c: {  	s20 =	sadd.s32 $0x300, s14;
	s8 =	simm.s32 $0x7D00  }
0x30d: {  	[tilespmem:s8], [sflag:$0x1] =	stream.indirect_vreg.gather [hbm4b:s20+s4], $0x80, v6, vm0, $0xb8;
	[tilespmem:$0x16600] =	vst v63  }
0x30e: {  	s9 =	simm.s32 $0x8500;
	s0 =	sadd.s32 $0x400, s14  }
0x30f: {  	[tilespmem:s9], [sflag:$0x1] =	stream.indirect_vreg.gather [hbm4b:s0+s4], $0x80, v6, vm0, $0xb8;
	[tilespmem:$0x16600] =	vst v63  }
0x310: {  	s5 =	simm.s32 $0x8D00;
	v5 =	vperm.xlane v5, v4;
	s3 =	sadd.s32 $0x500, s14  }
0x311: {  	[tilespmem:s5], [sflag:$0x1] =	stream.indirect_vreg.gather [hbm4b:s3+s4], $0x80, v6, vm0, $0xb8;
	[tilespmem:$0x16600] =	vst v63  }
0x312: {  	s22 =	sadd.s32 $0x600, s14;
	s16 =	simm.s32 $0x9500;
	v5 =	vadd.s32 v3, v5  }
0x313: {  	[tilespmem:s16], [sflag:$0x1] =	stream.indirect_vreg.gather [hbm4b:s22+s4], $0x80, v6, vm0, $0xb8;
	[tilespmem:$0x16600] =	vst v63  }
0x314: {  	s31 =	sadd.s32 $0x700, s14;
	s21 =	simm.s32 $0x9D00  }
0x315: {  	[tilespmem:s21], [sflag:$0x1] =	stream.indirect_vreg.gather [hbm4b:s31+s4], $0x80, v6, vm0, $0xb8;
	[tilespmem:$0x16600] =	vst v63  }
0x316: {  	s30 =	simm.s32 $0xA500  }
0x317: {  	[tilespmem:s30], [sflag:$0x1] =	stream.indirect_vreg.gather [hbm4b:s14+s4], $0x80, v5, vm0, $0xb8;
	[tilespmem:$0x16600] =	vst v63  }
0x318: {  	s6 =	simm.s32 $0xAD00  }
0x319: {  	[tilespmem:s6], [sflag:$0x1] =	stream.indirect_vreg.gather [hbm4b:s18+s4], $0x80, v5, vm0, $0xb8;
	[tilespmem:$0x16600] =	vst v63  }
0x31a: {  	s7 =	simm.s32 $0xB500  }
0x31b: {  	[tilespmem:s7], [sflag:$0x1] =	stream.indirect_vreg.gather [hbm4b:s19+s4], $0x80, v5, vm0, $0xb8;
	[tilespmem:$0x16600] =	vst v63  }
0x31c: {  	s8 =	simm.s32 $0xBD00  }
0x31d: {  	[tilespmem:s8], [sflag:$0x1] =	stream.indirect_vreg.gather [hbm4b:s20+s4], $0x80, v5, vm0, $0xb8;
	[tilespmem:$0x16600] =	vst v63  }
0x31e: {  	s9 =	simm.s32 $0xC500  }
0x31f: {  	[tilespmem:s9], [sflag:$0x1] =	stream.indirect_vreg.gather [hbm4b:s0+s4], $0x80, v5, vm0, $0xb8;
	[tilespmem:$0x16600] =	vst v63  }
0x320: {  	s16 =	simm.s32 $0xCD00  }
0x321: {  	[tilespmem:s16], [sflag:$0x1] =	stream.indirect_vreg.gather [hbm4b:s3+s4], $0x80, v5, vm0, $0xb8;
	[tilespmem:$0x16600] =	vst v63  }
0x322: {  	s21 =	simm.s32 $0xD500  }
0x323: {  	[tilespmem:s21], [sflag:$0x1] =	stream.indirect_vreg.gather [hbm4b:s22+s4], $0x80, v5, vm0, $0xb8;
	[tilespmem:$0x16600] =	vst v63  }
0x324: {  	s30 =	simm.s32 $0xDD00  }
0x325: {  	[tilespmem:s30], [sflag:$0x1] =	stream.indirect_vreg.gather [hbm4b:s31+s4], $0x80, v5, vm0, $0xb8;
	[tilespmem:$0x16600] =	vst v63  }
0x326: {  	s6 =	sand.u32 $0x4000, s4;
	s7 =	sand.u32 $0x3C00, s4;
	_ =	swait.ge [sflag:s13], $0x8000  }
0x327: {  	s5 =	simm.s32 $0x0;
	s6 =	sor.u32 s7, s6;
	[sflag:s13] =	ssyncset.done $0x0  }
0x328: {  	s8 =	sand.u32 $0x380, s5;
	s4 =	sand.u32 $0xF0, s4;
	[sflag:s13] =	ssyncadd.s32 $0xFFFF8000  }
0x329: {  	v5 =	vld [tilespmem:s4+$0x6000];
	s4 =	sor.u32 s8, s6  }
0x32a: {  	v11 =	vld [tilespmem:s4+$0xE570]  }
0x32b: {  	v10 =	vld [tilespmem:s4+$0xE500]  }
0x32c: {  	v9 =	vld [tilespmem:s4+$0xE510]  }
0x32d: {  	v8 =	vld [tilespmem:s4+$0xE520]  }
0x32e: {  	v7 =	vld [tilespmem:s4+$0xE530]  }
0x32f: {  	s7 =	simm.s32 $0x1;
	s21 =	simm.s32 $0x400;
	s6 =	simm.s32 $0x80;
	v6 =	vld [tilespmem:s4+$0xE540];
	v11 =	vmul.f32 v11, v5  }
.LBB2_52:
0x330: {  	s5 =	sadd.s32 $0x8, s5;
	s8 =	sand.u32 $0x4000, s6;
	s9 =	sand.u32 $0x3C00, s21;
	v10 =	vmul.f32 v10, v5;
	v12 =	vld [tilespmem:s4+$0xE550]  }
0x331: {  	s16 =	sand.u32 $0xF0, s7;
	s30 =	sand.u32 $0x380, s5;
	s8 =	sor.u32 s9, s8;
	v9 =	vmul.f32 v9, v5;
	v13 =	vld [tilespmem:s4+$0xE560];
	[tilespmem:s4+$0xE570] =	vst v11  }
0x332: {  	p1 =	slt.u32 s5, $0x7F8;
	s9 =	smov.u32 s4;
	v11 =	vld [tilespmem:s16+$0x6000];
	[tilespmem:s4+$0xE500] =	vst v10;
	v8 =	vmul.f32 v8, v5;
	s4 =	sor.u32 s30, s8  }
0x333: {  	v14 =	vld [tilespmem:s4+$0xE570];
	[tilespmem:s9+$0xE510] =	vst v9;
	v7 =	vmul.f32 v7, v5  }
.Ltmp28:
0x334: {  	v10 =	vld [tilespmem:s4+$0xE500];
	[tilespmem:s9+$0xE520] =	vst v8;
	v6 =	vmul.f32 v6, v5;
	(pc) =	sbr.rel @p1 .LBB2_52-.Ltmp28, $4  }
0x335: {  	v9 =	vld [tilespmem:s4+$0xE510];
	[tilespmem:s9+$0xE530] =	vst v7;
	v12 =	vmul.f32 v12, v5  }
0x336: {  	v8 =	vld [tilespmem:s4+$0xE520];
	[tilespmem:s9+$0xE540] =	vst v6;
	v13 =	vmul.f32 v13, v5  }
0x337: {  	v7 =	vld [tilespmem:s4+$0xE530];
	[tilespmem:s9+$0xE550] =	vst v12;
	v5 =	vmov v11  }
0x338: {  	s21 =	sadd.s32 $0x400, s21;
	s6 =	sadd.s32 $0x80, s6;
	s7 =	sadd.s32 $0x1, s7;
	v6 =	vld [tilespmem:s4+$0xE540];
	v11 =	vmul.f32 v14, v5;
	[tilespmem:s9+$0xE560] =	vst v13  }
0x339: {  	v10 =	vmul.f32 v10, v5;
	v12 =	vld [tilespmem:s4+$0xE550]  }
0x33a: {  	v13 =	vld [tilespmem:s4+$0xE560];
	v9 =	vmul.f32 v9, v5;
	[tilespmem:s4+$0xE570] =	vst v11  }
0x33b: {  	[tilespmem:s4+$0xE500] =	vst v10;
	v8 =	vmul.f32 v8, v5  }
0x33c: {  	[tilespmem:s4+$0xE510] =	vst v9;
	v7 =	vmul.f32 v7, v5  }
0x33d: {  	[tilespmem:s4+$0xE520] =	vst v8;
	v6 =	vmul.f32 v6, v5  }
0x33e: {  	[tilespmem:s4+$0xE530] =	vst v7;
	v7 =	vmul.f32 v12, v5  }
0x33f: {  	v5 =	vmul.f32 v13, v5;
	[tilespmem:s4+$0xE540] =	vst v6  }
0x340: {  	[tilespmem:s4+$0xE550] =	vst v7  }
0x341: {  	[tilespmem:s4+$0xE560] =	vst v5  }
0x342: {  	s6 =	simm.s32 $0xE500;
	s4 =	simm.s32 $0x0;
	s5 =	rddreg [dreg:$0x10]  }
0x343: {  	[hbm4b:s5+s4] =	stream.linear.scatter [tilespmem:s6], [sflag:$0x4], $0x8000, $0x38;
	[tilespmem:$0x16600] =	vst v63  }
0x344: {  	_ =	swait.ge [sflag:s15], $0x8000  }
0x345: {  	[sflag:s15] =	ssyncset.done $0x0  }
0x346: {  	[sflag:s15] =	ssyncadd.s32 $0xFFFF8000  }
0x347: {  	v5 =	vld [tilespmem:$0x5C50];
	_ =	sdelay $0x4  }
0x348: {  	v6 =	vshll.u32 v5, $0x4  }
0x349: {  	v5 =	vand.u32 $0x7, v5;
	v6 =	vand.u32 $0xFFFFFF80, v6  }
0x34a: {  	v5 =	vor.u32 v5, v6  }
0x34b: {  	v6 =	vperm.xlane v5, v2;
	_ =	sdelay $0x1  }
0x34c: {  	v6 =	vadd.s32 v3, v6;
	_ =	sdelay $0x4  }
0x34d: {  	[tilespmem:s6], [sflag:$0x2] =	stream.indirect_vreg.gather [hbm4b:s14+s4], $0x80, v6, vm0, $0xb8;
	[tilespmem:$0x16600] =	vst v63  }
0x34e: {  	s21 =	simm.s32 $0xED00  }
0x34f: {  	[tilespmem:s21], [sflag:$0x2] =	stream.indirect_vreg.gather [hbm4b:s18+s4], $0x80, v6, vm0, $0xb8;
	[tilespmem:$0x16600] =	vst v63  }
0x350: {  	s30 =	simm.s32 $0xF500  }
0x351: {  	[tilespmem:s30], [sflag:$0x2] =	stream.indirect_vreg.gather [hbm4b:s19+s4], $0x80, v6, vm0, $0xb8;
	[tilespmem:$0x16600] =	vst v63  }
0x352: {  	s6 =	simm.s32 $0xFD00  }
0x353: {  	[tilespmem:s6], [sflag:$0x2] =	stream.indirect_vreg.gather [hbm4b:s20+s4], $0x80, v6, vm0, $0xb8;
	[tilespmem:$0x16600] =	vst v63  }
0x354: {  	s7 =	simm.s32 $0x10500  }
0x355: {  	[tilespmem:s7], [sflag:$0x2] =	stream.indirect_vreg.gather [hbm4b:s0+s4], $0x80, v6, vm0, $0xb8;
	[tilespmem:$0x16600] =	vst v63  }
0x356: {  	s8 =	simm.s32 $0x10D00;
	v5 =	vperm.xlane v5, v4  }
0x357: {  	[tilespmem:s8], [sflag:$0x2] =	stream.indirect_vreg.gather [hbm4b:s3+s4], $0x80, v6, vm0, $0xb8;
	[tilespmem:$0x16600] =	vst v63  }
0x358: {  	s9 =	simm.s32 $0x11500;
	v5 =	vadd.s32 v3, v5  }
0x359: {  	[tilespmem:s9], [sflag:$0x2] =	stream.indirect_vreg.gather [hbm4b:s22+s4], $0x80, v6, vm0, $0xb8;
	[tilespmem:$0x16600] =	vst v63  }
0x35a: {  	s16 =	simm.s32 $0x11D00  }
0x35b: {  	[tilespmem:s16], [sflag:$0x2] =	stream.indirect_vreg.gather [hbm4b:s31+s4], $0x80, v6, vm0, $0xb8;
	[tilespmem:$0x16600] =	vst v63  }
0x35c: {  	s21 =	simm.s32 $0x12500  }
0x35d: {  	[tilespmem:s21], [sflag:$0x2] =	stream.indirect_vreg.gather [hbm4b:s14+s4], $0x80, v5, vm0, $0xb8;
	[tilespmem:$0x16600] =	vst v63  }
0x35e: {  	s30 =	simm.s32 $0x12D00  }
0x35f: {  	[tilespmem:s30], [sflag:$0x2] =	stream.indirect_vreg.gather [hbm4b:s18+s4], $0x80, v5, vm0, $0xb8;
	[tilespmem:$0x16600] =	vst v63  }
0x360: {  	s6 =	simm.s32 $0x13500  }
0x361: {  	[tilespmem:s6], [sflag:$0x2] =	stream.indirect_vreg.gather [hbm4b:s19+s4], $0x80, v5, vm0, $0xb8;
	[tilespmem:$0x16600] =	vst v63  }
0x362: {  	s7 =	simm.s32 $0x13D00  }
0x363: {  	[tilespmem:s7], [sflag:$0x2] =	stream.indirect_vreg.gather [hbm4b:s20+s4], $0x80, v5, vm0, $0xb8;
	[tilespmem:$0x16600] =	vst v63  }
0x364: {  	s8 =	simm.s32 $0x14500  }
0x365: {  	[tilespmem:s8], [sflag:$0x2] =	stream.indirect_vreg.gather [hbm4b:s0+s4], $0x80, v5, vm0, $0xb8;
	[tilespmem:$0x16600] =	vst v63  }
0x366: {  	s9 =	simm.s32 $0x14D00  }
0x367: {  	[tilespmem:s9], [sflag:$0x2] =	stream.indirect_vreg.gather [hbm4b:s3+s4], $0x80, v5, vm0, $0xb8;
	[tilespmem:$0x16600] =	vst v63  }
0x368: {  	s16 =	simm.s32 $0x15500  }
0x369: {  	[tilespmem:s16], [sflag:$0x2] =	stream.indirect_vreg.gather [hbm4b:s22+s4], $0x80, v5, vm0, $0xb8;
	[tilespmem:$0x16600] =	vst v63  }
0x36a: {  	s21 =	simm.s32 $0x15D00  }
0x36b: {  	[tilespmem:s21], [sflag:$0x2] =	stream.indirect_vreg.gather [hbm4b:s31+s4], $0x80, v5, vm0, $0xb8;
	[tilespmem:$0x16600] =	vst v63  }
0x36c: {  	s30 =	sand.u32 $0x4000, s4;
	s7 =	sand.u32 $0x3C00, s4;
	_ =	swait.ge [sflag:s11], $0x8000  }
0x36d: {  	s5 =	simm.s32 $0x0;
	s6 =	sor.u32 s7, s30;
	[sflag:s11] =	ssyncset.done $0x0  }
0x36e: {  	s8 =	sand.u32 $0x380, s5;
	s4 =	sand.u32 $0xF0, s4;
	[sflag:s11] =	ssyncadd.s32 $0xFFFF8000  }
0x36f: {  	v5 =	vld [tilespmem:s4+$0x6100];
	s4 =	sor.u32 s8, s6  }
0x370: {  	v11 =	vld [tilespmem:s4+$0x6570]  }
0x371: {  	v10 =	vld [tilespmem:s4+$0x6500]  }
0x372: {  	v9 =	vld [tilespmem:s4+$0x6510]  }
0x373: {  	v8 =	vld [tilespmem:s4+$0x6520]  }
0x374: {  	v7 =	vld [tilespmem:s4+$0x6530]  }
0x375: {  	s7 =	simm.s32 $0x1;
	s21 =	simm.s32 $0x400;
	s6 =	simm.s32 $0x80;
	v6 =	vld [tilespmem:s4+$0x6540];
	v11 =	vmul.f32 v11, v5  }
.LBB2_54:
0x376: {  	s5 =	sadd.s32 $0x8, s5;
	s8 =	sand.u32 $0x4000, s6;
	s9 =	sand.u32 $0x3C00, s21;
	v10 =	vmul.f32 v10, v5;
	v12 =	vld [tilespmem:s4+$0x6550]  }
0x377: {  	s16 =	sand.u32 $0xF0, s7;
	s30 =	sand.u32 $0x380, s5;
	s8 =	sor.u32 s9, s8;
	v9 =	vmul.f32 v9, v5;
	v13 =	vld [tilespmem:s4+$0x6560];
	[tilespmem:s4+$0x6570] =	vst v11  }
0x378: {  	p1 =	slt.u32 s5, $0x7F8;
	s9 =	smov.u32 s4;
	v11 =	vld [tilespmem:s16+$0x6100];
	[tilespmem:s4+$0x6500] =	vst v10;
	v8 =	vmul.f32 v8, v5;
	s4 =	sor.u32 s30, s8  }
0x379: {  	v14 =	vld [tilespmem:s4+$0x6570];
	[tilespmem:s9+$0x6510] =	vst v9;
	v7 =	vmul.f32 v7, v5  }
.Ltmp29:
0x37a: {  	v10 =	vld [tilespmem:s4+$0x6500];
	[tilespmem:s9+$0x6520] =	vst v8;
	v6 =	vmul.f32 v6, v5;
	(pc) =	sbr.rel @p1 .LBB2_54-.Ltmp29, $4  }
0x37b: {  	v9 =	vld [tilespmem:s4+$0x6510];
	[tilespmem:s9+$0x6530] =	vst v7;
	v12 =	vmul.f32 v12, v5  }
0x37c: {  	v8 =	vld [tilespmem:s4+$0x6520];
	[tilespmem:s9+$0x6540] =	vst v6;
	v13 =	vmul.f32 v13, v5  }
0x37d: {  	v7 =	vld [tilespmem:s4+$0x6530];
	[tilespmem:s9+$0x6550] =	vst v12;
	v5 =	vmov v11  }
0x37e: {  	s21 =	sadd.s32 $0x400, s21;
	s6 =	sadd.s32 $0x80, s6;
	s7 =	sadd.s32 $0x1, s7;
	v6 =	vld [tilespmem:s4+$0x6540];
	v11 =	vmul.f32 v14, v5;
	[tilespmem:s9+$0x6560] =	vst v13  }
0x37f: {  	v10 =	vmul.f32 v10, v5;
	v12 =	vld [tilespmem:s4+$0x6550]  }
0x380: {  	v13 =	vld [tilespmem:s4+$0x6560];
	v9 =	vmul.f32 v9, v5;
	[tilespmem:s4+$0x6570] =	vst v11  }
0x381: {  	[tilespmem:s4+$0x6500] =	vst v10;
	v8 =	vmul.f32 v8, v5  }
0x382: {  	[tilespmem:s4+$0x6510] =	vst v9;
	v7 =	vmul.f32 v7, v5  }
0x383: {  	[tilespmem:s4+$0x6520] =	vst v8;
	v6 =	vmul.f32 v6, v5  }
0x384: {  	[tilespmem:s4+$0x6530] =	vst v7;
	v7 =	vmul.f32 v12, v5  }
0x385: {  	v5 =	vmul.f32 v13, v5;
	[tilespmem:s4+$0x6540] =	vst v6  }
0x386: {  	[tilespmem:s4+$0x6550] =	vst v7  }
0x387: {  	[tilespmem:s4+$0x6560] =	vst v5  }
0x388: {  	s6 =	simm.s32 $0x6500;
	s4 =	simm.s32 $0x0;
	s5 =	rddreg [dreg:$0x11]  }
0x389: {  	[hbm4b:s5+s4] =	stream.linear.scatter [tilespmem:s6], [sflag:$0x3], $0x8000, $0x38;
	[tilespmem:$0x16600] =	vst v63  }
0x38a: {  	_ =	swait.ge [sflag:s12], $0x8000  }
0x38b: {  	[sflag:s12] =	ssyncset.done $0x0  }
0x38c: {  	[sflag:s12] =	ssyncadd.s32 $0xFFFF8000  }
0x38d: {  	v5 =	vld [tilespmem:$0x5C60];
	_ =	sdelay $0x4  }
0x38e: {  	v6 =	vshll.u32 v5, $0x4  }
0x38f: {  	v5 =	vand.u32 $0x7, v5;
	v6 =	vand.u32 $0xFFFFFF80, v6  }
0x390: {  	v5 =	vor.u32 v5, v6  }
0x391: {  	v6 =	vperm.xlane v5, v2;
	_ =	sdelay $0x1  }
0x392: {  	v6 =	vadd.s32 v3, v6;
	_ =	sdelay $0x4  }
0x393: {  	[tilespmem:s6], [sflag:$0x1] =	stream.indirect_vreg.gather [hbm4b:s14+s4], $0x80, v6, vm0, $0xb8;
	[tilespmem:$0x16600] =	vst v63  }
0x394: {  	s21 =	simm.s32 $0x6D00  }
0x395: {  	[tilespmem:s21], [sflag:$0x1] =	stream.indirect_vreg.gather [hbm4b:s18+s4], $0x80, v6, vm0, $0xb8;
	[tilespmem:$0x16600] =	vst v63  }
0x396: {  	s30 =	simm.s32 $0x7500  }
0x397: {  	[tilespmem:s30], [sflag:$0x1] =	stream.indirect_vreg.gather [hbm4b:s19+s4], $0x80, v6, vm0, $0xb8;
	[tilespmem:$0x16600] =	vst v63  }
0x398: {  	s6 =	simm.s32 $0x7D00  }
0x399: {  	[tilespmem:s6], [sflag:$0x1] =	stream.indirect_vreg.gather [hbm4b:s20+s4], $0x80, v6, vm0, $0xb8;
	[tilespmem:$0x16600] =	vst v63  }
0x39a: {  	s7 =	simm.s32 $0x8500  }
0x39b: {  	[tilespmem:s7], [sflag:$0x1] =	stream.indirect_vreg.gather [hbm4b:s0+s4], $0x80, v6, vm0, $0xb8;
	[tilespmem:$0x16600] =	vst v63  }
0x39c: {  	s8 =	simm.s32 $0x8D00;
	v5 =	vperm.xlane v5, v4  }
0x39d: {  	[tilespmem:s8], [sflag:$0x1] =	stream.indirect_vreg.gather [hbm4b:s3+s4], $0x80, v6, vm0, $0xb8;
	[tilespmem:$0x16600] =	vst v63  }
0x39e: {  	s9 =	simm.s32 $0x9500;
	v5 =	vadd.s32 v3, v5  }
0x39f: {  	[tilespmem:s9], [sflag:$0x1] =	stream.indirect_vreg.gather [hbm4b:s22+s4], $0x80, v6, vm0, $0xb8;
	[tilespmem:$0x16600] =	vst v63  }
0x3a0: {  	s16 =	simm.s32 $0x9D00  }
0x3a1: {  	[tilespmem:s16], [sflag:$0x1] =	stream.indirect_vreg.gather [hbm4b:s31+s4], $0x80, v6, vm0, $0xb8;
	[tilespmem:$0x16600] =	vst v63  }
0x3a2: {  	s21 =	simm.s32 $0xA500  }
0x3a3: {  	[tilespmem:s21], [sflag:$0x1] =	stream.indirect_vreg.gather [hbm4b:s14+s4], $0x80, v5, vm0, $0xb8;
	[tilespmem:$0x16600] =	vst v63  }
0x3a4: {  	s30 =	simm.s32 $0xAD00  }
0x3a5: {  	[tilespmem:s30], [sflag:$0x1] =	stream.indirect_vreg.gather [hbm4b:s18+s4], $0x80, v5, vm0, $0xb8;
	[tilespmem:$0x16600] =	vst v63  }
0x3a6: {  	s6 =	simm.s32 $0xB500  }
0x3a7: {  	[tilespmem:s6], [sflag:$0x1] =	stream.indirect_vreg.gather [hbm4b:s19+s4], $0x80, v5, vm0, $0xb8;
	[tilespmem:$0x16600] =	vst v63  }
0x3a8: {  	s7 =	simm.s32 $0xBD00  }
0x3a9: {  	[tilespmem:s7], [sflag:$0x1] =	stream.indirect_vreg.gather [hbm4b:s20+s4], $0x80, v5, vm0, $0xb8;
	[tilespmem:$0x16600] =	vst v63  }
0x3aa: {  	s8 =	simm.s32 $0xC500  }
0x3ab: {  	[tilespmem:s8], [sflag:$0x1] =	stream.indirect_vreg.gather [hbm4b:s0+s4], $0x80, v5, vm0, $0xb8;
	[tilespmem:$0x16600] =	vst v63  }
0x3ac: {  	s9 =	simm.s32 $0xCD00  }
0x3ad: {  	[tilespmem:s9], [sflag:$0x1] =	stream.indirect_vreg.gather [hbm4b:s3+s4], $0x80, v5, vm0, $0xb8;
	[tilespmem:$0x16600] =	vst v63  }
0x3ae: {  	s16 =	simm.s32 $0xD500  }
0x3af: {  	[tilespmem:s16], [sflag:$0x1] =	stream.indirect_vreg.gather [hbm4b:s22+s4], $0x80, v5, vm0, $0xb8;
	[tilespmem:$0x16600] =	vst v63  }
0x3b0: {  	s21 =	simm.s32 $0xDD00  }
0x3b1: {  	[tilespmem:s21], [sflag:$0x1] =	stream.indirect_vreg.gather [hbm4b:s31+s4], $0x80, v5, vm0, $0xb8;
	[tilespmem:$0x16600] =	vst v63  }
0x3b2: {  	s30 =	sand.u32 $0x4000, s4;
	s7 =	sand.u32 $0x3C00, s4;
	_ =	swait.ge [sflag:s13], $0x8000  }
0x3b3: {  	s5 =	simm.s32 $0x0;
	s6 =	sor.u32 s7, s30;
	[sflag:s13] =	ssyncset.done $0x0  }
0x3b4: {  	s8 =	sand.u32 $0x380, s5;
	s4 =	sand.u32 $0xF0, s4;
	[sflag:s13] =	ssyncadd.s32 $0xFFFF8000  }
0x3b5: {  	v5 =	vld [tilespmem:s4+$0x6200];
	s4 =	sor.u32 s8, s6  }
0x3b6: {  	v11 =	vld [tilespmem:s4+$0xE570]  }
0x3b7: {  	v10 =	vld [tilespmem:s4+$0xE500]  }
0x3b8: {  	v9 =	vld [tilespmem:s4+$0xE510]  }
0x3b9: {  	v8 =	vld [tilespmem:s4+$0xE520]  }
0x3ba: {  	v7 =	vld [tilespmem:s4+$0xE530]  }
0x3bb: {  	s7 =	simm.s32 $0x1;
	s21 =	simm.s32 $0x400;
	s6 =	simm.s32 $0x80;
	v6 =	vld [tilespmem:s4+$0xE540];
	v11 =	vmul.f32 v11, v5  }
.LBB2_56:
0x3bc: {  	s5 =	sadd.s32 $0x8, s5;
	s8 =	sand.u32 $0x4000, s6;
	s9 =	sand.u32 $0x3C00, s21;
	v10 =	vmul.f32 v10, v5;
	v12 =	vld [tilespmem:s4+$0xE550]  }
0x3bd: {  	s16 =	sand.u32 $0xF0, s7;
	s30 =	sand.u32 $0x380, s5;
	s8 =	sor.u32 s9, s8;
	v9 =	vmul.f32 v9, v5;
	v13 =	vld [tilespmem:s4+$0xE560];
	[tilespmem:s4+$0xE570] =	vst v11  }
0x3be: {  	p1 =	slt.u32 s5, $0x7F8;
	s9 =	smov.u32 s4;
	v11 =	vld [tilespmem:s16+$0x6200];
	[tilespmem:s4+$0xE500] =	vst v10;
	v8 =	vmul.f32 v8, v5;
	s4 =	sor.u32 s30, s8  }
0x3bf: {  	v14 =	vld [tilespmem:s4+$0xE570];
	[tilespmem:s9+$0xE510] =	vst v9;
	v7 =	vmul.f32 v7, v5  }
.Ltmp30:
0x3c0: {  	v10 =	vld [tilespmem:s4+$0xE500];
	[tilespmem:s9+$0xE520] =	vst v8;
	v6 =	vmul.f32 v6, v5;
	(pc) =	sbr.rel @p1 .LBB2_56-.Ltmp30, $4  }
0x3c1: {  	v9 =	vld [tilespmem:s4+$0xE510];
	[tilespmem:s9+$0xE530] =	vst v7;
	v12 =	vmul.f32 v12, v5  }
0x3c2: {  	v8 =	vld [tilespmem:s4+$0xE520];
	[tilespmem:s9+$0xE540] =	vst v6;
	v13 =	vmul.f32 v13, v5  }
0x3c3: {  	v7 =	vld [tilespmem:s4+$0xE530];
	[tilespmem:s9+$0xE550] =	vst v12;
	v5 =	vmov v11  }
0x3c4: {  	s21 =	sadd.s32 $0x400, s21;
	s6 =	sadd.s32 $0x80, s6;
	s7 =	sadd.s32 $0x1, s7;
	v6 =	vld [tilespmem:s4+$0xE540];
	v11 =	vmul.f32 v14, v5;
	[tilespmem:s9+$0xE560] =	vst v13  }
0x3c5: {  	v10 =	vmul.f32 v10, v5;
	v12 =	vld [tilespmem:s4+$0xE550]  }
0x3c6: {  	v13 =	vld [tilespmem:s4+$0xE560];
	v9 =	vmul.f32 v9, v5;
	[tilespmem:s4+$0xE570] =	vst v11  }
0x3c7: {  	[tilespmem:s4+$0xE500] =	vst v10;
	v8 =	vmul.f32 v8, v5  }
0x3c8: {  	[tilespmem:s4+$0xE510] =	vst v9;
	v7 =	vmul.f32 v7, v5  }
0x3c9: {  	[tilespmem:s4+$0xE520] =	vst v8;
	v6 =	vmul.f32 v6, v5  }
0x3ca: {  	[tilespmem:s4+$0xE530] =	vst v7;
	v7 =	vmul.f32 v12, v5  }
0x3cb: {  	v5 =	vmul.f32 v13, v5;
	[tilespmem:s4+$0xE540] =	vst v6  }
0x3cc: {  	[tilespmem:s4+$0xE550] =	vst v7  }
0x3cd: {  	[tilespmem:s4+$0xE560] =	vst v5  }
0x3ce: {  	s6 =	simm.s32 $0xE500;
	s4 =	simm.s32 $0x0;
	s5 =	rddreg [dreg:$0x12]  }
0x3cf: {  	[hbm4b:s5+s4] =	stream.linear.scatter [tilespmem:s6], [sflag:$0x4], $0x8000, $0x38;
	[tilespmem:$0x16600] =	vst v63  }
0x3d0: {  	_ =	swait.ge [sflag:s15], $0x8000  }
0x3d1: {  	[sflag:s15] =	ssyncset.done $0x0  }
0x3d2: {  	[sflag:s15] =	ssyncadd.s32 $0xFFFF8000  }
0x3d3: {  	v5 =	vld [tilespmem:$0x5C70];
	_ =	sdelay $0x4  }
0x3d4: {  	v6 =	vshll.u32 v5, $0x4  }
0x3d5: {  	v5 =	vand.u32 $0x7, v5;
	v6 =	vand.u32 $0xFFFFFF80, v6  }
0x3d6: {  	v5 =	vor.u32 v5, v6  }
0x3d7: {  	v6 =	vperm.xlane v5, v2;
	_ =	sdelay $0x1  }
0x3d8: {  	v6 =	vadd.s32 v3, v6;
	_ =	sdelay $0x4  }
0x3d9: {  	[tilespmem:s6], [sflag:$0x2] =	stream.indirect_vreg.gather [hbm4b:s14+s4], $0x80, v6, vm0, $0xb8;
	[tilespmem:$0x16600] =	vst v63  }
0x3da: {  	s30 =	simm.s32 $0xED00  }
0x3db: {  	[tilespmem:s30], [sflag:$0x2] =	stream.indirect_vreg.gather [hbm4b:s18+s4], $0x80, v6, vm0, $0xb8;
	[tilespmem:$0x16600] =	vst v63  }
0x3dc: {  	s6 =	simm.s32 $0xF500  }
0x3dd: {  	[tilespmem:s6], [sflag:$0x2] =	stream.indirect_vreg.gather [hbm4b:s19+s4], $0x80, v6, vm0, $0xb8;
	[tilespmem:$0x16600] =	vst v63  }
0x3de: {  	s7 =	simm.s32 $0xFD00  }
0x3df: {  	[tilespmem:s7], [sflag:$0x2] =	stream.indirect_vreg.gather [hbm4b:s20+s4], $0x80, v6, vm0, $0xb8;
	[tilespmem:$0x16600] =	vst v63  }
0x3e0: {  	s8 =	simm.s32 $0x10500  }
0x3e1: {  	[tilespmem:s8], [sflag:$0x2] =	stream.indirect_vreg.gather [hbm4b:s0+s4], $0x80, v6, vm0, $0xb8;
	[tilespmem:$0x16600] =	vst v63  }
0x3e2: {  	s9 =	simm.s32 $0x10D00;
	v5 =	vperm.xlane v5, v4  }
0x3e3: {  	[tilespmem:s9], [sflag:$0x2] =	stream.indirect_vreg.gather [hbm4b:s3+s4], $0x80, v6, vm0, $0xb8;
	[tilespmem:$0x16600] =	vst v63  }
0x3e4: {  	s16 =	simm.s32 $0x11500;
	v5 =	vadd.s32 v3, v5  }
0x3e5: {  	[tilespmem:s16], [sflag:$0x2] =	stream.indirect_vreg.gather [hbm4b:s22+s4], $0x80, v6, vm0, $0xb8;
	[tilespmem:$0x16600] =	vst v63  }
0x3e6: {  	s30 =	simm.s32 $0x11D00  }
0x3e7: {  	[tilespmem:s30], [sflag:$0x2] =	stream.indirect_vreg.gather [hbm4b:s31+s4], $0x80, v6, vm0, $0xb8;
	[tilespmem:$0x16600] =	vst v63  }
0x3e8: {  	s6 =	simm.s32 $0x12500  }
0x3e9: {  	[tilespmem:s6], [sflag:$0x2] =	stream.indirect_vreg.gather [hbm4b:s14+s4], $0x80, v5, vm0, $0xb8;
	[tilespmem:$0x16600] =	vst v63  }
0x3ea: {  	s7 =	simm.s32 $0x12D00  }
0x3eb: {  	[tilespmem:s7], [sflag:$0x2] =	stream.indirect_vreg.gather [hbm4b:s18+s4], $0x80, v5, vm0, $0xb8;
	[tilespmem:$0x16600] =	vst v63  }
0x3ec: {  	s8 =	simm.s32 $0x13500  }
0x3ed: {  	[tilespmem:s8], [sflag:$0x2] =	stream.indirect_vreg.gather [hbm4b:s19+s4], $0x80, v5, vm0, $0xb8;
	[tilespmem:$0x16600] =	vst v63  }
0x3ee: {  	s9 =	simm.s32 $0x13D00  }
0x3ef: {  	[tilespmem:s9], [sflag:$0x2] =	stream.indirect_vreg.gather [hbm4b:s20+s4], $0x80, v5, vm0, $0xb8;
	[tilespmem:$0x16600] =	vst v63  }
0x3f0: {  	s16 =	simm.s32 $0x14500  }
0x3f1: {  	[tilespmem:s16], [sflag:$0x2] =	stream.indirect_vreg.gather [hbm4b:s0+s4], $0x80, v5, vm0, $0xb8;
	[tilespmem:$0x16600] =	vst v63  }
0x3f2: {  	s18 =	simm.s32 $0x14D00  }
0x3f3: {  	[tilespmem:s18], [sflag:$0x2] =	stream.indirect_vreg.gather [hbm4b:s3+s4], $0x80, v5, vm0, $0xb8;
	[tilespmem:$0x16600] =	vst v63  }
0x3f4: {  	s19 =	simm.s32 $0x15500  }
0x3f5: {  	[tilespmem:s19], [sflag:$0x2] =	stream.indirect_vreg.gather [hbm4b:s22+s4], $0x80, v5, vm0, $0xb8;
	[tilespmem:$0x16600] =	vst v63  }
0x3f6: {  	s20 =	simm.s32 $0x15D00  }
0x3f7: {  	[tilespmem:s20], [sflag:$0x2] =	stream.indirect_vreg.gather [hbm4b:s31+s4], $0x80, v5, vm0, $0xb8;
	[tilespmem:$0x16600] =	vst v63  }
0x3f8: {  	s30 =	sand.u32 $0x3C00, s4;
	s22 =	sand.u32 $0x4000, s4;
	_ =	swait.ge [sflag:s11], $0x8000  }
0x3f9: {  	s3 =	simm.s32 $0x0;
	s0 =	sor.u32 s30, s22;
	[sflag:s11] =	ssyncset.done $0x0  }
0x3fa: {  	s4 =	sand.u32 $0xF0, s4;
	s31 =	sand.u32 $0x380, s3;
	[sflag:s11] =	ssyncadd.s32 $0xFFFF8000  }
0x3fb: {  	s0 =	sor.u32 s31, s0;
	v5 =	vld [tilespmem:s4+$0x6300]  }
0x3fc: {  	v11 =	vld [tilespmem:s0+$0x6570]  }
0x3fd: {  	v10 =	vld [tilespmem:s0+$0x6500]  }
0x3fe: {  	v9 =	vld [tilespmem:s0+$0x6510]  }
0x3ff: {  	v8 =	vld [tilespmem:s0+$0x6520]  }
0x400: {  	s21 =	simm.s32 $0xE500;
	v7 =	vld [tilespmem:s0+$0x6530]  }
0x401: {  	s5 =	simm.s32 $0x80;
	s6 =	simm.s32 $0x1;
	v6 =	vld [tilespmem:s0+$0x6540];
	s4 =	simm.s32 $0x400;
	v11 =	vmul.f32 v11, v5  }
.LBB2_58:
0x402: {  	s3 =	sadd.s32 $0x8, s3;
	s7 =	sand.u32 $0x4000, s5;
	s8 =	sand.u32 $0x3C00, s4;
	v10 =	vmul.f32 v10, v5;
	v12 =	vld [tilespmem:s0+$0x6550]  }
0x403: {  	s9 =	sand.u32 $0xF0, s6;
	s16 =	sand.u32 $0x380, s3;
	s7 =	sor.u32 s8, s7;
	v9 =	vmul.f32 v9, v5;
	v13 =	vld [tilespmem:s0+$0x6560];
	[tilespmem:s0+$0x6570] =	vst v11  }
0x404: {  	p1 =	slt.u32 s3, $0x7F8;
	s8 =	smov.u32 s0;
	v11 =	vld [tilespmem:s9+$0x6300];
	[tilespmem:s0+$0x6500] =	vst v10;
	v8 =	vmul.f32 v8, v5;
	s0 =	sor.u32 s16, s7  }
0x405: {  	v14 =	vld [tilespmem:s0+$0x6570];
	[tilespmem:s8+$0x6510] =	vst v9;
	v7 =	vmul.f32 v7, v5  }
.Ltmp31:
0x406: {  	v10 =	vld [tilespmem:s0+$0x6500];
	[tilespmem:s8+$0x6520] =	vst v8;
	v6 =	vmul.f32 v6, v5;
	(pc) =	sbr.rel @p1 .LBB2_58-.Ltmp31, $4  }
0x407: {  	v9 =	vld [tilespmem:s0+$0x6510];
	[tilespmem:s8+$0x6530] =	vst v7;
	v12 =	vmul.f32 v12, v5  }
0x408: {  	v8 =	vld [tilespmem:s0+$0x6520];
	[tilespmem:s8+$0x6540] =	vst v6;
	v13 =	vmul.f32 v13, v5  }
0x409: {  	v7 =	vld [tilespmem:s0+$0x6530];
	[tilespmem:s8+$0x6550] =	vst v12;
	v5 =	vmov v11  }
0x40a: {  	s4 =	sadd.s32 $0x400, s4;
	s5 =	sadd.s32 $0x80, s5;
	s6 =	sadd.s32 $0x1, s6;
	v6 =	vld [tilespmem:s0+$0x6540];
	v11 =	vmul.f32 v14, v5;
	[tilespmem:s8+$0x6560] =	vst v13  }
0x40b: {  	v10 =	vmul.f32 v10, v5;
	v12 =	vld [tilespmem:s0+$0x6550]  }
0x40c: {  	v13 =	vld [tilespmem:s0+$0x6560];
	v9 =	vmul.f32 v9, v5;
	[tilespmem:s0+$0x6570] =	vst v11  }
0x40d: {  	[tilespmem:s0+$0x6500] =	vst v10;
	v8 =	vmul.f32 v8, v5  }
0x40e: {  	[tilespmem:s0+$0x6510] =	vst v9;
	v7 =	vmul.f32 v7, v5  }
0x40f: {  	[tilespmem:s0+$0x6520] =	vst v8;
	v6 =	vmul.f32 v6, v5  }
0x410: {  	[tilespmem:s0+$0x6530] =	vst v7;
	v7 =	vmul.f32 v12, v5  }
0x411: {  	v5 =	vmul.f32 v13, v5;
	[tilespmem:s0+$0x6540] =	vst v6  }
0x412: {  	[tilespmem:s0+$0x6550] =	vst v7  }
0x413: {  	[tilespmem:s0+$0x6560] =	vst v5  }
0x414: {  	s30 =	simm.s32 $0x0;
	s4 =	simm.s32 $0x6500;
	s3 =	rddreg [dreg:$0x13]  }
0x415: {  	[hbm4b:s3+s30] =	stream.linear.scatter [tilespmem:s4], [sflag:$0x3], $0x8000, $0x38;
	[tilespmem:$0x16600] =	vst v63  }
0x416: {  	s31 =	sand.u32 $0x4000, s30;
	s5 =	sand.u32 $0x3C00, s30;
	_ =	swait.ge [sflag:s13], $0x8000  }
0x417: {  	s0 =	sand.u32 $0xF0, s30;
	s3 =	simm.s32 $0x0;
	[sflag:s13] =	ssyncset.done $0x0  }
0x418: {  	s4 =	sor.u32 s5, s31;
	s6 =	sand.u32 $0x380, s3;
	[sflag:s13] =	ssyncadd.s32 $0xFFFF8000  }
0x419: {  	v5 =	vld [tilespmem:s0+$0x6400];
	s0 =	sor.u32 s6, s4  }
0x41a: {  	v11 =	vld [tilespmem:s0+$0xE570]  }
0x41b: {  	v10 =	vld [tilespmem:s0+$0xE500]  }
0x41c: {  	v9 =	vld [tilespmem:s0+$0xE510]  }
0x41d: {  	v8 =	vld [tilespmem:s0+$0xE520]  }
0x41e: {  	v7 =	vld [tilespmem:s0+$0xE530]  }
0x41f: {  	s5 =	simm.s32 $0x80;
	s4 =	simm.s32 $0x400;
	s6 =	simm.s32 $0x1;
	v6 =	vld [tilespmem:s0+$0xE540];
	v11 =	vmul.f32 v11, v5  }
.LBB2_60:
0x420: {  	s3 =	sadd.s32 $0x8, s3;
	s7 =	sand.u32 $0x4000, s5;
	s8 =	sand.u32 $0x3C00, s4;
	v10 =	vmul.f32 v10, v5;
	v12 =	vld [tilespmem:s0+$0xE550]  }
0x421: {  	s9 =	sand.u32 $0xF0, s6;
	s16 =	sand.u32 $0x380, s3;
	s7 =	sor.u32 s8, s7;
	v9 =	vmul.f32 v9, v5;
	v13 =	vld [tilespmem:s0+$0xE560];
	[tilespmem:s0+$0xE570] =	vst v11  }
0x422: {  	p1 =	slt.u32 s3, $0x7F8;
	s8 =	smov.u32 s0;
	v11 =	vld [tilespmem:s9+$0x6400];
	[tilespmem:s0+$0xE500] =	vst v10;
	v8 =	vmul.f32 v8, v5;
	s0 =	sor.u32 s16, s7  }
0x423: {  	v14 =	vld [tilespmem:s0+$0xE570];
	[tilespmem:s8+$0xE510] =	vst v9;
	v7 =	vmul.f32 v7, v5  }
.Ltmp32:
0x424: {  	v10 =	vld [tilespmem:s0+$0xE500];
	[tilespmem:s8+$0xE520] =	vst v8;
	v6 =	vmul.f32 v6, v5;
	(pc) =	sbr.rel @p1 .LBB2_60-.Ltmp32, $4  }
0x425: {  	v9 =	vld [tilespmem:s0+$0xE510];
	[tilespmem:s8+$0xE530] =	vst v7;
	v12 =	vmul.f32 v12, v5  }
0x426: {  	v8 =	vld [tilespmem:s0+$0xE520];
	[tilespmem:s8+$0xE540] =	vst v6;
	v13 =	vmul.f32 v13, v5  }
0x427: {  	v7 =	vld [tilespmem:s0+$0xE530];
	[tilespmem:s8+$0xE550] =	vst v12;
	v5 =	vmov v11  }
0x428: {  	s4 =	sadd.s32 $0x400, s4;
	s5 =	sadd.s32 $0x80, s5;
	s6 =	sadd.s32 $0x1, s6;
	v6 =	vld [tilespmem:s0+$0xE540];
	v11 =	vmul.f32 v14, v5;
	[tilespmem:s8+$0xE560] =	vst v13  }
0x429: {  	v10 =	vmul.f32 v10, v5;
	v12 =	vld [tilespmem:s0+$0xE550]  }
0x42a: {  	v13 =	vld [tilespmem:s0+$0xE560];
	v9 =	vmul.f32 v9, v5;
	[tilespmem:s0+$0xE570] =	vst v11  }
0x42b: {  	[tilespmem:s0+$0xE500] =	vst v10;
	v8 =	vmul.f32 v8, v5  }
0x42c: {  	[tilespmem:s0+$0xE510] =	vst v9;
	v7 =	vmul.f32 v7, v5  }
0x42d: {  	[tilespmem:s0+$0xE520] =	vst v8;
	v6 =	vmul.f32 v6, v5  }
0x42e: {  	[tilespmem:s0+$0xE530] =	vst v7;
	v7 =	vmul.f32 v12, v5  }
0x42f: {  	v5 =	vmul.f32 v13, v5;
	[tilespmem:s0+$0xE540] =	vst v6  }
0x430: {  	[tilespmem:s0+$0xE550] =	vst v7  }
0x431: {  	[tilespmem:s0+$0xE560] =	vst v5  }
0x432: {  	s0 =	rddreg [dreg:$0x14]  }
0x433: {  	[hbm4b:s0+s2] =	stream.linear.scatter [tilespmem:s21], [sflag:$0x4], $0x8000, $0x38;
	[tilespmem:$0x16600] =	vst v63  }
0x434: {  	_ =	swait.ge [sflag:s12], $0x8000  }
0x435: {  	[sflag:s12] =	ssyncset.done $0x0  }
0x436: {  	[sflag:s12] =	ssyncadd.s32 $0xFFFF8000  }
0x437: {  	_ =	swait.ge [sflag:s15], $0x8000  }
0x438: {  	s17 =	sadd.s32 $0x1, s17;
	s31 =	rddreg [dreg:$0x15]  }
0x439: {  	p1 =	sne.s32 s17, s31  }
.Ltmp33:
0x43a: {  	_ = 	snop;
	(pc) =	sbr.rel @p1 .LBB2_1-.Ltmp33, $3  }
0x43b: {  	_ =	sdelay $0x1  }
0x43c: {  	[sflag:s15] =	ssyncset.done $0x0  }
0x43d: {  	[sflag:s15] =	ssyncadd.s32 $0xFFFF8000  }
0x43e: {  	_ =	sfence.sel $0x180000  }
0x43f: {  	[bflag:$0x0] =	sbarrier.arrive $0xFFFF  }
0x440: {  	_ =	strace $0x90000047  }
0x441: {  	s0 =	stileid.u32;
	[bflag:$0x2] =	sbarrier.arrive $0xFFFF  }
0x442: {  	p0 =	sne.s32 s0, $0x0;
	s0 =	rddreg [dreg:$0x5]  }
0x443: {  	s0 =	sadd.s32 @!p0 $0x100000, s0  }
0x444: {  	[sflag:s0] =	ssyncadd.tile.s32 @!p0 $0x1;
	_ =	shalt  }
.Lfunc_end2:
_tile_overlayer_lowered:
.L_overlay_start_2:
0x445: {  	(tag) =	ssettag $0x2  }
0x446: {  	s0 =	rddreg [dreg:$0x0];
	s2 =	stileid.u32  }
0x447: {  	s1 =	rddreg [dreg:$0x1];
	p0 =	sne.s32 s2, $0x0  }
0x448: {  	s3 =	rddreg [dreg:$0x2];
	[bflag:$0x3] =	sbarrier.arrive $0xFFFF;
	s2 =	simm.s32 @!p0 $0x1C05  }
0x449: {  	[timem:s3], [sflag:s2] =	dma.local @!p0 [hbm:s0], s1  }
0x44a: {  	s0 =	simm.s32 @!p0 $0x5  }
0x44b: {  	_ =	swait.ge @!p0 [sflag:s0], s1  }
0x44c: {  	s1 =	ssub.s32 @!p0 $0x0, s1;
	[sflag:s0] =	ssyncset.done @!p0 $0x0  }
0x44d: {  	[sflag:s0] =	ssyncadd.s32 @!p0 s1  }
0x44e: {  	[bflag:$0x3] =	sbarrier.arrive $0xFFFF  }
0x44f: {  	_ =	shalt  }

</sc_bundles>
